<compile_context>
chip_gen: v7x
topology: tpu7x:2x2x1
jax: 0.10.2.dev20260603
libtpu: 0.0.44.dev20260713+nightly
codegen_flags: <defaults>
</compile_context>

<pallas_src>
import functools

import jax
import jax.numpy as jnp
from jax import lax
from jax.experimental import pallas as pl
from jax.experimental.pallas import tpu as pltpu
from jax.experimental.pallas import tpu_sc as plsc

B, N, E = 4, 2048, 65536
EMBED, HID, OUT, L = 512, 256, 512, 4

RB = 512
EB = 2048
CHK = 128
NSC, NTILE = 2, 16
GPC = B // NSC
EPW = GPC * E // NTILE
RPW = GPC * N // NTILE


def _silu(x):
    return x * jax.nn.sigmoid(x)


def _stage1_body(resf, cf, embp, w1a, w1b, b1, w2, b2, wmt0, h_out, ndp_out):
    oh = (resf[:, :] == lax.broadcasted_iota(jnp.int32, (RB, 32), 1))
    oh = oh.astype(jnp.float32)
    re = jnp.dot(oh, embp[:, :], preferred_element_type=jnp.float32)
    x1 = (jnp.dot(re, w1a[:, :], preferred_element_type=jnp.float32)
          + jnp.dot(cf[:, :], w1b[:, :], preferred_element_type=jnp.float32)
          + b1[:, :])
    h1 = _silu(x1)
    h2 = _silu(jnp.dot(h1, w2[:, :], preferred_element_type=jnp.float32)
               + b2[:, :])
    h_out[:, :] = h2
    ndp_out[:, :] = jnp.dot(h2, wmt0[:, :], preferred_element_type=jnp.float32)


def _stage1(resf, cf, embp, w1a, w1b, b1, w2, b2, wmt0):
    nblk = (B * N) // RB
    full = lambda shape: pl.BlockSpec(shape, lambda i: tuple(0 for _ in shape))
    return pl.pallas_call(
        _stage1_body,
        grid=(nblk,),
        in_specs=[
            pl.BlockSpec((RB, 1), lambda i: (i, 0)),
            pl.BlockSpec((RB, 16), lambda i: (i, 0)),
            full((32, EMBED)),
            full((EMBED, HID)),
            full((16, HID)),
            full((1, HID)),
            full((HID, HID)),
            full((1, HID)),
            full((HID, HID)),
        ],
        out_specs=[
            pl.BlockSpec((RB, HID), lambda i: (i, 0)),
            pl.BlockSpec((RB, HID), lambda i: (i, 0)),
        ],
        out_shape=[
            jax.ShapeDtypeStruct((B * N, HID), jnp.float32),
            jax.ShapeDtypeStruct((B * N, HID), jnp.float32),
        ],
    )(resf, cf, embp, w1a, w1b, b1, w2, b2, wmt0)


def _stage2_body(d, we1, be1, we2, be2, ef_out):
    z = _silu(d[:, :] * we1[:, :] + be1[:, :])
    ef_out[:, :] = _silu(jnp.dot(z, we2[:, :],
                                 preferred_element_type=jnp.float32)
                         + be2[:, :])


def _stage2(dflat, we1, be1, we2, be2):
    nblk = (B * E) // EB
    full = lambda shape: pl.BlockSpec(shape, lambda i: tuple(0 for _ in shape))
    return pl.pallas_call(
        _stage2_body,
        grid=(nblk,),
        in_specs=[
            pl.BlockSpec((EB, 1), lambda i: (i, 0)),
            full((1, 128)),
            full((1, 128)),
            full((128, HID)),
            full((1, HID)),
        ],
        out_specs=pl.BlockSpec((EB, HID), lambda i: (i, 0)),
        out_shape=jax.ShapeDtypeStruct((B * E, HID), jnp.float32),
    )(dflat, we1, be1, we2, be2)


@functools.cache
def _make_sc_gather():
    mesh = plsc.VectorSubcoreMesh(core_axis_name="c", subcore_axis_name="s")

    @functools.partial(
        pl.kernel,
        mesh=mesh,
        out_type=jax.ShapeDtypeStruct((B * E, HID), jnp.float32),
        scratch_types=[
            pltpu.VMEM((CHK,), jnp.int32),
            pltpu.VMEM((CHK,), jnp.int32),
            pltpu.VMEM((CHK, HID), jnp.float32),
            pltpu.VMEM((CHK, HID), jnp.float32),
            pltpu.SemaphoreType.DMA,
            pltpu.SemaphoreType.DMA,
            pltpu.SemaphoreType.DMA,
            pltpu.SemaphoreType.DMA,
            pltpu.SemaphoreType.DMA,
            pltpu.SemaphoreType.DMA,
        ],
    )
    def gather_k(ndp_hbm, srcg_hbm, sf_hbm, idx0, idx1, rows0, rows1,
                 si0, si1, sg0, sg1, sw0, sw1):
        c = lax.axis_index("c")
        s = lax.axis_index("s")
        base = c * (GPC * E) + s * EPW
        nchunk = EPW // CHK
        idx = (idx0, idx1)
        rows = (rows0, rows1)
        sem_i = (si0, si1)
        sem_g = (sg0, sg1)
        sem_w = (sw0, sw1)

        pltpu.async_copy(srcg_hbm.at[pl.ds(base, CHK)], idx0, si0)
        pltpu.async_copy(srcg_hbm.at[pl.ds(base + CHK, CHK)], idx1, si1)
        pltpu.make_async_copy(srcg_hbm.at[pl.ds(0, CHK)], idx0, si0).wait()
        pltpu.async_copy(ndp_hbm.at[idx0], rows0, sg0)

        def body(i, _):
            for b in range(2):
                k = 2 * i + b
                nb = 1 - b
                e0 = base + k * CHK
                @pl.when(k + 1 < nchunk)
                def _():
                    pltpu.make_async_copy(
                        srcg_hbm.at[pl.ds(0, CHK)], idx[nb], sem_i[nb]).wait()
                    @pl.when(k >= 1)
                    def _():
                        pltpu.make_async_copy(
                            rows[nb], sf_hbm.at[pl.ds(0, CHK)],
                            sem_w[nb]).wait()
                    pltpu.async_copy(ndp_hbm.at[idx[nb]], rows[nb], sem_g[nb])
                pltpu.make_async_copy(ndp_hbm.at[idx[b]], rows[b],
                                      sem_g[b]).wait()
                @pl.when(k + 2 < nchunk)
                def _():
                    pltpu.async_copy(srcg_hbm.at[pl.ds(e0 + 2 * CHK, CHK)],
                                     idx[b], sem_i[b])
                pltpu.async_copy(rows[b], sf_hbm.at[pl.ds(e0, CHK)], sem_w[b])
            return 0

        lax.fori_loop(0, nchunk // 2, body, 0)
        pltpu.make_async_copy(rows0, sf_hbm.at[pl.ds(0, CHK)], sw0).wait()
        pltpu.make_async_copy(rows1, sf_hbm.at[pl.ds(0, CHK)], sw1).wait()

    return gather_k


@functools.cache
def _make_sc_scatter():
    mesh = plsc.VectorSubcoreMesh(core_axis_name="c", subcore_axis_name="s")

    @functools.partial(
        pl.kernel,
        mesh=mesh,
        out_type=jax.ShapeDtypeStruct((B * N, HID), jnp.float32),
        scratch_types=[
            pltpu.VMEM((CHK,), jnp.int32),
            pltpu.VMEM((CHK, HID), jnp.float32),
            pltpu.VMEM((RPW, HID), jnp.float32),
        ],
    )
    def scatter_k(msg_hbm, tgtg_hbm, zero_hbm, agg_hbm, idx_v, m_v, z_v):
        c = lax.axis_index("c")
        s = lax.axis_index("s")
        pltpu.sync_copy(zero_hbm, z_v)
        rbase = c * (GPC * N) + s * RPW
        pltpu.sync_copy(z_v, agg_hbm.at[pl.ds(rbase, RPW)])
        plsc.subcore_barrier()
        base = c * (GPC * E) + s * EPW

        def body(i, _):
            e0 = base + i * CHK
            pltpu.sync_copy(tgtg_hbm.at[pl.ds(e0, CHK)], idx_v)
            pltpu.sync_copy(msg_hbm.at[pl.ds(e0, CHK)], m_v)
            pltpu.sync_copy(m_v, agg_hbm.at[idx_v], add=True)
            return 0

        lax.fori_loop(0, EPW // CHK, body, 0)

    return scatter_k


EBK = 512


def _scat_body(tgt, msg, out):
    i = pl.program_id(1)
    oh = (lax.broadcasted_iota(jnp.int32, (N, EBK), 0)
          == tgt[0, 0, :][None, :])
    ohb = oh.astype(jnp.bfloat16)
    part = jnp.dot(ohb, msg[:, :], preferred_element_type=jnp.float32)

    @pl.when(i == 0)
    def _():
        out[:, :] = part

    @pl.when(i > 0)
    def _():
        out[:, :] += part


def _tc_scatter(tgt3, msgb):
    nblk = E // EBK
    return pl.pallas_call(
        _scat_body,
        grid=(B, nblk),
        in_specs=[
            pl.BlockSpec((1, 1, EBK), lambda g, i: (g * nblk + i, 0, 0)),
            pl.BlockSpec((EBK, HID), lambda g, i: (g * nblk + i, 0)),
        ],
        out_specs=pl.BlockSpec((N, HID), lambda g, i: (g, 0)),
        out_shape=jax.ShapeDtypeStruct((B * N, HID), jnp.float32),
    )(tgt3, msgb)


def _stage3_body(sf, ef, w, bb, out):
    out[:, :] = _silu(sf[:, :]
                      + jnp.dot(ef[:, :], w[:, :],
                                preferred_element_type=jnp.float32)
                      + bb[:, :]).astype(jnp.bfloat16)


def _stage3(sf, ef, w, bb):
    nblk = (B * E) // EB
    full = lambda shape: pl.BlockSpec(shape, lambda i: tuple(0 for _ in shape))
    rspec = pl.BlockSpec((EB, HID), lambda i: (i, 0))
    return pl.pallas_call(
        _stage3_body,
        grid=(nblk,),
        in_specs=[rspec, rspec, full((HID, HID)), full((1, HID))],
        out_specs=rspec,
        out_shape=jax.ShapeDtypeStruct((B * E, HID), jnp.bfloat16),
    )(sf, ef, w, bb)


def _stage4_body(nd, agg, wu1a, wu1b, bu1, wu2, bu2, wmt, nd_out, ndp_out):
    u = _silu(jnp.dot(nd[:, :], wu1a[:, :], preferred_element_type=jnp.float32)
              + jnp.dot(agg[:, :], wu1b[:, :],
                        preferred_element_type=jnp.float32)
              + bu1[:, :])
    nd2 = (nd[:, :]
           + jnp.dot(u, wu2[:, :], preferred_element_type=jnp.float32)
           + bu2[:, :])
    nd_out[:, :] = nd2
    ndp_out[:, :] = jnp.dot(nd2, wmt[:, :], preferred_element_type=jnp.float32)


def _stage4(nd, agg, wu1a, wu1b, bu1, wu2, bu2, wmt):
    nblk = (B * N) // RB
    full = lambda shape: pl.BlockSpec(shape, lambda i: tuple(0 for _ in shape))
    rspec = pl.BlockSpec((RB, HID), lambda i: (i, 0))
    return pl.pallas_call(
        _stage4_body,
        grid=(nblk,),
        in_specs=[rspec, rspec, full((HID, HID)), full((HID, HID)),
                  full((1, HID)), full((HID, HID)), full((1, HID)),
                  full((HID, HID))],
        out_specs=[rspec, rspec],
        out_shape=[
            jax.ShapeDtypeStruct((B * N, HID), jnp.float32),
            jax.ShapeDtypeStruct((B * N, HID), jnp.float32),
        ],
    )(nd, agg, wu1a, wu1b, bu1, wu2, bu2, wmt)


def _stage5_body(nd, m, wp1, bp1, wp2, bp2, gamma, beta, out):
    ndm = nd[:, :] * m[0, :, :]
    pooled = jnp.sum(ndm, axis=0, keepdims=True)
    msum = jnp.sum(m[0, :, :])
    pooled = pooled / jnp.maximum(msum, jnp.float32(1.0))
    h = _silu(jnp.dot(pooled, wp1[:, :], preferred_element_type=jnp.float32)
              + bp1[:, :])
    o = jnp.dot(h, wp2[:, :], preferred_element_type=jnp.float32) + bp2[:, :]
    mu = jnp.mean(o, axis=-1, keepdims=True)
    var = jnp.mean((o - mu) ** 2, axis=-1, keepdims=True)
    o = (o - mu) * lax.rsqrt(var + 1e-5) * gamma[:, :] + beta[:, :]
    out[0, :, :] = o


def _stage5(nd, m3, wp1, bp1, wp2, bp2, gamma, beta):
    full = lambda shape: pl.BlockSpec(shape, lambda i: tuple(0 for _ in shape))
    return pl.pallas_call(
        _stage5_body,
        grid=(B,),
        in_specs=[
            pl.BlockSpec((N, HID), lambda i: (i, 0)),
            pl.BlockSpec((1, N, 1), lambda i: (i, 0, 0)),
            full((HID, HID)),
            full((1, HID)),
            full((HID, OUT)),
            full((1, OUT)),
            full((1, OUT)),
            full((1, OUT)),
        ],
        out_specs=pl.BlockSpec((1, 1, OUT), lambda i: (i, 0, 0)),
        out_shape=jax.ShapeDtypeStruct((B, 1, OUT), jnp.float32),
    )(nd, m3, wp1, bp1, wp2, bp2, gamma, beta)


def kernel(residues, coordinates, features, mask, edge_index, distances,
           emb, W1, b1, W2, b2, We1, be1, We2, be2,
           Wm, bm, Wu1, bu1, Wu2, bu2, Wp1, bp1, Wp2, bp2, gamma, beta):
    f32 = jnp.float32
    resf = residues.astype(jnp.int32).reshape(B * N, 1)
    cf = jnp.concatenate([coordinates, features], axis=-1).astype(f32)
    cf = jnp.pad(cf, ((0, 0), (0, 0), (0, 4))).reshape(B * N, 16)
    embp = jnp.pad(emb.astype(f32), ((0, 32 - emb.shape[0]), (0, 0)))
    w1a = W1[:EMBED].astype(f32)
    w1b = jnp.pad(W1[EMBED:].astype(f32), ((0, 4), (0, 0)))
    b1r = b1.astype(f32).reshape(1, HID)
    b2r = b2.astype(f32).reshape(1, HID)
    wmt = [Wm[l, :HID].astype(f32) for l in range(L)]
    wmb = [Wm[l, HID:].astype(f32) for l in range(L)]
    bmr = [bm[l].astype(f32).reshape(1, HID) for l in range(L)]

    h, ndp = _stage1(resf, cf, embp, w1a, w1b, b1r, W2.astype(f32),
                     b2r, wmt[0])

    dflat = distances.astype(f32).reshape(B * E, 1)
    ef = _stage2(dflat, We1.astype(f32), be1.astype(f32).reshape(1, 128),
                 We2.astype(f32), be2.astype(f32).reshape(1, HID))

    goff = (jnp.arange(B, dtype=jnp.int32) * N)[:, None]
    srcg = (edge_index[:, 0, :].astype(jnp.int32) + goff).reshape(B * E)
    tgt3 = edge_index[:, 1, :].astype(jnp.int32).reshape(B * (E // EBK),
                                                         1, EBK)

    nd = h
    for l in range(L):
        sf = _make_sc_gather()(ndp, srcg)
        msg = _stage3(sf, ef, wmb[l], bmr[l])
        agg = _tc_scatter(tgt3, msg)
        wmt_next = wmt[l + 1] if l + 1 < L else jnp.zeros((HID, HID), f32)
        nd, ndp = _stage4(nd, agg, Wu1[l, :HID].astype(f32),
                          Wu1[l, HID:].astype(f32),
                          bu1[l].astype(f32).reshape(1, HID),
                          Wu2[l].astype(f32),
                          bu2[l].astype(f32).reshape(1, HID), wmt_next)

    out = _stage5(nd, mask.astype(f32).reshape(B, N, 1),
                  Wp1.astype(f32), bp1.astype(f32).reshape(1, HID),
                  Wp2.astype(f32), bp2.astype(f32).reshape(1, OUT),
                  gamma.astype(f32).reshape(1, OUT),
                  beta.astype(f32).reshape(1, OUT))
    return out.reshape(B, OUT)

# --- scband reference (transcript-rebuilt; emitter-appended) ---
"""Pipeline reference for scband-protein-structure-encoder-13073880449415 (READ-ONLY COPY).

The authoritative reference and input builder live on the scoring server;
editing this copy changes nothing except your own understanding.
"""

import jax, jax.numpy as jnp
import numpy as np

B, N, E = 4, 2048, 65536
EMBED, HID, OUT, L = 512, 256, 512, 4


def _silu(x):
    return x * jax.nn.sigmoid(x)


def setup_inputs(seed: int = 0):
    key = jax.random.key(seed)
    ks = jax.random.split(key, 20)
    s = 0.02
    inp = {}
    inp['residues'] = jax.random.randint(ks[0], (B, N), 0, 26)
    inp['coordinates'] = jax.random.normal(ks[1], (B, N, 3), dtype=jnp.float32)
    inp['features'] = jax.random.normal(ks[2], (B, N, 9), dtype=jnp.float32)
    inp['mask'] = jnp.ones((B, N), dtype=jnp.float32)
    inp['edge_index'] = jax.random.randint(ks[3], (B, 2, E), 0, N)
    inp['distances'] = jax.random.uniform(ks[4], (B, E), dtype=jnp.float32)
    emb = jax.random.normal(ks[5], (26, EMBED), dtype=jnp.float32) * s
    inp['emb'] = emb.at[0].set(0.0)
    inp['W1'] = jax.random.normal(ks[6], (EMBED + 12, HID), dtype=jnp.float32) * s
    inp['b1'] = jnp.zeros((HID,), dtype=jnp.float32)
    inp['W2'] = jax.random.normal(ks[7], (HID, HID), dtype=jnp.float32) * s
    inp['b2'] = jnp.zeros((HID,), dtype=jnp.float32)
    inp['We1'] = jax.random.normal(ks[8], (1, HID // 2), dtype=jnp.float32) * s
    inp['be1'] = jnp.zeros((HID // 2,), dtype=jnp.float32)
    inp['We2'] = jax.random.normal(ks[9], (HID // 2, HID), dtype=jnp.float32) * s
    inp['be2'] = jnp.zeros((HID,), dtype=jnp.float32)
    inp['Wm'] = jax.random.normal(ks[10], (L, 2 * HID, HID), dtype=jnp.float32) * s
    inp['bm'] = jnp.zeros((L, HID), dtype=jnp.float32)
    inp['Wu1'] = jax.random.normal(ks[11], (L, 2 * HID, HID), dtype=jnp.float32) * s
    inp['bu1'] = jnp.zeros((L, HID), dtype=jnp.float32)
    inp['Wu2'] = jax.random.normal(ks[12], (L, HID, HID), dtype=jnp.float32) * s
    inp['bu2'] = jnp.zeros((L, HID), dtype=jnp.float32)
    inp['Wp1'] = jax.random.normal(ks[13], (HID, HID), dtype=jnp.float32) * s
    inp['bp1'] = jnp.zeros((HID,), dtype=jnp.float32)
    inp['Wp2'] = jax.random.normal(ks[14], (HID, OUT), dtype=jnp.float32) * s
    inp['bp2'] = jnp.zeros((OUT,), dtype=jnp.float32)
    inp['gamma'] = jnp.ones((OUT,), dtype=jnp.float32)
    inp['beta'] = jnp.zeros((OUT,), dtype=jnp.float32)
    return inp


def reference(residues, coordinates, features, mask, edge_index, distances,
              emb, W1, b1, W2, b2, We1, be1, We2, be2,
              Wm, bm, Wu1, bu1, Wu2, bu2, Wp1, bp1, Wp2, bp2, gamma, beta):
    # residue embedding + input projection (dropout disabled / eval mode)
    re = emb[residues]                                        # [B,N,EMBED]
    x = jnp.concatenate([re, coordinates, features], axis=-1)  # [B,N,EMBED+12]
    h = _silu(x @ W1 + b1)
    h = _silu(h @ W2 + b2)                                     # [B,N,HID]
    # edge network on distances
    ef = _silu(_silu(distances[..., None] @ We1 + be1) @ We2 + be2)  # [B,E,HID]

    def per_graph(nodes, eidx, efeat, m):
        src = eidx[0]
        tgt = eidx[1]
        nd = nodes
        for l in range(L):
            sf = nd[src]                                          # gather
            msg = _silu(jnp.concatenate([sf, efeat], axis=1) @ Wm[l] + bm[l])
            agg = jnp.zeros_like(nd).at[tgt].add(msg)             # scatter-add
            upd = jnp.concatenate([nd, agg], axis=1) @ Wu1[l] + bu1[l]
            upd = _silu(upd) @ Wu2[l] + bu2[l]
            nd = nd + upd
        nd = nd * m[:, None]
        pooled = jnp.sum(nd, axis=0) / jnp.clip(jnp.sum(m), 1.0, None)
        return pooled

    pooled = jax.vmap(per_graph)(h, edge_index, ef, mask)      # [B,HID]
    out = _silu(pooled @ Wp1 + bp1) @ Wp2 + bp2                # [B,OUT]
    mu = jnp.mean(out, axis=-1, keepdims=True)
    var = jnp.var(out, axis=-1, keepdims=True)
    out = (out - mu) / jnp.sqrt(var + 1e-5) * gamma + beta
    return out

if __name__ == "__main__":
    import jax
    _d = setup_inputs()
    print(jax.jit(kernel)(*tuple(_d.values())))

</pallas_src>

<mosaic_0001>
#map = affine_map<(d0, d1) -> (0, 0)>
#map1 = affine_map<(d0, d1) -> (0)>
module attributes {stable_mosaic.version = 14 : i64} {
  func.func @gather_k(%arg0: i32, %arg1: i32, %arg2: memref<8192x256xf32, #tpu.memory_space<hbm>>, %arg3: memref<262144xi32, #tpu.memory_space<hbm>>, %arg4: memref<262144x256xf32, #tpu.memory_space<hbm>>, %arg5: memref<128xi32, #tpu.memory_space<vmem>>, %arg6: memref<128xi32, #tpu.memory_space<vmem>>, %arg7: memref<128x256xf32, #tpu.memory_space<vmem>>, %arg8: memref<128x256xf32, #tpu.memory_space<vmem>>, %arg9: memref<!tpu.dma_semaphore, #tpu.memory_space<semaphore_mem>>, %arg10: memref<!tpu.dma_semaphore, #tpu.memory_space<semaphore_mem>>, %arg11: memref<!tpu.dma_semaphore, #tpu.memory_space<semaphore_mem>>, %arg12: memref<!tpu.dma_semaphore, #tpu.memory_space<semaphore_mem>>, %arg13: memref<!tpu.dma_semaphore, #tpu.memory_space<semaphore_mem>>, %arg14: memref<!tpu.dma_semaphore, #tpu.memory_space<semaphore_mem>>) attributes {dimension_semantics = [#tpu.dimension_semantics<core_parallel>, #tpu.dimension_semantics<subcore_parallel>], iteration_bounds = array<i64: 2, 16>, scalar_prefetch = 0 : i64, scratch_operands = 10 : i64, tpu.core_type = #tpu.core_type<sc_vector_subcore>, window_params = [{transform_indices = #map}, {transform_indices = #map1}, {transform_indices = #map}]} {
    %mul3A = arith.constant 131072 : i32
    %mul3A_0 = arith.muli %arg0, %mul3A : i32
    %mul3A_1 = arith.constant 8192 : i32
    %mul3A_2 = arith.muli %arg1, %mul3A_1 : i32
    %add3A = arith.addi %mul3A_0, %mul3A_2 : i32
    %dma_start3A = tpu.memref_slice %arg3[%add3A] : memref<262144xi32, #tpu.memory_space<hbm>> -> memref<128xi32, #tpu.memory_space<hbm>>
    %dma_start3A_3 = tpu.memref_slice %arg3[%add3A] : memref<262144xi32, #tpu.memory_space<hbm>> -> memref<128xi32, #tpu.memory_space<hbm>>
    tpu.enqueue_dma source(%dma_start3A_3 : memref<128xi32, #tpu.memory_space<hbm>>) target(%arg5 : memref<128xi32, #tpu.memory_space<vmem>>) target_semaphore(%arg9 : memref<!tpu.dma_semaphore, #tpu.memory_space<semaphore_mem>>)
    %add3A_4 = arith.constant 128 : i32
    %add3A_5 = arith.addi %add3A, %add3A_4 : i32
    %dma_start3A_6 = tpu.memref_slice %arg3[%add3A_5] : memref<262144xi32, #tpu.memory_space<hbm>> -> memref<128xi32, #tpu.memory_space<hbm>>
    %dma_start3A_7 = tpu.memref_slice %arg3[%add3A_5] : memref<262144xi32, #tpu.memory_space<hbm>> -> memref<128xi32, #tpu.memory_space<hbm>>
    tpu.enqueue_dma source(%dma_start3A_7 : memref<128xi32, #tpu.memory_space<hbm>>) target(%arg6 : memref<128xi32, #tpu.memory_space<vmem>>) target_semaphore(%arg10 : memref<!tpu.dma_semaphore, #tpu.memory_space<semaphore_mem>>)
    %dma_wait3A = arith.constant 0 : i32
    %dma_wait3A_8 = tpu.memref_slice %arg3[%dma_wait3A] : memref<262144xi32, #tpu.memory_space<hbm>> -> memref<128xi32, #tpu.memory_space<hbm>>
    %dma_wait3A_9 = arith.constant 0 : i32
    %dma_wait3A_10 = tpu.memref_slice %arg3[%dma_wait3A_9] : memref<262144xi32, #tpu.memory_space<hbm>> -> memref<128xi32, #tpu.memory_space<hbm>>
    tpu.wait_dma2 semaphore(%arg9 : memref<!tpu.dma_semaphore, #tpu.memory_space<semaphore_mem>>) src(%dma_wait3A_10 : memref<128xi32, #tpu.memory_space<hbm>>) dst(%arg5 : memref<128xi32, #tpu.memory_space<vmem>>)
    %dma_start3A_11 = arith.constant 0 : i32
    %dma_start3A_12 = arith.constant 0 : i32
    %dma_start3A_13 = tpu.memref_slice %arg2[%dma_start3A_11, %dma_start3A_12] : memref<8192x256xf32, #tpu.memory_space<hbm>> -> memref<8192x256xf32, #tpu.memory_space<hbm>>
    tpu.enqueue_indirect_dma source(%dma_start3A_13 : memref<8192x256xf32, #tpu.memory_space<hbm>>) target(%arg7 : memref<128x256xf32, #tpu.memory_space<vmem>>) offsets(%arg5 : memref<128xi32, #tpu.memory_space<vmem>>) semaphore(%arg11 : memref<!tpu.dma_semaphore, #tpu.memory_space<semaphore_mem>>)
    %scan3A = arith.constant 0 : i32
    %scan3A_14 = arith.constant 0 : i32
    %scan3A_15 = arith.constant 32 : i32
    %scan3A_16 = arith.addi %scan3A_14, %scan3A_15 : i32
    %scan3A_17 = arith.constant 1 : i32
    %scan3A_18 = scf.for %scan3A_32 = %scan3A_14 to %scan3A_16 step %scan3A_17 iter_args(%scan3A_33 = %scan3A) -> (i32)  : i32 {
      %mul3A_34 = arith.constant 2 : i32
      %mul3A_35 = arith.muli %mul3A_34, %scan3A_32 : i32
      %add3A_36 = arith.constant 0 : i32
      %add3A_37 = arith.addi %mul3A_35, %add3A_36 : i32
      %mul3A_38 = arith.constant 128 : i32
      %mul3A_39 = arith.muli %add3A_37, %mul3A_38 : i32
      %add3A_40 = arith.addi %add3A, %mul3A_39 : i32
      %add3A_41 = arith.constant 1 : i32
      %add3A_42 = arith.addi %add3A_37, %add3A_41 : i32
      %lt3A = arith.constant 64 : i32
      %lt3A_43 = arith.cmpi slt, %add3A_42, %lt3A : i32
      %convert_element_type3A = arith.extui %lt3A_43 : i1 to i32
      %cond3A = arith.constant 0 : i32
      %cond3A_44 = arith.cmpi ne, %convert_element_type3A, %cond3A : i32
      scf.if %cond3A_44 {
        %dma_wait3A_88 = arith.constant 0 : i32
        %dma_wait3A_89 = tpu.memref_slice %arg3[%dma_wait3A_88] : memref<262144xi32, #tpu.memory_space<hbm>> -> memref<128xi32, #tpu.memory_space<hbm>>
        %dma_wait3A_90 = arith.constant 0 : i32
        %dma_wait3A_91 = tpu.memref_slice %arg3[%dma_wait3A_90] : memref<262144xi32, #tpu.memory_space<hbm>> -> memref<128xi32, #tpu.memory_space<hbm>>
        tpu.wait_dma2 semaphore(%arg10 : memref<!tpu.dma_semaphore, #tpu.memory_space<semaphore_mem>>) src(%dma_wait3A_91 : memref<128xi32, #tpu.memory_space<hbm>>) dst(%arg6 : memref<128xi32, #tpu.memory_space<vmem>>)
        %ge3A = arith.constant 1 : i32
        %ge3A_92 = arith.cmpi sge, %add3A_37, %ge3A : i32
        %convert_element_type3A_93 = arith.extui %ge3A_92 : i1 to i32
        %cond3A_94 = arith.constant 0 : i32
        %cond3A_95 = arith.cmpi ne, %convert_element_type3A_93, %cond3A_94 : i32
        scf.if %cond3A_95 {
          %dma_wait3A_99 = arith.constant 0 : i32
          %dma_wait3A_100 = arith.constant 0 : i32
          %dma_wait3A_101 = tpu.memref_slice %arg4[%dma_wait3A_99, %dma_wait3A_100] : memref<262144x256xf32, #tpu.memory_space<hbm>> -> memref<128x256xf32, #tpu.memory_space<hbm>>
          %dma_wait3A_102 = arith.constant 0 : i32
          %dma_wait3A_103 = arith.constant 0 : i32
          %dma_wait3A_104 = tpu.memref_slice %arg4[%dma_wait3A_102, %dma_wait3A_103] : memref<262144x256xf32, #tpu.memory_space<hbm>> -> memref<128x256xf32, #tpu.memory_space<hbm>>
          tpu.wait_dma2 semaphore(%arg14 : memref<!tpu.dma_semaphore, #tpu.memory_space<semaphore_mem>>) src(%arg8 : memref<128x256xf32, #tpu.memory_space<vmem>>) dst(%dma_wait3A_104 : memref<128x256xf32, #tpu.memory_space<hbm>>)
        } else {
        }
        %dma_start3A_96 = arith.constant 0 : i32
        %dma_start3A_97 = arith.constant 0 : i32
        %dma_start3A_98 = tpu.memref_slice %arg2[%dma_start3A_96, %dma_start3A_97] : memref<8192x256xf32, #tpu.memory_space<hbm>> -> memref<8192x256xf32, #tpu.memory_space<hbm>>
        tpu.enqueue_indirect_dma source(%dma_start3A_98 : memref<8192x256xf32, #tpu.memory_space<hbm>>) target(%arg8 : memref<128x256xf32, #tpu.memory_space<vmem>>) offsets(%arg6 : memref<128xi32, #tpu.memory_space<vmem>>) semaphore(%arg12 : memref<!tpu.dma_semaphore, #tpu.memory_space<semaphore_mem>>)
      } else {
      }
      %dma_wait3A_45 = arith.constant 0 : i32
      %dma_wait3A_46 = arith.constant 0 : i32
      %dma_wait3A_47 = tpu.memref_slice %arg2[%dma_wait3A_45, %dma_wait3A_46] : memref<8192x256xf32, #tpu.memory_space<hbm>> -> memref<8192x256xf32, #tpu.memory_space<hbm>>
      tpu.wait_indirect_dma semaphore(%arg11 : memref<!tpu.dma_semaphore, #tpu.memory_space<semaphore_mem>>) src(%dma_wait3A_47 : memref<8192x256xf32, #tpu.memory_space<hbm>>) dst(%arg7 : memref<128x256xf32, #tpu.memory_space<vmem>>)
      %add3A_48 = arith.constant 2 : i32
      %add3A_49 = arith.addi %add3A_37, %add3A_48 : i32
      %lt3A_50 = arith.constant 64 : i32
      %lt3A_51 = arith.cmpi slt, %add3A_49, %lt3A_50 : i32
      %convert_element_type3A_52 = arith.extui %lt3A_51 : i1 to i32
      %cond3A_53 = arith.constant 0 : i32
      %cond3A_54 = arith.cmpi ne, %convert_element_type3A_52, %cond3A_53 : i32
      scf.if %cond3A_54 {
        %add3A_88 = arith.constant 256 : i32
        %add3A_89 = arith.addi %add3A_40, %add3A_88 : i32
        %dma_start3A_90 = tpu.memref_slice %arg3[%add3A_89] : memref<262144xi32, #tpu.memory_space<hbm>> -> memref<128xi32, #tpu.memory_space<hbm>>
        %dma_start3A_91 = tpu.memref_slice %arg3[%add3A_89] : memref<262144xi32, #tpu.memory_space<hbm>> -> memref<128xi32, #tpu.memory_space<hbm>>
        tpu.enqueue_dma source(%dma_start3A_91 : memref<128xi32, #tpu.memory_space<hbm>>) target(%arg5 : memref<128xi32, #tpu.memory_space<vmem>>) target_semaphore(%arg9 : memref<!tpu.dma_semaphore, #tpu.memory_space<semaphore_mem>>)
      } else {
      }
      %dma_start3A_55 = arith.constant 0 : i32
      %dma_start3A_56 = tpu.memref_slice %arg4[%add3A_40, %dma_start3A_55] : memref<262144x256xf32, #tpu.memory_space<hbm>> -> memref<128x256xf32, #tpu.memory_space<hbm>>
      %dma_start3A_57 = arith.constant 0 : i32
      %dma_start3A_58 = tpu.memref_slice %arg4[%add3A_40, %dma_start3A_57] : memref<262144x256xf32, #tpu.memory_space<hbm>> -> memref<128x256xf32, #tpu.memory_space<hbm>>
      tpu.enqueue_dma source(%arg7 : memref<128x256xf32, #tpu.memory_space<vmem>>) target(%dma_start3A_58 : memref<128x256xf32, #tpu.memory_space<hbm>>) target_semaphore(%arg13 : memref<!tpu.dma_semaphore, #tpu.memory_space<semaphore_mem>>)
      %mul3A_59 = arith.constant 2 : i32
      %mul3A_60 = arith.muli %mul3A_59, %scan3A_32 : i32
      %add3A_61 = arith.constant 1 : i32
      %add3A_62 = arith.addi %mul3A_60, %add3A_61 : i32
      %mul3A_63 = arith.constant 128 : i32
      %mul3A_64 = arith.muli %add3A_62, %mul3A_63 : i32
      %add3A_65 = arith.addi %add3A, %mul3A_64 : i32
      %add3A_66 = arith.constant 1 : i32
      %add3A_67 = arith.addi %add3A_62, %add3A_66 : i32
      %lt3A_68 = arith.constant 64 : i32
      %lt3A_69 = arith.cmpi slt, %add3A_67, %lt3A_68 : i32
      %convert_element_type3A_70 = arith.extui %lt3A_69 : i1 to i32
      %cond3A_71 = arith.constant 0 : i32
      %cond3A_72 = arith.cmpi ne, %convert_element_type3A_70, %cond3A_71 : i32
      scf.if %cond3A_72 {
        %dma_wait3A_88 = arith.constant 0 : i32
        %dma_wait3A_89 = tpu.memref_slice %arg3[%dma_wait3A_88] : memref<262144xi32, #tpu.memory_space<hbm>> -> memref<128xi32, #tpu.memory_space<hbm>>
        %dma_wait3A_90 = arith.constant 0 : i32
        %dma_wait3A_91 = tpu.memref_slice %arg3[%dma_wait3A_90] : memref<262144xi32, #tpu.memory_space<hbm>> -> memref<128xi32, #tpu.memory_space<hbm>>
        tpu.wait_dma2 semaphore(%arg9 : memref<!tpu.dma_semaphore, #tpu.memory_space<semaphore_mem>>) src(%dma_wait3A_91 : memref<128xi32, #tpu.memory_space<hbm>>) dst(%arg5 : memref<128xi32, #tpu.memory_space<vmem>>)
        %ge3A = arith.constant 1 : i32
        %ge3A_92 = arith.cmpi sge, %add3A_62, %ge3A : i32
        %convert_element_type3A_93 = arith.extui %ge3A_92 : i1 to i32
        %cond3A_94 = arith.constant 0 : i32
        %cond3A_95 = arith.cmpi ne, %convert_element_type3A_93, %cond3A_94 : i32
        scf.if %cond3A_95 {
          %dma_wait3A_99 = arith.constant 0 : i32
          %dma_wait3A_100 = arith.constant 0 : i32
          %dma_wait3A_101 = tpu.memref_slice %arg4[%dma_wait3A_99, %dma_wait3A_100] : memref<262144x256xf32, #tpu.memory_space<hbm>> -> memref<128x256xf32, #tpu.memory_space<hbm>>
          %dma_wait3A_102 = arith.constant 0 : i32
          %dma_wait3A_103 = arith.constant 0 : i32
          %dma_wait3A_104 = tpu.memref_slice %arg4[%dma_wait3A_102, %dma_wait3A_103] : memref<262144x256xf32, #tpu.memory_space<hbm>> -> memref<128x256xf32, #tpu.memory_space<hbm>>
          tpu.wait_dma2 semaphore(%arg13 : memref<!tpu.dma_semaphore, #tpu.memory_space<semaphore_mem>>) src(%arg7 : memref<128x256xf32, #tpu.memory_space<vmem>>) dst(%dma_wait3A_104 : memref<128x256xf32, #tpu.memory_space<hbm>>)
        } else {
        }
        %dma_start3A_96 = arith.constant 0 : i32
        %dma_start3A_97 = arith.constant 0 : i32
        %dma_start3A_98 = tpu.memref_slice %arg2[%dma_start3A_96, %dma_start3A_97] : memref<8192x256xf32, #tpu.memory_space<hbm>> -> memref<8192x256xf32, #tpu.memory_space<hbm>>
        tpu.enqueue_indirect_dma source(%dma_start3A_98 : memref<8192x256xf32, #tpu.memory_space<hbm>>) target(%arg7 : memref<128x256xf32, #tpu.memory_space<vmem>>) offsets(%arg5 : memref<128xi32, #tpu.memory_space<vmem>>) semaphore(%arg11 : memref<!tpu.dma_semaphore, #tpu.memory_space<semaphore_mem>>)
      } else {
      }
      %dma_wait3A_73 = arith.constant 0 : i32
      %dma_wait3A_74 = arith.constant 0 : i32
      %dma_wait3A_75 = tpu.memref_slice %arg2[%dma_wait3A_73, %dma_wait3A_74] : memref<8192x256xf32, #tpu.memory_space<hbm>> -> memref<8192x256xf32, #tpu.memory_space<hbm>>
      tpu.wait_indirect_dma semaphore(%arg12 : memref<!tpu.dma_semaphore, #tpu.memory_space<semaphore_mem>>) src(%dma_wait3A_75 : memref<8192x256xf32, #tpu.memory_space<hbm>>) dst(%arg8 : memref<128x256xf32, #tpu.memory_space<vmem>>)
      %add3A_76 = arith.constant 2 : i32
      %add3A_77 = arith.addi %add3A_62, %add3A_76 : i32
      %lt3A_78 = arith.constant 64 : i32
      %lt3A_79 = arith.cmpi slt, %add3A_77, %lt3A_78 : i32
      %convert_element_type3A_80 = arith.extui %lt3A_79 : i1 to i32
      %cond3A_81 = arith.constant 0 : i32
      %cond3A_82 = arith.cmpi ne, %convert_element_type3A_80, %cond3A_81 : i32
      scf.if %cond3A_82 {
        %add3A_88 = arith.constant 256 : i32
        %add3A_89 = arith.addi %add3A_65, %add3A_88 : i32
        %dma_start3A_90 = tpu.memref_slice %arg3[%add3A_89] : memref<262144xi32, #tpu.memory_space<hbm>> -> memref<128xi32, #tpu.memory_space<hbm>>
        %dma_start3A_91 = tpu.memref_slice %arg3[%add3A_89] : memref<262144xi32, #tpu.memory_space<hbm>> -> memref<128xi32, #tpu.memory_space<hbm>>
        tpu.enqueue_dma source(%dma_start3A_91 : memref<128xi32, #tpu.memory_space<hbm>>) target(%arg6 : memref<128xi32, #tpu.memory_space<vmem>>) target_semaphore(%arg10 : memref<!tpu.dma_semaphore, #tpu.memory_space<semaphore_mem>>)
      } else {
      }
      %dma_start3A_83 = arith.constant 0 : i32
      %dma_start3A_84 = tpu.memref_slice %arg4[%add3A_65, %dma_start3A_83] : memref<262144x256xf32, #tpu.memory_space<hbm>> -> memref<128x256xf32, #tpu.memory_space<hbm>>
      %dma_start3A_85 = arith.constant 0 : i32
      %dma_start3A_86 = tpu.memref_slice %arg4[%add3A_65, %dma_start3A_85] : memref<262144x256xf32, #tpu.memory_space<hbm>> -> memref<128x256xf32, #tpu.memory_space<hbm>>
      tpu.enqueue_dma source(%arg8 : memref<128x256xf32, #tpu.memory_space<vmem>>) target(%dma_start3A_86 : memref<128x256xf32, #tpu.memory_space<hbm>>) target_semaphore(%arg14 : memref<!tpu.dma_semaphore, #tpu.memory_space<semaphore_mem>>)
      %scan3A_87 = arith.constant 0 : i32
      scf.yield %scan3A_87 : i32
    }
    %scan3A_19 = arith.constant 32 : i32
    %dma_wait3A_20 = arith.constant 0 : i32
    %dma_wait3A_21 = arith.constant 0 : i32
    %dma_wait3A_22 = tpu.memref_slice %arg4[%dma_wait3A_20, %dma_wait3A_21] : memref<262144x256xf32, #tpu.memory_space<hbm>> -> memref<128x256xf32, #tpu.memory_space<hbm>>
    %dma_wait3A_23 = arith.constant 0 : i32
    %dma_wait3A_24 = arith.constant 0 : i32
    %dma_wait3A_25 = tpu.memref_slice %arg4[%dma_wait3A_23, %dma_wait3A_24] : memref<262144x256xf32, #tpu.memory_space<hbm>> -> memref<128x256xf32, #tpu.memory_space<hbm>>
    tpu.wait_dma2 semaphore(%arg13 : memref<!tpu.dma_semaphore, #tpu.memory_space<semaphore_mem>>) src(%arg7 : memref<128x256xf32, #tpu.memory_space<vmem>>) dst(%dma_wait3A_25 : memref<128x256xf32, #tpu.memory_space<hbm>>)
    %dma_wait3A_26 = arith.constant 0 : i32
    %dma_wait3A_27 = arith.constant 0 : i32
    %dma_wait3A_28 = tpu.memref_slice %arg4[%dma_wait3A_26, %dma_wait3A_27] : memref<262144x256xf32, #tpu.memory_space<hbm>> -> memref<128x256xf32, #tpu.memory_space<hbm>>
    %dma_wait3A_29 = arith.constant 0 : i32
    %dma_wait3A_30 = arith.constant 0 : i32
    %dma_wait3A_31 = tpu.memref_slice %arg4[%dma_wait3A_29, %dma_wait3A_30] : memref<262144x256xf32, #tpu.memory_space<hbm>> -> memref<128x256xf32, #tpu.memory_space<hbm>>
    tpu.wait_dma2 semaphore(%arg14 : memref<!tpu.dma_semaphore, #tpu.memory_space<semaphore_mem>>) src(%arg8 : memref<128x256xf32, #tpu.memory_space<vmem>>) dst(%dma_wait3A_31 : memref<128x256xf32, #tpu.memory_space<hbm>>)
    return
  }
}

#map = affine_map<(d0, d1) -> (0, 0)>
#map1 = affine_map<(d0, d1) -> (0)>
module attributes {stable_mosaic.version = 14 : i64} {
  func.func @gather_k(%arg0: i32, %arg1: i32, %arg2: memref<8192x256xf32, #tpu.memory_space<hbm>>, %arg3: memref<262144xi32, #tpu.memory_space<hbm>>, %arg4: memref<262144x256xf32, #tpu.memory_space<hbm>>, %arg5: memref<128xi32, #tpu.memory_space<vmem>>, %arg6: memref<128xi32, #tpu.memory_space<vmem>>, %arg7: memref<128x256xf32, #tpu.memory_space<vmem>>, %arg8: memref<128x256xf32, #tpu.memory_space<vmem>>, %arg9: memref<!tpu.dma_semaphore, #tpu.memory_space<semaphore_mem>>, %arg10: memref<!tpu.dma_semaphore, #tpu.memory_space<semaphore_mem>>, %arg11: memref<!tpu.dma_semaphore, #tpu.memory_space<semaphore_mem>>, %arg12: memref<!tpu.dma_semaphore, #tpu.memory_space<semaphore_mem>>, %arg13: memref<!tpu.dma_semaphore, #tpu.memory_space<semaphore_mem>>, %arg14: memref<!tpu.dma_semaphore, #tpu.memory_space<semaphore_mem>>) attributes {dimension_semantics = [#tpu.dimension_semantics<core_parallel>, #tpu.dimension_semantics<subcore_parallel>], iteration_bounds = array<i64: 2, 16>, scalar_prefetch = 0 : i64, scratch_operands = 10 : i64, tpu.core_type = #tpu.core_type<sc_vector_subcore>, window_params = [{transform_indices = #map}, {transform_indices = #map1}, {transform_indices = #map}]} {
    %mul3A = arith.constant 131072 : i32
    %mul3A_0 = arith.muli %arg0, %mul3A : i32
    %mul3A_1 = arith.constant 8192 : i32
    %mul3A_2 = arith.muli %arg1, %mul3A_1 : i32
    %add3A = arith.addi %mul3A_0, %mul3A_2 : i32
    %dma_start3A = tpu.memref_slice %arg3[%add3A] : memref<262144xi32, #tpu.memory_space<hbm>> -> memref<128xi32, #tpu.memory_space<hbm>>
    %dma_start3A_3 = tpu.memref_slice %arg3[%add3A] : memref<262144xi32, #tpu.memory_space<hbm>> -> memref<128xi32, #tpu.memory_space<hbm>>
    tpu.enqueue_dma source(%dma_start3A_3 : memref<128xi32, #tpu.memory_space<hbm>>) target(%arg5 : memref<128xi32, #tpu.memory_space<vmem>>) target_semaphore(%arg9 : memref<!tpu.dma_semaphore, #tpu.memory_space<semaphore_mem>>)
    %add3A_4 = arith.constant 128 : i32
    %add3A_5 = arith.addi %add3A, %add3A_4 : i32
    %dma_start3A_6 = tpu.memref_slice %arg3[%add3A_5] : memref<262144xi32, #tpu.memory_space<hbm>> -> memref<128xi32, #tpu.memory_space<hbm>>
    %dma_start3A_7 = tpu.memref_slice %arg3[%add3A_5] : memref<262144xi32, #tpu.memory_space<hbm>> -> memref<128xi32, #tpu.memory_space<hbm>>
    tpu.enqueue_dma source(%dma_start3A_7 : memref<128xi32, #tpu.memory_space<hbm>>) target(%arg6 : memref<128xi32, #tpu.memory_space<vmem>>) target_semaphore(%arg10 : memref<!tpu.dma_semaphore, #tpu.memory_space<semaphore_mem>>)
    %dma_wait3A = arith.constant 0 : i32
    %dma_wait3A_8 = tpu.memref_slice %arg3[%dma_wait3A] : memref<262144xi32, #tpu.memory_space<hbm>> -> memref<128xi32, #tpu.memory_space<hbm>>
    %dma_wait3A_9 = arith.constant 0 : i32
    %dma_wait3A_10 = tpu.memref_slice %arg3[%dma_wait3A_9] : memref<262144xi32, #tpu.memory_space<hbm>> -> memref<128xi32, #tpu.memory_space<hbm>>
    tpu.wait_dma2 semaphore(%arg9 : memref<!tpu.dma_semaphore, #tpu.memory_space<semaphore_mem>>) src(%dma_wait3A_10 : memref<128xi32, #tpu.memory_space<hbm>>) dst(%arg5 : memref<128xi32, #tpu.memory_space<vmem>>)
    %dma_start3A_11 = arith.constant 0 : i32
    %dma_start3A_12 = arith.constant 0 : i32
    %dma_start3A_13 = tpu.memref_slice %arg2[%dma_start3A_11, %dma_start3A_12] : memref<8192x256xf32, #tpu.memory_space<hbm>> -> memref<8192x256xf32, #tpu.memory_space<hbm>>
    tpu.enqueue_indirect_dma source(%dma_start3A_13 : memref<8192x256xf32, #tpu.memory_space<hbm>>) target(%arg7 : memref<128x256xf32, #tpu.memory_space<vmem>>) offsets(%arg5 : memref<128xi32, #tpu.memory_space<vmem>>) semaphore(%arg11 : memref<!tpu.dma_semaphore, #tpu.memory_space<semaphore_mem>>)
    %scan3A = arith.constant 0 : i32
    %scan3A_14 = arith.constant 0 : i32
    %scan3A_15 = arith.constant 32 : i32
    %scan3A_16 = arith.addi %scan3A_14, %scan3A_15 : i32
    %scan3A_17 = arith.constant 1 : i32
    %scan3A_18 = scf.for %scan3A_32 = %scan3A_14 to %scan3A_16 step %scan3A_17 iter_args(%scan3A_33 = %scan3A) -> (i32)  : i32 {
      %mul3A_34 = arith.constant 2 : i32
      %mul3A_35 = arith.muli %mul3A_34, %scan3A_32 : i32
      %add3A_36 = arith.constant 0 : i32
      %add3A_37 = arith.addi %mul3A_35, %add3A_36 : i32
      %mul3A_38 = arith.constant 128 : i32
      %mul3A_39 = arith.muli %add3A_37, %mul3A_38 : i32
      %add3A_40 = arith.addi %add3A, %mul3A_39 : i32
      %add3A_41 = arith.constant 1 : i32
      %add3A_42 = arith.addi %add3A_37, %add3A_41 : i32
      %lt3A = arith.constant 64 : i32
      %lt3A_43 = arith.cmpi slt, %add3A_42, %lt3A : i32
      %convert_element_type3A = arith.extui %lt3A_43 : i1 to i32
      %cond3A = arith.constant 0 : i32
      %cond3A_44 = arith.cmpi ne, %convert_element_type3A, %cond3A : i32
      scf.if %cond3A_44 {
        %dma_wait3A_88 = arith.constant 0 : i32
        %dma_wait3A_89 = tpu.memref_slice %arg3[%dma_wait3A_88] : memref<262144xi32, #tpu.memory_space<hbm>> -> memref<128xi32, #tpu.memory_space<hbm>>
        %dma_wait3A_90 = arith.constant 0 : i32
        %dma_wait3A_91 = tpu.memref_slice %arg3[%dma_wait3A_90] : memref<262144xi32, #tpu.memory_space<hbm>> -> memref<128xi32, #tpu.memory_space<hbm>>
        tpu.wait_dma2 semaphore(%arg10 : memref<!tpu.dma_semaphore, #tpu.memory_space<semaphore_mem>>) src(%dma_wait3A_91 : memref<128xi32, #tpu.memory_space<hbm>>) dst(%arg6 : memref<128xi32, #tpu.memory_space<vmem>>)
        %ge3A = arith.constant 1 : i32
        %ge3A_92 = arith.cmpi sge, %add3A_37, %ge3A : i32
        %convert_element_type3A_93 = arith.extui %ge3A_92 : i1 to i32
        %cond3A_94 = arith.constant 0 : i32
        %cond3A_95 = arith.cmpi ne, %convert_element_type3A_93, %cond3A_94 : i32
        scf.if %cond3A_95 {
          %dma_wait3A_99 = arith.constant 0 : i32
          %dma_wait3A_100 = arith.constant 0 : i32
          %dma_wait3A_101 = tpu.memref_slice %arg4[%dma_wait3A_99, %dma_wait3A_100] : memref<262144x256xf32, #tpu.memory_space<hbm>> -> memref<128x256xf32, #tpu.memory_space<hbm>>
          %dma_wait3A_102 = arith.constant 0 : i32
          %dma_wait3A_103 = arith.constant 0 : i32
          %dma_wait3A_104 = tpu.memref_slice %arg4[%dma_wait3A_102, %dma_wait3A_103] : memref<262144x256xf32, #tpu.memory_space<hbm>> -> memref<128x256xf32, #tpu.memory_space<hbm>>
          tpu.wait_dma2 semaphore(%arg14 : memref<!tpu.dma_semaphore, #tpu.memory_space<semaphore_mem>>) src(%arg8 : memref<128x256xf32, #tpu.memory_space<vmem>>) dst(%dma_wait3A_104 : memref<128x256xf32, #tpu.memory_space<hbm>>)
        } else {
        }
        %dma_start3A_96 = arith.constant 0 : i32
        %dma_start3A_97 = arith.constant 0 : i32
        %dma_start3A_98 = tpu.memref_slice %arg2[%dma_start3A_96, %dma_start3A_97] : memref<8192x256xf32, #tpu.memory_space<hbm>> -> memref<8192x256xf32, #tpu.memory_space<hbm>>
        tpu.enqueue_indirect_dma source(%dma_start3A_98 : memref<8192x256xf32, #tpu.memory_space<hbm>>) target(%arg8 : memref<128x256xf32, #tpu.memory_space<vmem>>) offsets(%arg6 : memref<128xi32, #tpu.memory_space<vmem>>) semaphore(%arg12 : memref<!tpu.dma_semaphore, #tpu.memory_space<semaphore_mem>>)
      } else {
      }
      %dma_wait3A_45 = arith.constant 0 : i32
      %dma_wait3A_46 = arith.constant 0 : i32
      %dma_wait3A_47 = tpu.memref_slice %arg2[%dma_wait3A_45, %dma_wait3A_46] : memref<8192x256xf32, #tpu.memory_space<hbm>> -> memref<8192x256xf32, #tpu.memory_space<hbm>>
      tpu.wait_indirect_dma semaphore(%arg11 : memref<!tpu.dma_semaphore, #tpu.memory_space<semaphore_mem>>) src(%dma_wait3A_47 : memref<8192x256xf32, #tpu.memory_space<hbm>>) dst(%arg7 : memref<128x256xf32, #tpu.memory_space<vmem>>)
      %add3A_48 = arith.constant 2 : i32
      %add3A_49 = arith.addi %add3A_37, %add3A_48 : i32
      %lt3A_50 = arith.constant 64 : i32
      %lt3A_51 = arith.cmpi slt, %add3A_49, %lt3A_50 : i32
      %convert_element_type3A_52 = arith.extui %lt3A_51 : i1 to i32
      %cond3A_53 = arith.constant 0 : i32
      %cond3A_54 = arith.cmpi ne, %convert_element_type3A_52, %cond3A_53 : i32
      scf.if %cond3A_54 {
        %add3A_88 = arith.constant 256 : i32
        %add3A_89 = arith.addi %add3A_40, %add3A_88 : i32
        %dma_start3A_90 = tpu.memref_slice %arg3[%add3A_89] : memref<262144xi32, #tpu.memory_space<hbm>> -> memref<128xi32, #tpu.memory_space<hbm>>
        %dma_start3A_91 = tpu.memref_slice %arg3[%add3A_89] : memref<262144xi32, #tpu.memory_space<hbm>> -> memref<128xi32, #tpu.memory_space<hbm>>
        tpu.enqueue_dma source(%dma_start3A_91 : memref<128xi32, #tpu.memory_space<hbm>>) target(%arg5 : memref<128xi32, #tpu.memory_space<vmem>>) target_semaphore(%arg9 : memref<!tpu.dma_semaphore, #tpu.memory_space<semaphore_mem>>)
      } else {
      }
      %dma_start3A_55 = arith.constant 0 : i32
      %dma_start3A_56 = tpu.memref_slice %arg4[%add3A_40, %dma_start3A_55] : memref<262144x256xf32, #tpu.memory_space<hbm>> -> memref<128x256xf32, #tpu.memory_space<hbm>>
      %dma_start3A_57 = arith.constant 0 : i32
      %dma_start3A_58 = tpu.memref_slice %arg4[%add3A_40, %dma_start3A_57] : memref<262144x256xf32, #tpu.memory_space<hbm>> -> memref<128x256xf32, #tpu.memory_space<hbm>>
      tpu.enqueue_dma source(%arg7 : memref<128x256xf32, #tpu.memory_space<vmem>>) target(%dma_start3A_58 : memref<128x256xf32, #tpu.memory_space<hbm>>) target_semaphore(%arg13 : memref<!tpu.dma_semaphore, #tpu.memory_space<semaphore_mem>>)
      %mul3A_59 = arith.constant 2 : i32
      %mul3A_60 = arith.muli %mul3A_59, %scan3A_32 : i32
      %add3A_61 = arith.constant 1 : i32
      %add3A_62 = arith.addi %mul3A_60, %add3A_61 : i32
      %mul3A_63 = arith.constant 128 : i32
      %mul3A_64 = arith.muli %add3A_62, %mul3A_63 : i32
      %add3A_65 = arith.addi %add3A, %mul3A_64 : i32
      %add3A_66 = arith.constant 1 : i32
      %add3A_67 = arith.addi %add3A_62, %add3A_66 : i32
      %lt3A_68 = arith.constant 64 : i32
      %lt3A_69 = arith.cmpi slt, %add3A_67, %lt3A_68 : i32
      %convert_element_type3A_70 = arith.extui %lt3A_69 : i1 to i32
      %cond3A_71 = arith.constant 0 : i32
      %cond3A_72 = arith.cmpi ne, %convert_element_type3A_70, %cond3A_71 : i32
      scf.if %cond3A_72 {
        %dma_wait3A_88 = arith.constant 0 : i32
        %dma_wait3A_89 = tpu.memref_slice %arg3[%dma_wait3A_88] : memref<262144xi32, #tpu.memory_space<hbm>> -> memref<128xi32, #tpu.memory_space<hbm>>
        %dma_wait3A_90 = arith.constant 0 : i32
        %dma_wait3A_91 = tpu.memref_slice %arg3[%dma_wait3A_90] : memref<262144xi32, #tpu.memory_space<hbm>> -> memref<128xi32, #tpu.memory_space<hbm>>
        tpu.wait_dma2 semaphore(%arg9 : memref<!tpu.dma_semaphore, #tpu.memory_space<semaphore_mem>>) src(%dma_wait3A_91 : memref<128xi32, #tpu.memory_space<hbm>>) dst(%arg5 : memref<128xi32, #tpu.memory_space<vmem>>)
        %ge3A = arith.constant 1 : i32
        %ge3A_92 = arith.cmpi sge, %add3A_62, %ge3A : i32
        %convert_element_type3A_93 = arith.extui %ge3A_92 : i1 to i32
        %cond3A_94 = arith.constant 0 : i32
        %cond3A_95 = arith.cmpi ne, %convert_element_type3A_93, %cond3A_94 : i32
        scf.if %cond3A_95 {
          %dma_wait3A_99 = arith.constant 0 : i32
          %dma_wait3A_100 = arith.constant 0 : i32
          %dma_wait3A_101 = tpu.memref_slice %arg4[%dma_wait3A_99, %dma_wait3A_100] : memref<262144x256xf32, #tpu.memory_space<hbm>> -> memref<128x256xf32, #tpu.memory_space<hbm>>
          %dma_wait3A_102 = arith.constant 0 : i32
          %dma_wait3A_103 = arith.constant 0 : i32
          %dma_wait3A_104 = tpu.memref_slice %arg4[%dma_wait3A_102, %dma_wait3A_103] : memref<262144x256xf32, #tpu.memory_space<hbm>> -> memref<128x256xf32, #tpu.memory_space<hbm>>
          tpu.wait_dma2 semaphore(%arg13 : memref<!tpu.dma_semaphore, #tpu.memory_space<semaphore_mem>>) src(%arg7 : memref<128x256xf32, #tpu.memory_space<vmem>>) dst(%dma_wait3A_104 : memref<128x256xf32, #tpu.memory_space<hbm>>)
        } else {
        }
        %dma_start3A_96 = arith.constant 0 : i32
        %dma_start3A_97 = arith.constant 0 : i32
        %dma_start3A_98 = tpu.memref_slice %arg2[%dma_start3A_96, %dma_start3A_97] : memref<8192x256xf32, #tpu.memory_space<hbm>> -> memref<8192x256xf32, #tpu.memory_space<hbm>>
        tpu.enqueue_indirect_dma source(%dma_start3A_98 : memref<8192x256xf32, #tpu.memory_space<hbm>>) target(%arg7 : memref<128x256xf32, #tpu.memory_space<vmem>>) offsets(%arg5 : memref<128xi32, #tpu.memory_space<vmem>>) semaphore(%arg11 : memref<!tpu.dma_semaphore, #tpu.memory_space<semaphore_mem>>)
      } else {
      }
      %dma_wait3A_73 = arith.constant 0 : i32
      %dma_wait3A_74 = arith.constant 0 : i32
      %dma_wait3A_75 = tpu.memref_slice %arg2[%dma_wait3A_73, %dma_wait3A_74] : memref<8192x256xf32, #tpu.memory_space<hbm>> -> memref<8192x256xf32, #tpu.memory_space<hbm>>
      tpu.wait_indirect_dma semaphore(%arg12 : memref<!tpu.dma_semaphore, #tpu.memory_space<semaphore_mem>>) src(%dma_wait3A_75 : memref<8192x256xf32, #tpu.memory_space<hbm>>) dst(%arg8 : memref<128x256xf32, #tpu.memory_space<vmem>>)
      %add3A_76 = arith.constant 2 : i32
      %add3A_77 = arith.addi %add3A_62, %add3A_76 : i32
      %lt3A_78 = arith.constant 64 : i32
      %lt3A_79 = arith.cmpi slt, %add3A_77, %lt3A_78 : i32
      %convert_element_type3A_80 = arith.extui %lt3A_79 : i1 to i32
      %cond3A_81 = arith.constant 0 : i32
      %cond3A_82 = arith.cmpi ne, %convert_element_type3A_80, %cond3A_81 : i32
      scf.if %cond3A_82 {
        %add3A_88 = arith.constant 256 : i32
        %add3A_89 = arith.addi %add3A_65, %add3A_88 : i32
        %dma_start3A_90 = tpu.memref_slice %arg3[%add3A_89] : memref<262144xi32, #tpu.memory_space<hbm>> -> memref<128xi32, #tpu.memory_space<hbm>>
        %dma_start3A_91 = tpu.memref_slice %arg3[%add3A_89] : memref<262144xi32, #tpu.memory_space<hbm>> -> memref<128xi32, #tpu.memory_space<hbm>>
        tpu.enqueue_dma source(%dma_start3A_91 : memref<128xi32, #tpu.memory_space<hbm>>) target(%arg6 : memref<128xi32, #tpu.memory_space<vmem>>) target_semaphore(%arg10 : memref<!tpu.dma_semaphore, #tpu.memory_space<semaphore_mem>>)
      } else {
      }
      %dma_start3A_83 = arith.constant 0 : i32
      %dma_start3A_84 = tpu.memref_slice %arg4[%add3A_65, %dma_start3A_83] : memref<262144x256xf32, #tpu.memory_space<hbm>> -> memref<128x256xf32, #tpu.memory_space<hbm>>
      %dma_start3A_85 = arith.constant 0 : i32
      %dma_start3A_86 = tpu.memref_slice %arg4[%add3A_65, %dma_start3A_85] : memref<262144x256xf32, #tpu.memory_space<hbm>> -> memref<128x256xf32, #tpu.memory_space<hbm>>
      tpu.enqueue_dma source(%arg8 : memref<128x256xf32, #tpu.memory_space<vmem>>) target(%dma_start3A_86 : memref<128x256xf32, #tpu.memory_space<hbm>>) target_semaphore(%arg14 : memref<!tpu.dma_semaphore, #tpu.memory_space<semaphore_mem>>)
      %scan3A_87 = arith.constant 0 : i32
      scf.yield %scan3A_87 : i32
    }
    %scan3A_19 = arith.constant 32 : i32
    %dma_wait3A_20 = arith.constant 0 : i32
    %dma_wait3A_21 = arith.constant 0 : i32
    %dma_wait3A_22 = tpu.memref_slice %arg4[%dma_wait3A_20, %dma_wait3A_21] : memref<262144x256xf32, #tpu.memory_space<hbm>> -> memref<128x256xf32, #tpu.memory_space<hbm>>
    %dma_wait3A_23 = arith.constant 0 : i32
    %dma_wait3A_24 = arith.constant 0 : i32
    %dma_wait3A_25 = tpu.memref_slice %arg4[%dma_wait3A_23, %dma_wait3A_24] : memref<262144x256xf32, #tpu.memory_space<hbm>> -> memref<128x256xf32, #tpu.memory_space<hbm>>
    tpu.wait_dma2 semaphore(%arg13 : memref<!tpu.dma_semaphore, #tpu.memory_space<semaphore_mem>>) src(%arg7 : memref<128x256xf32, #tpu.memory_space<vmem>>) dst(%dma_wait3A_25 : memref<128x256xf32, #tpu.memory_space<hbm>>)
    %dma_wait3A_26 = arith.constant 0 : i32
    %dma_wait3A_27 = arith.constant 0 : i32
    %dma_wait3A_28 = tpu.memref_slice %arg4[%dma_wait3A_26, %dma_wait3A_27] : memref<262144x256xf32, #tpu.memory_space<hbm>> -> memref<128x256xf32, #tpu.memory_space<hbm>>
    %dma_wait3A_29 = arith.constant 0 : i32
    %dma_wait3A_30 = arith.constant 0 : i32
    %dma_wait3A_31 = tpu.memref_slice %arg4[%dma_wait3A_29, %dma_wait3A_30] : memref<262144x256xf32, #tpu.memory_space<hbm>> -> memref<128x256xf32, #tpu.memory_space<hbm>>
    tpu.wait_dma2 semaphore(%arg14 : memref<!tpu.dma_semaphore, #tpu.memory_space<semaphore_mem>>) src(%arg8 : memref<128x256xf32, #tpu.memory_space<vmem>>) dst(%dma_wait3A_31 : memref<128x256xf32, #tpu.memory_space<hbm>>)
    return
  }
}

#map = affine_map<(d0, d1) -> (0, 0)>
#map1 = affine_map<(d0, d1) -> (0)>
module attributes {stable_mosaic.version = 14 : i64} {
  func.func @gather_k(%arg0: i32, %arg1: i32, %arg2: memref<8192x256xf32, #tpu.memory_space<hbm>>, %arg3: memref<262144xi32, #tpu.memory_space<hbm>>, %arg4: memref<262144x256xf32, #tpu.memory_space<hbm>>, %arg5: memref<128xi32, #tpu.memory_space<vmem>>, %arg6: memref<128xi32, #tpu.memory_space<vmem>>, %arg7: memref<128x256xf32, #tpu.memory_space<vmem>>, %arg8: memref<128x256xf32, #tpu.memory_space<vmem>>, %arg9: memref<!tpu.dma_semaphore, #tpu.memory_space<semaphore_mem>>, %arg10: memref<!tpu.dma_semaphore, #tpu.memory_space<semaphore_mem>>, %arg11: memref<!tpu.dma_semaphore, #tpu.memory_space<semaphore_mem>>, %arg12: memref<!tpu.dma_semaphore, #tpu.memory_space<semaphore_mem>>, %arg13: memref<!tpu.dma_semaphore, #tpu.memory_space<semaphore_mem>>, %arg14: memref<!tpu.dma_semaphore, #tpu.memory_space<semaphore_mem>>) attributes {dimension_semantics = [#tpu.dimension_semantics<core_parallel>, #tpu.dimension_semantics<subcore_parallel>], iteration_bounds = array<i64: 2, 16>, scalar_prefetch = 0 : i64, scratch_operands = 10 : i64, tpu.core_type = #tpu.core_type<sc_vector_subcore>, window_params = [{transform_indices = #map}, {transform_indices = #map1}, {transform_indices = #map}]} {
    %mul3A = arith.constant 131072 : i32
    %mul3A_0 = arith.muli %arg0, %mul3A : i32
    %mul3A_1 = arith.constant 8192 : i32
    %mul3A_2 = arith.muli %arg1, %mul3A_1 : i32
    %add3A = arith.addi %mul3A_0, %mul3A_2 : i32
    %dma_start3A = tpu.memref_slice %arg3[%add3A] : memref<262144xi32, #tpu.memory_space<hbm>> -> memref<128xi32, #tpu.memory_space<hbm>>
    %dma_start3A_3 = tpu.memref_slice %arg3[%add3A] : memref<262144xi32, #tpu.memory_space<hbm>> -> memref<128xi32, #tpu.memory_space<hbm>>
    tpu.enqueue_dma source(%dma_start3A_3 : memref<128xi32, #tpu.memory_space<hbm>>) target(%arg5 : memref<128xi32, #tpu.memory_space<vmem>>) target_semaphore(%arg9 : memref<!tpu.dma_semaphore, #tpu.memory_space<semaphore_mem>>)
    %add3A_4 = arith.constant 128 : i32
    %add3A_5 = arith.addi %add3A, %add3A_4 : i32
    %dma_start3A_6 = tpu.memref_slice %arg3[%add3A_5] : memref<262144xi32, #tpu.memory_space<hbm>> -> memref<128xi32, #tpu.memory_space<hbm>>
    %dma_start3A_7 = tpu.memref_slice %arg3[%add3A_5] : memref<262144xi32, #tpu.memory_space<hbm>> -> memref<128xi32, #tpu.memory_space<hbm>>
    tpu.enqueue_dma source(%dma_start3A_7 : memref<128xi32, #tpu.memory_space<hbm>>) target(%arg6 : memref<128xi32, #tpu.memory_space<vmem>>) target_semaphore(%arg10 : memref<!tpu.dma_semaphore, #tpu.memory_space<semaphore_mem>>)
    %dma_wait3A = arith.constant 0 : i32
    %dma_wait3A_8 = tpu.memref_slice %arg3[%dma_wait3A] : memref<262144xi32, #tpu.memory_space<hbm>> -> memref<128xi32, #tpu.memory_space<hbm>>
    %dma_wait3A_9 = arith.constant 0 : i32
    %dma_wait3A_10 = tpu.memref_slice %arg3[%dma_wait3A_9] : memref<262144xi32, #tpu.memory_space<hbm>> -> memref<128xi32, #tpu.memory_space<hbm>>
    tpu.wait_dma2 semaphore(%arg9 : memref<!tpu.dma_semaphore, #tpu.memory_space<semaphore_mem>>) src(%dma_wait3A_10 : memref<128xi32, #tpu.memory_space<hbm>>) dst(%arg5 : memref<128xi32, #tpu.memory_space<vmem>>)
    %dma_start3A_11 = arith.constant 0 : i32
    %dma_start3A_12 = arith.constant 0 : i32
    %dma_start3A_13 = tpu.memref_slice %arg2[%dma_start3A_11, %dma_start3A_12] : memref<8192x256xf32, #tpu.memory_space<hbm>> -> memref<8192x256xf32, #tpu.memory_space<hbm>>
    tpu.enqueue_indirect_dma source(%dma_start3A_13 : memref<8192x256xf32, #tpu.memory_space<hbm>>) target(%arg7 : memref<128x256xf32, #tpu.memory_space<vmem>>) offsets(%arg5 : memref<128xi32, #tpu.memory_space<vmem>>) semaphore(%arg11 : memref<!tpu.dma_semaphore, #tpu.memory_space<semaphore_mem>>)
    %scan3A = arith.constant 0 : i32
    %scan3A_14 = arith.constant 0 : i32
    %scan3A_15 = arith.constant 32 : i32
    %scan3A_16 = arith.addi %scan3A_14, %scan3A_15 : i32
    %scan3A_17 = arith.constant 1 : i32
    %scan3A_18 = scf.for %scan3A_32 = %scan3A_14 to %scan3A_16 step %scan3A_17 iter_args(%scan3A_33 = %scan3A) -> (i32)  : i32 {
      %mul3A_34 = arith.constant 2 : i32
      %mul3A_35 = arith.muli %mul3A_34, %scan3A_32 : i32
      %add3A_36 = arith.constant 0 : i32
      %add3A_37 = arith.addi %mul3A_35, %add3A_36 : i32
      %mul3A_38 = arith.constant 128 : i32
      %mul3A_39 = arith.muli %add3A_37, %mul3A_38 : i32
      %add3A_40 = arith.addi %add3A, %mul3A_39 : i32
      %add3A_41 = arith.constant 1 : i32
      %add3A_42 = arith.addi %add3A_37, %add3A_41 : i32
      %lt3A = arith.constant 64 : i32
      %lt3A_43 = arith.cmpi slt, %add3A_42, %lt3A : i32
      %convert_element_type3A = arith.extui %lt3A_43 : i1 to i32
      %cond3A = arith.constant 0 : i32
      %cond3A_44 = arith.cmpi ne, %convert_element_type3A, %cond3A : i32
      scf.if %cond3A_44 {
        %dma_wait3A_88 = arith.constant 0 : i32
        %dma_wait3A_89 = tpu.memref_slice %arg3[%dma_wait3A_88] : memref<262144xi32, #tpu.memory_space<hbm>> -> memref<128xi32, #tpu.memory_space<hbm>>
        %dma_wait3A_90 = arith.constant 0 : i32
        %dma_wait3A_91 = tpu.memref_slice %arg3[%dma_wait3A_90] : memref<262144xi32, #tpu.memory_space<hbm>> -> memref<128xi32, #tpu.memory_space<hbm>>
        tpu.wait_dma2 semaphore(%arg10 : memref<!tpu.dma_semaphore, #tpu.memory_space<semaphore_mem>>) src(%dma_wait3A_91 : memref<128xi32, #tpu.memory_space<hbm>>) dst(%arg6 : memref<128xi32, #tpu.memory_space<vmem>>)
        %ge3A = arith.constant 1 : i32
        %ge3A_92 = arith.cmpi sge, %add3A_37, %ge3A : i32
        %convert_element_type3A_93 = arith.extui %ge3A_92 : i1 to i32
        %cond3A_94 = arith.constant 0 : i32
        %cond3A_95 = arith.cmpi ne, %convert_element_type3A_93, %cond3A_94 : i32
        scf.if %cond3A_95 {
          %dma_wait3A_99 = arith.constant 0 : i32
          %dma_wait3A_100 = arith.constant 0 : i32
          %dma_wait3A_101 = tpu.memref_slice %arg4[%dma_wait3A_99, %dma_wait3A_100] : memref<262144x256xf32, #tpu.memory_space<hbm>> -> memref<128x256xf32, #tpu.memory_space<hbm>>
          %dma_wait3A_102 = arith.constant 0 : i32
          %dma_wait3A_103 = arith.constant 0 : i32
          %dma_wait3A_104 = tpu.memref_slice %arg4[%dma_wait3A_102, %dma_wait3A_103] : memref<262144x256xf32, #tpu.memory_space<hbm>> -> memref<128x256xf32, #tpu.memory_space<hbm>>
          tpu.wait_dma2 semaphore(%arg14 : memref<!tpu.dma_semaphore, #tpu.memory_space<semaphore_mem>>) src(%arg8 : memref<128x256xf32, #tpu.memory_space<vmem>>) dst(%dma_wait3A_104 : memref<128x256xf32, #tpu.memory_space<hbm>>)
        } else {
        }
        %dma_start3A_96 = arith.constant 0 : i32
        %dma_start3A_97 = arith.constant 0 : i32
        %dma_start3A_98 = tpu.memref_slice %arg2[%dma_start3A_96, %dma_start3A_97] : memref<8192x256xf32, #tpu.memory_space<hbm>> -> memref<8192x256xf32, #tpu.memory_space<hbm>>
        tpu.enqueue_indirect_dma source(%dma_start3A_98 : memref<8192x256xf32, #tpu.memory_space<hbm>>) target(%arg8 : memref<128x256xf32, #tpu.memory_space<vmem>>) offsets(%arg6 : memref<128xi32, #tpu.memory_space<vmem>>) semaphore(%arg12 : memref<!tpu.dma_semaphore, #tpu.memory_space<semaphore_mem>>)
      } else {
      }
      %dma_wait3A_45 = arith.constant 0 : i32
      %dma_wait3A_46 = arith.constant 0 : i32
      %dma_wait3A_47 = tpu.memref_slice %arg2[%dma_wait3A_45, %dma_wait3A_46] : memref<8192x256xf32, #tpu.memory_space<hbm>> -> memref<8192x256xf32, #tpu.memory_space<hbm>>
      tpu.wait_indirect_dma semaphore(%arg11 : memref<!tpu.dma_semaphore, #tpu.memory_space<semaphore_mem>>) src(%dma_wait3A_47 : memref<8192x256xf32, #tpu.memory_space<hbm>>) dst(%arg7 : memref<128x256xf32, #tpu.memory_space<vmem>>)
      %add3A_48 = arith.constant 2 : i32
      %add3A_49 = arith.addi %add3A_37, %add3A_48 : i32
      %lt3A_50 = arith.constant 64 : i32
      %lt3A_51 = arith.cmpi slt, %add3A_49, %lt3A_50 : i32
      %convert_element_type3A_52 = arith.extui %lt3A_51 : i1 to i32
      %cond3A_53 = arith.constant 0 : i32
      %cond3A_54 = arith.cmpi ne, %convert_element_type3A_52, %cond3A_53 : i32
      scf.if %cond3A_54 {
        %add3A_88 = arith.constant 256 : i32
        %add3A_89 = arith.addi %add3A_40, %add3A_88 : i32
        %dma_start3A_90 = tpu.memref_slice %arg3[%add3A_89] : memref<262144xi32, #tpu.memory_space<hbm>> -> memref<128xi32, #tpu.memory_space<hbm>>
        %dma_start3A_91 = tpu.memref_slice %arg3[%add3A_89] : memref<262144xi32, #tpu.memory_space<hbm>> -> memref<128xi32, #tpu.memory_space<hbm>>
        tpu.enqueue_dma source(%dma_start3A_91 : memref<128xi32, #tpu.memory_space<hbm>>) target(%arg5 : memref<128xi32, #tpu.memory_space<vmem>>) target_semaphore(%arg9 : memref<!tpu.dma_semaphore, #tpu.memory_space<semaphore_mem>>)
      } else {
      }
      %dma_start3A_55 = arith.constant 0 : i32
      %dma_start3A_56 = tpu.memref_slice %arg4[%add3A_40, %dma_start3A_55] : memref<262144x256xf32, #tpu.memory_space<hbm>> -> memref<128x256xf32, #tpu.memory_space<hbm>>
      %dma_start3A_57 = arith.constant 0 : i32
      %dma_start3A_58 = tpu.memref_slice %arg4[%add3A_40, %dma_start3A_57] : memref<262144x256xf32, #tpu.memory_space<hbm>> -> memref<128x256xf32, #tpu.memory_space<hbm>>
      tpu.enqueue_dma source(%arg7 : memref<128x256xf32, #tpu.memory_space<vmem>>) target(%dma_start3A_58 : memref<128x256xf32, #tpu.memory_space<hbm>>) target_semaphore(%arg13 : memref<!tpu.dma_semaphore, #tpu.memory_space<semaphore_mem>>)
      %mul3A_59 = arith.constant 2 : i32
      %mul3A_60 = arith.muli %mul3A_59, %scan3A_32 : i32
      %add3A_61 = arith.constant 1 : i32
      %add3A_62 = arith.addi %mul3A_60, %add3A_61 : i32
      %mul3A_63 = arith.constant 128 : i32
      %mul3A_64 = arith.muli %add3A_62, %mul3A_63 : i32
      %add3A_65 = arith.addi %add3A, %mul3A_64 : i32
      %add3A_66 = arith.constant 1 : i32
      %add3A_67 = arith.addi %add3A_62, %add3A_66 : i32
      %lt3A_68 = arith.constant 64 : i32
      %lt3A_69 = arith.cmpi slt, %add3A_67, %lt3A_68 : i32
      %convert_element_type3A_70 = arith.extui %lt3A_69 : i1 to i32
      %cond3A_71 = arith.constant 0 : i32
      %cond3A_72 = arith.cmpi ne, %convert_element_type3A_70, %cond3A_71 : i32
      scf.if %cond3A_72 {
        %dma_wait3A_88 = arith.constant 0 : i32
        %dma_wait3A_89 = tpu.memref_slice %arg3[%dma_wait3A_88] : memref<262144xi32, #tpu.memory_space<hbm>> -> memref<128xi32, #tpu.memory_space<hbm>>
        %dma_wait3A_90 = arith.constant 0 : i32
        %dma_wait3A_91 = tpu.memref_slice %arg3[%dma_wait3A_90] : memref<262144xi32, #tpu.memory_space<hbm>> -> memref<128xi32, #tpu.memory_space<hbm>>
        tpu.wait_dma2 semaphore(%arg9 : memref<!tpu.dma_semaphore, #tpu.memory_space<semaphore_mem>>) src(%dma_wait3A_91 : memref<128xi32, #tpu.memory_space<hbm>>) dst(%arg5 : memref<128xi32, #tpu.memory_space<vmem>>)
        %ge3A = arith.constant 1 : i32
        %ge3A_92 = arith.cmpi sge, %add3A_62, %ge3A : i32
        %convert_element_type3A_93 = arith.extui %ge3A_92 : i1 to i32
        %cond3A_94 = arith.constant 0 : i32
        %cond3A_95 = arith.cmpi ne, %convert_element_type3A_93, %cond3A_94 : i32
        scf.if %cond3A_95 {
          %dma_wait3A_99 = arith.constant 0 : i32
          %dma_wait3A_100 = arith.constant 0 : i32
          %dma_wait3A_101 = tpu.memref_slice %arg4[%dma_wait3A_99, %dma_wait3A_100] : memref<262144x256xf32, #tpu.memory_space<hbm>> -> memref<128x256xf32, #tpu.memory_space<hbm>>
          %dma_wait3A_102 = arith.constant 0 : i32
          %dma_wait3A_103 = arith.constant 0 : i32
          %dma_wait3A_104 = tpu.memref_slice %arg4[%dma_wait3A_102, %dma_wait3A_103] : memref<262144x256xf32, #tpu.memory_space<hbm>> -> memref<128x256xf32, #tpu.memory_space<hbm>>
          tpu.wait_dma2 semaphore(%arg13 : memref<!tpu.dma_semaphore, #tpu.memory_space<semaphore_mem>>) src(%arg7 : memref<128x256xf32, #tpu.memory_space<vmem>>) dst(%dma_wait3A_104 : memref<128x256xf32, #tpu.memory_space<hbm>>)
        } else {
        }
        %dma_start3A_96 = arith.constant 0 : i32
        %dma_start3A_97 = arith.constant 0 : i32
        %dma_start3A_98 = tpu.memref_slice %arg2[%dma_start3A_96, %dma_start3A_97] : memref<8192x256xf32, #tpu.memory_space<hbm>> -> memref<8192x256xf32, #tpu.memory_space<hbm>>
        tpu.enqueue_indirect_dma source(%dma_start3A_98 : memref<8192x256xf32, #tpu.memory_space<hbm>>) target(%arg7 : memref<128x256xf32, #tpu.memory_space<vmem>>) offsets(%arg5 : memref<128xi32, #tpu.memory_space<vmem>>) semaphore(%arg11 : memref<!tpu.dma_semaphore, #tpu.memory_space<semaphore_mem>>)
      } else {
      }
      %dma_wait3A_73 = arith.constant 0 : i32
      %dma_wait3A_74 = arith.constant 0 : i32
      %dma_wait3A_75 = tpu.memref_slice %arg2[%dma_wait3A_73, %dma_wait3A_74] : memref<8192x256xf32, #tpu.memory_space<hbm>> -> memref<8192x256xf32, #tpu.memory_space<hbm>>
      tpu.wait_indirect_dma semaphore(%arg12 : memref<!tpu.dma_semaphore, #tpu.memory_space<semaphore_mem>>) src(%dma_wait3A_75 : memref<8192x256xf32, #tpu.memory_space<hbm>>) dst(%arg8 : memref<128x256xf32, #tpu.memory_space<vmem>>)
      %add3A_76 = arith.constant 2 : i32
      %add3A_77 = arith.addi %add3A_62, %add3A_76 : i32
      %lt3A_78 = arith.constant 64 : i32
      %lt3A_79 = arith.cmpi slt, %add3A_77, %lt3A_78 : i32
      %convert_element_type3A_80 = arith.extui %lt3A_79 : i1 to i32
      %cond3A_81 = arith.constant 0 : i32
      %cond3A_82 = arith.cmpi ne, %convert_element_type3A_80, %cond3A_81 : i32
      scf.if %cond3A_82 {
        %add3A_88 = arith.constant 256 : i32
        %add3A_89 = arith.addi %add3A_65, %add3A_88 : i32
        %dma_start3A_90 = tpu.memref_slice %arg3[%add3A_89] : memref<262144xi32, #tpu.memory_space<hbm>> -> memref<128xi32, #tpu.memory_space<hbm>>
        %dma_start3A_91 = tpu.memref_slice %arg3[%add3A_89] : memref<262144xi32, #tpu.memory_space<hbm>> -> memref<128xi32, #tpu.memory_space<hbm>>
        tpu.enqueue_dma source(%dma_start3A_91 : memref<128xi32, #tpu.memory_space<hbm>>) target(%arg6 : memref<128xi32, #tpu.memory_space<vmem>>) target_semaphore(%arg10 : memref<!tpu.dma_semaphore, #tpu.memory_space<semaphore_mem>>)
      } else {
      }
      %dma_start3A_83 = arith.constant 0 : i32
      %dma_start3A_84 = tpu.memref_slice %arg4[%add3A_65, %dma_start3A_83] : memref<262144x256xf32, #tpu.memory_space<hbm>> -> memref<128x256xf32, #tpu.memory_space<hbm>>
      %dma_start3A_85 = arith.constant 0 : i32
      %dma_start3A_86 = tpu.memref_slice %arg4[%add3A_65, %dma_start3A_85] : memref<262144x256xf32, #tpu.memory_space<hbm>> -> memref<128x256xf32, #tpu.memory_space<hbm>>
      tpu.enqueue_dma source(%arg8 : memref<128x256xf32, #tpu.memory_space<vmem>>) target(%dma_start3A_86 : memref<128x256xf32, #tpu.memory_space<hbm>>) target_semaphore(%arg14 : memref<!tpu.dma_semaphore, #tpu.memory_space<semaphore_mem>>)
      %scan3A_87 = arith.constant 0 : i32
      scf.yield %scan3A_87 : i32
    }
    %scan3A_19 = arith.constant 32 : i32
    %dma_wait3A_20 = arith.constant 0 : i32
    %dma_wait3A_21 = arith.constant 0 : i32
    %dma_wait3A_22 = tpu.memref_slice %arg4[%dma_wait3A_20, %dma_wait3A_21] : memref<262144x256xf32, #tpu.memory_space<hbm>> -> memref<128x256xf32, #tpu.memory_space<hbm>>
    %dma_wait3A_23 = arith.constant 0 : i32
    %dma_wait3A_24 = arith.constant 0 : i32
    %dma_wait3A_25 = tpu.memref_slice %arg4[%dma_wait3A_23, %dma_wait3A_24] : memref<262144x256xf32, #tpu.memory_space<hbm>> -> memref<128x256xf32, #tpu.memory_space<hbm>>
    tpu.wait_dma2 semaphore(%arg13 : memref<!tpu.dma_semaphore, #tpu.memory_space<semaphore_mem>>) src(%arg7 : memref<128x256xf32, #tpu.memory_space<vmem>>) dst(%dma_wait3A_25 : memref<128x256xf32, #tpu.memory_space<hbm>>)
    %dma_wait3A_26 = arith.constant 0 : i32
    %dma_wait3A_27 = arith.constant 0 : i32
    %dma_wait3A_28 = tpu.memref_slice %arg4[%dma_wait3A_26, %dma_wait3A_27] : memref<262144x256xf32, #tpu.memory_space<hbm>> -> memref<128x256xf32, #tpu.memory_space<hbm>>
    %dma_wait3A_29 = arith.constant 0 : i32
    %dma_wait3A_30 = arith.constant 0 : i32
    %dma_wait3A_31 = tpu.memref_slice %arg4[%dma_wait3A_29, %dma_wait3A_30] : memref<262144x256xf32, #tpu.memory_space<hbm>> -> memref<128x256xf32, #tpu.memory_space<hbm>>
    tpu.wait_dma2 semaphore(%arg14 : memref<!tpu.dma_semaphore, #tpu.memory_space<semaphore_mem>>) src(%arg8 : memref<128x256xf32, #tpu.memory_space<vmem>>) dst(%dma_wait3A_31 : memref<128x256xf32, #tpu.memory_space<hbm>>)
    return
  }
}

#map = affine_map<(d0, d1) -> (0, 0)>
#map1 = affine_map<(d0, d1) -> (0)>
module attributes {stable_mosaic.version = 14 : i64} {
  func.func @gather_k(%arg0: i32, %arg1: i32, %arg2: memref<8192x256xf32, #tpu.memory_space<hbm>>, %arg3: memref<262144xi32, #tpu.memory_space<hbm>>, %arg4: memref<262144x256xf32, #tpu.memory_space<hbm>>, %arg5: memref<128xi32, #tpu.memory_space<vmem>>, %arg6: memref<128xi32, #tpu.memory_space<vmem>>, %arg7: memref<128x256xf32, #tpu.memory_space<vmem>>, %arg8: memref<128x256xf32, #tpu.memory_space<vmem>>, %arg9: memref<!tpu.dma_semaphore, #tpu.memory_space<semaphore_mem>>, %arg10: memref<!tpu.dma_semaphore, #tpu.memory_space<semaphore_mem>>, %arg11: memref<!tpu.dma_semaphore, #tpu.memory_space<semaphore_mem>>, %arg12: memref<!tpu.dma_semaphore, #tpu.memory_space<semaphore_mem>>, %arg13: memref<!tpu.dma_semaphore, #tpu.memory_space<semaphore_mem>>, %arg14: memref<!tpu.dma_semaphore, #tpu.memory_space<semaphore_mem>>) attributes {dimension_semantics = [#tpu.dimension_semantics<core_parallel>, #tpu.dimension_semantics<subcore_parallel>], iteration_bounds = array<i64: 2, 16>, scalar_prefetch = 0 : i64, scratch_operands = 10 : i64, tpu.core_type = #tpu.core_type<sc_vector_subcore>, window_params = [{transform_indices = #map}, {transform_indices = #map1}, {transform_indices = #map}]} {
    %mul3A = arith.constant 131072 : i32
    %mul3A_0 = arith.muli %arg0, %mul3A : i32
    %mul3A_1 = arith.constant 8192 : i32
    %mul3A_2 = arith.muli %arg1, %mul3A_1 : i32
    %add3A = arith.addi %mul3A_0, %mul3A_2 : i32
    %dma_start3A = tpu.memref_slice %arg3[%add3A] : memref<262144xi32, #tpu.memory_space<hbm>> -> memref<128xi32, #tpu.memory_space<hbm>>
    %dma_start3A_3 = tpu.memref_slice %arg3[%add3A] : memref<262144xi32, #tpu.memory_space<hbm>> -> memref<128xi32, #tpu.memory_space<hbm>>
    tpu.enqueue_dma source(%dma_start3A_3 : memref<128xi32, #tpu.memory_space<hbm>>) target(%arg5 : memref<128xi32, #tpu.memory_space<vmem>>) target_semaphore(%arg9 : memref<!tpu.dma_semaphore, #tpu.memory_space<semaphore_mem>>)
    %add3A_4 = arith.constant 128 : i32
    %add3A_5 = arith.addi %add3A, %add3A_4 : i32
    %dma_start3A_6 = tpu.memref_slice %arg3[%add3A_5] : memref<262144xi32, #tpu.memory_space<hbm>> -> memref<128xi32, #tpu.memory_space<hbm>>
    %dma_start3A_7 = tpu.memref_slice %arg3[%add3A_5] : memref<262144xi32, #tpu.memory_space<hbm>> -> memref<128xi32, #tpu.memory_space<hbm>>
    tpu.enqueue_dma source(%dma_start3A_7 : memref<128xi32, #tpu.memory_space<hbm>>) target(%arg6 : memref<128xi32, #tpu.memory_space<vmem>>) target_semaphore(%arg10 : memref<!tpu.dma_semaphore, #tpu.memory_space<semaphore_mem>>)
    %dma_wait3A = arith.constant 0 : i32
    %dma_wait3A_8 = tpu.memref_slice %arg3[%dma_wait3A] : memref<262144xi32, #tpu.memory_space<hbm>> -> memref<128xi32, #tpu.memory_space<hbm>>
    %dma_wait3A_9 = arith.constant 0 : i32
    %dma_wait3A_10 = tpu.memref_slice %arg3[%dma_wait3A_9] : memref<262144xi32, #tpu.memory_space<hbm>> -> memref<128xi32, #tpu.memory_space<hbm>>
    tpu.wait_dma2 semaphore(%arg9 : memref<!tpu.dma_semaphore, #tpu.memory_space<semaphore_mem>>) src(%dma_wait3A_10 : memref<128xi32, #tpu.memory_space<hbm>>) dst(%arg5 : memref<128xi32, #tpu.memory_space<vmem>>)
    %dma_start3A_11 = arith.constant 0 : i32
    %dma_start3A_12 = arith.constant 0 : i32
    %dma_start3A_13 = tpu.memref_slice %arg2[%dma_start3A_11, %dma_start3A_12] : memref<8192x256xf32, #tpu.memory_space<hbm>> -> memref<8192x256xf32, #tpu.memory_space<hbm>>
    tpu.enqueue_indirect_dma source(%dma_start3A_13 : memref<8192x256xf32, #tpu.memory_space<hbm>>) target(%arg7 : memref<128x256xf32, #tpu.memory_space<vmem>>) offsets(%arg5 : memref<128xi32, #tpu.memory_space<vmem>>) semaphore(%arg11 : memref<!tpu.dma_semaphore, #tpu.memory_space<semaphore_mem>>)
    %scan3A = arith.constant 0 : i32
    %scan3A_14 = arith.constant 0 : i32
    %scan3A_15 = arith.constant 32 : i32
    %scan3A_16 = arith.addi %scan3A_14, %scan3A_15 : i32
    %scan3A_17 = arith.constant 1 : i32
    %scan3A_18 = scf.for %scan3A_32 = %scan3A_14 to %scan3A_16 step %scan3A_17 iter_args(%scan3A_33 = %scan3A) -> (i32)  : i32 {
      %mul3A_34 = arith.constant 2 : i32
      %mul3A_35 = arith.muli %mul3A_34, %scan3A_32 : i32
      %add3A_36 = arith.constant 0 : i32
      %add3A_37 = arith.addi %mul3A_35, %add3A_36 : i32
      %mul3A_38 = arith.constant 128 : i32
      %mul3A_39 = arith.muli %add3A_37, %mul3A_38 : i32
      %add3A_40 = arith.addi %add3A, %mul3A_39 : i32
      %add3A_41 = arith.constant 1 : i32
      %add3A_42 = arith.addi %add3A_37, %add3A_41 : i32
      %lt3A = arith.constant 64 : i32
      %lt3A_43 = arith.cmpi slt, %add3A_42, %lt3A : i32
      %convert_element_type3A = arith.extui %lt3A_43 : i1 to i32
      %cond3A = arith.constant 0 : i32
      %cond3A_44 = arith.cmpi ne, %convert_element_type3A, %cond3A : i32
      scf.if %cond3A_44 {
        %dma_wait3A_88 = arith.constant 0 : i32
        %dma_wait3A_89 = tpu.memref_slice %arg3[%dma_wait3A_88] : memref<262144xi32, #tpu.memory_space<hbm>> -> memref<128xi32, #tpu.memory_space<hbm>>
        %dma_wait3A_90 = arith.constant 0 : i32
        %dma_wait3A_91 = tpu.memref_slice %arg3[%dma_wait3A_90] : memref<262144xi32, #tpu.memory_space<hbm>> -> memref<128xi32, #tpu.memory_space<hbm>>
        tpu.wait_dma2 semaphore(%arg10 : memref<!tpu.dma_semaphore, #tpu.memory_space<semaphore_mem>>) src(%dma_wait3A_91 : memref<128xi32, #tpu.memory_space<hbm>>) dst(%arg6 : memref<128xi32, #tpu.memory_space<vmem>>)
        %ge3A = arith.constant 1 : i32
        %ge3A_92 = arith.cmpi sge, %add3A_37, %ge3A : i32
        %convert_element_type3A_93 = arith.extui %ge3A_92 : i1 to i32
        %cond3A_94 = arith.constant 0 : i32
        %cond3A_95 = arith.cmpi ne, %convert_element_type3A_93, %cond3A_94 : i32
        scf.if %cond3A_95 {
          %dma_wait3A_99 = arith.constant 0 : i32
          %dma_wait3A_100 = arith.constant 0 : i32
          %dma_wait3A_101 = tpu.memref_slice %arg4[%dma_wait3A_99, %dma_wait3A_100] : memref<262144x256xf32, #tpu.memory_space<hbm>> -> memref<128x256xf32, #tpu.memory_space<hbm>>
          %dma_wait3A_102 = arith.constant 0 : i32
          %dma_wait3A_103 = arith.constant 0 : i32
          %dma_wait3A_104 = tpu.memref_slice %arg4[%dma_wait3A_102, %dma_wait3A_103] : memref<262144x256xf32, #tpu.memory_space<hbm>> -> memref<128x256xf32, #tpu.memory_space<hbm>>
          tpu.wait_dma2 semaphore(%arg14 : memref<!tpu.dma_semaphore, #tpu.memory_space<semaphore_mem>>) src(%arg8 : memref<128x256xf32, #tpu.memory_space<vmem>>) dst(%dma_wait3A_104 : memref<128x256xf32, #tpu.memory_space<hbm>>)
        } else {
        }
        %dma_start3A_96 = arith.constant 0 : i32
        %dma_start3A_97 = arith.constant 0 : i32
        %dma_start3A_98 = tpu.memref_slice %arg2[%dma_start3A_96, %dma_start3A_97] : memref<8192x256xf32, #tpu.memory_space<hbm>> -> memref<8192x256xf32, #tpu.memory_space<hbm>>
        tpu.enqueue_indirect_dma source(%dma_start3A_98 : memref<8192x256xf32, #tpu.memory_space<hbm>>) target(%arg8 : memref<128x256xf32, #tpu.memory_space<vmem>>) offsets(%arg6 : memref<128xi32, #tpu.memory_space<vmem>>) semaphore(%arg12 : memref<!tpu.dma_semaphore, #tpu.memory_space<semaphore_mem>>)
      } else {
      }
      %dma_wait3A_45 = arith.constant 0 : i32
      %dma_wait3A_46 = arith.constant 0 : i32
      %dma_wait3A_47 = tpu.memref_slice %arg2[%dma_wait3A_45, %dma_wait3A_46] : memref<8192x256xf32, #tpu.memory_space<hbm>> -> memref<8192x256xf32, #tpu.memory_space<hbm>>
      tpu.wait_indirect_dma semaphore(%arg11 : memref<!tpu.dma_semaphore, #tpu.memory_space<semaphore_mem>>) src(%dma_wait3A_47 : memref<8192x256xf32, #tpu.memory_space<hbm>>) dst(%arg7 : memref<128x256xf32, #tpu.memory_space<vmem>>)
      %add3A_48 = arith.constant 2 : i32
      %add3A_49 = arith.addi %add3A_37, %add3A_48 : i32
      %lt3A_50 = arith.constant 64 : i32
      %lt3A_51 = arith.cmpi slt, %add3A_49, %lt3A_50 : i32
      %convert_element_type3A_52 = arith.extui %lt3A_51 : i1 to i32
      %cond3A_53 = arith.constant 0 : i32
      %cond3A_54 = arith.cmpi ne, %convert_element_type3A_52, %cond3A_53 : i32
      scf.if %cond3A_54 {
        %add3A_88 = arith.constant 256 : i32
        %add3A_89 = arith.addi %add3A_40, %add3A_88 : i32
        %dma_start3A_90 = tpu.memref_slice %arg3[%add3A_89] : memref<262144xi32, #tpu.memory_space<hbm>> -> memref<128xi32, #tpu.memory_space<hbm>>
        %dma_start3A_91 = tpu.memref_slice %arg3[%add3A_89] : memref<262144xi32, #tpu.memory_space<hbm>> -> memref<128xi32, #tpu.memory_space<hbm>>
        tpu.enqueue_dma source(%dma_start3A_91 : memref<128xi32, #tpu.memory_space<hbm>>) target(%arg5 : memref<128xi32, #tpu.memory_space<vmem>>) target_semaphore(%arg9 : memref<!tpu.dma_semaphore, #tpu.memory_space<semaphore_mem>>)
      } else {
      }
      %dma_start3A_55 = arith.constant 0 : i32
      %dma_start3A_56 = tpu.memref_slice %arg4[%add3A_40, %dma_start3A_55] : memref<262144x256xf32, #tpu.memory_space<hbm>> -> memref<128x256xf32, #tpu.memory_space<hbm>>
      %dma_start3A_57 = arith.constant 0 : i32
      %dma_start3A_58 = tpu.memref_slice %arg4[%add3A_40, %dma_start3A_57] : memref<262144x256xf32, #tpu.memory_space<hbm>> -> memref<128x256xf32, #tpu.memory_space<hbm>>
      tpu.enqueue_dma source(%arg7 : memref<128x256xf32, #tpu.memory_space<vmem>>) target(%dma_start3A_58 : memref<128x256xf32, #tpu.memory_space<hbm>>) target_semaphore(%arg13 : memref<!tpu.dma_semaphore, #tpu.memory_space<semaphore_mem>>)
      %mul3A_59 = arith.constant 2 : i32
      %mul3A_60 = arith.muli %mul3A_59, %scan3A_32 : i32
      %add3A_61 = arith.constant 1 : i32
      %add3A_62 = arith.addi %mul3A_60, %add3A_61 : i32
      %mul3A_63 = arith.constant 128 : i32
      %mul3A_64 = arith.muli %add3A_62, %mul3A_63 : i32
      %add3A_65 = arith.addi %add3A, %mul3A_64 : i32
      %add3A_66 = arith.constant 1 : i32
      %add3A_67 = arith.addi %add3A_62, %add3A_66 : i32
      %lt3A_68 = arith.constant 64 : i32
      %lt3A_69 = arith.cmpi slt, %add3A_67, %lt3A_68 : i32
      %convert_element_type3A_70 = arith.extui %lt3A_69 : i1 to i32
      %cond3A_71 = arith.constant 0 : i32
      %cond3A_72 = arith.cmpi ne, %convert_element_type3A_70, %cond3A_71 : i32
      scf.if %cond3A_72 {
        %dma_wait3A_88 = arith.constant 0 : i32
        %dma_wait3A_89 = tpu.memref_slice %arg3[%dma_wait3A_88] : memref<262144xi32, #tpu.memory_space<hbm>> -> memref<128xi32, #tpu.memory_space<hbm>>
        %dma_wait3A_90 = arith.constant 0 : i32
        %dma_wait3A_91 = tpu.memref_slice %arg3[%dma_wait3A_90] : memref<262144xi32, #tpu.memory_space<hbm>> -> memref<128xi32, #tpu.memory_space<hbm>>
        tpu.wait_dma2 semaphore(%arg9 : memref<!tpu.dma_semaphore, #tpu.memory_space<semaphore_mem>>) src(%dma_wait3A_91 : memref<128xi32, #tpu.memory_space<hbm>>) dst(%arg5 : memref<128xi32, #tpu.memory_space<vmem>>)
        %ge3A = arith.constant 1 : i32
        %ge3A_92 = arith.cmpi sge, %add3A_62, %ge3A : i32
        %convert_element_type3A_93 = arith.extui %ge3A_92 : i1 to i32
        %cond3A_94 = arith.constant 0 : i32
        %cond3A_95 = arith.cmpi ne, %convert_element_type3A_93, %cond3A_94 : i32
        scf.if %cond3A_95 {
          %dma_wait3A_99 = arith.constant 0 : i32
          %dma_wait3A_100 = arith.constant 0 : i32
          %dma_wait3A_101 = tpu.memref_slice %arg4[%dma_wait3A_99, %dma_wait3A_100] : memref<262144x256xf32, #tpu.memory_space<hbm>> -> memref<128x256xf32, #tpu.memory_space<hbm>>
          %dma_wait3A_102 = arith.constant 0 : i32
          %dma_wait3A_103 = arith.constant 0 : i32
          %dma_wait3A_104 = tpu.memref_slice %arg4[%dma_wait3A_102, %dma_wait3A_103] : memref<262144x256xf32, #tpu.memory_space<hbm>> -> memref<128x256xf32, #tpu.memory_space<hbm>>
          tpu.wait_dma2 semaphore(%arg13 : memref<!tpu.dma_semaphore, #tpu.memory_space<semaphore_mem>>) src(%arg7 : memref<128x256xf32, #tpu.memory_space<vmem>>) dst(%dma_wait3A_104 : memref<128x256xf32, #tpu.memory_space<hbm>>)
        } else {
        }
        %dma_start3A_96 = arith.constant 0 : i32
        %dma_start3A_97 = arith.constant 0 : i32
        %dma_start3A_98 = tpu.memref_slice %arg2[%dma_start3A_96, %dma_start3A_97] : memref<8192x256xf32, #tpu.memory_space<hbm>> -> memref<8192x256xf32, #tpu.memory_space<hbm>>
        tpu.enqueue_indirect_dma source(%dma_start3A_98 : memref<8192x256xf32, #tpu.memory_space<hbm>>) target(%arg7 : memref<128x256xf32, #tpu.memory_space<vmem>>) offsets(%arg5 : memref<128xi32, #tpu.memory_space<vmem>>) semaphore(%arg11 : memref<!tpu.dma_semaphore, #tpu.memory_space<semaphore_mem>>)
      } else {
      }
      %dma_wait3A_73 = arith.constant 0 : i32
      %dma_wait3A_74 = arith.constant 0 : i32
      %dma_wait3A_75 = tpu.memref_slice %arg2[%dma_wait3A_73, %dma_wait3A_74] : memref<8192x256xf32, #tpu.memory_space<hbm>> -> memref<8192x256xf32, #tpu.memory_space<hbm>>
      tpu.wait_indirect_dma semaphore(%arg12 : memref<!tpu.dma_semaphore, #tpu.memory_space<semaphore_mem>>) src(%dma_wait3A_75 : memref<8192x256xf32, #tpu.memory_space<hbm>>) dst(%arg8 : memref<128x256xf32, #tpu.memory_space<vmem>>)
      %add3A_76 = arith.constant 2 : i32
      %add3A_77 = arith.addi %add3A_62, %add3A_76 : i32
      %lt3A_78 = arith.constant 64 : i32
      %lt3A_79 = arith.cmpi slt, %add3A_77, %lt3A_78 : i32
      %convert_element_type3A_80 = arith.extui %lt3A_79 : i1 to i32
      %cond3A_81 = arith.constant 0 : i32
      %cond3A_82 = arith.cmpi ne, %convert_element_type3A_80, %cond3A_81 : i32
      scf.if %cond3A_82 {
        %add3A_88 = arith.constant 256 : i32
        %add3A_89 = arith.addi %add3A_65, %add3A_88 : i32
        %dma_start3A_90 = tpu.memref_slice %arg3[%add3A_89] : memref<262144xi32, #tpu.memory_space<hbm>> -> memref<128xi32, #tpu.memory_space<hbm>>
        %dma_start3A_91 = tpu.memref_slice %arg3[%add3A_89] : memref<262144xi32, #tpu.memory_space<hbm>> -> memref<128xi32, #tpu.memory_space<hbm>>
        tpu.enqueue_dma source(%dma_start3A_91 : memref<128xi32, #tpu.memory_space<hbm>>) target(%arg6 : memref<128xi32, #tpu.memory_space<vmem>>) target_semaphore(%arg10 : memref<!tpu.dma_semaphore, #tpu.memory_space<semaphore_mem>>)
      } else {
      }
      %dma_start3A_83 = arith.constant 0 : i32
      %dma_start3A_84 = tpu.memref_slice %arg4[%add3A_65, %dma_start3A_83] : memref<262144x256xf32, #tpu.memory_space<hbm>> -> memref<128x256xf32, #tpu.memory_space<hbm>>
      %dma_start3A_85 = arith.constant 0 : i32
      %dma_start3A_86 = tpu.memref_slice %arg4[%add3A_65, %dma_start3A_85] : memref<262144x256xf32, #tpu.memory_space<hbm>> -> memref<128x256xf32, #tpu.memory_space<hbm>>
      tpu.enqueue_dma source(%arg8 : memref<128x256xf32, #tpu.memory_space<vmem>>) target(%dma_start3A_86 : memref<128x256xf32, #tpu.memory_space<hbm>>) target_semaphore(%arg14 : memref<!tpu.dma_semaphore, #tpu.memory_space<semaphore_mem>>)
      %scan3A_87 = arith.constant 0 : i32
      scf.yield %scan3A_87 : i32
    }
    %scan3A_19 = arith.constant 32 : i32
    %dma_wait3A_20 = arith.constant 0 : i32
    %dma_wait3A_21 = arith.constant 0 : i32
    %dma_wait3A_22 = tpu.memref_slice %arg4[%dma_wait3A_20, %dma_wait3A_21] : memref<262144x256xf32, #tpu.memory_space<hbm>> -> memref<128x256xf32, #tpu.memory_space<hbm>>
    %dma_wait3A_23 = arith.constant 0 : i32
    %dma_wait3A_24 = arith.constant 0 : i32
    %dma_wait3A_25 = tpu.memref_slice %arg4[%dma_wait3A_23, %dma_wait3A_24] : memref<262144x256xf32, #tpu.memory_space<hbm>> -> memref<128x256xf32, #tpu.memory_space<hbm>>
    tpu.wait_dma2 semaphore(%arg13 : memref<!tpu.dma_semaphore, #tpu.memory_space<semaphore_mem>>) src(%arg7 : memref<128x256xf32, #tpu.memory_space<vmem>>) dst(%dma_wait3A_25 : memref<128x256xf32, #tpu.memory_space<hbm>>)
    %dma_wait3A_26 = arith.constant 0 : i32
    %dma_wait3A_27 = arith.constant 0 : i32
    %dma_wait3A_28 = tpu.memref_slice %arg4[%dma_wait3A_26, %dma_wait3A_27] : memref<262144x256xf32, #tpu.memory_space<hbm>> -> memref<128x256xf32, #tpu.memory_space<hbm>>
    %dma_wait3A_29 = arith.constant 0 : i32
    %dma_wait3A_30 = arith.constant 0 : i32
    %dma_wait3A_31 = tpu.memref_slice %arg4[%dma_wait3A_29, %dma_wait3A_30] : memref<262144x256xf32, #tpu.memory_space<hbm>> -> memref<128x256xf32, #tpu.memory_space<hbm>>
    tpu.wait_dma2 semaphore(%arg14 : memref<!tpu.dma_semaphore, #tpu.memory_space<semaphore_mem>>) src(%arg8 : memref<128x256xf32, #tpu.memory_space<vmem>>) dst(%dma_wait3A_31 : memref<128x256xf32, #tpu.memory_space<hbm>>)
    return
  }
}

module attributes {stable_mosaic.version = 14 : i64} {
  func.func @_stage1_body(%arg0: i32, %arg1: memref<512x1xi32, #tpu.memory_space<vmem>>, %arg2: memref<512x16xf32, #tpu.memory_space<vmem>>, %arg3: memref<32x512xf32, #tpu.memory_space<vmem>>, %arg4: memref<512x256xf32, #tpu.memory_space<vmem>>, %arg5: memref<16x256xf32, #tpu.memory_space<vmem>>, %arg6: memref<1x256xf32, #tpu.memory_space<vmem>>, %arg7: memref<256x256xf32, #tpu.memory_space<vmem>>, %arg8: memref<1x256xf32, #tpu.memory_space<vmem>>, %arg9: memref<256x256xf32, #tpu.memory_space<vmem>>, %arg10: memref<512x256xf32, #tpu.memory_space<vmem>>, %arg11: memref<512x256xf32, #tpu.memory_space<vmem>>) attributes {dimension_semantics = [#tpu.dimension_semantics<arbitrary>], iteration_bounds = array<i64: 16>, scalar_prefetch = 0 : i64, scratch_operands = 0 : i64, tpu.core_type = #tpu.core_type<tc>, window_params = [{transform_indices = @transform_0, window_bounds = array<i64: 512, 1>}, {transform_indices = @transform_1, window_bounds = array<i64: 512, 16>}, {pipeline_mode = #tpu.pipeline_mode<synchronous>, transform_indices = @transform_2, window_bounds = array<i64: 32, 512>}, {pipeline_mode = #tpu.pipeline_mode<synchronous>, transform_indices = @transform_3, window_bounds = array<i64: 512, 256>}, {pipeline_mode = #tpu.pipeline_mode<synchronous>, transform_indices = @transform_4, window_bounds = array<i64: 16, 256>}, {pipeline_mode = #tpu.pipeline_mode<synchronous>, transform_indices = @transform_5, window_bounds = array<i64: 1, 256>}, {pipeline_mode = #tpu.pipeline_mode<synchronous>, transform_indices = @transform_6, window_bounds = array<i64: 256, 256>}, {pipeline_mode = #tpu.pipeline_mode<synchronous>, transform_indices = @transform_7, window_bounds = array<i64: 1, 256>}, {pipeline_mode = #tpu.pipeline_mode<synchronous>, transform_indices = @transform_8, window_bounds = array<i64: 256, 256>}, {transform_indices = @transform_9, window_bounds = array<i64: 512, 256>}, {transform_indices = @transform_10, window_bounds = array<i64: 512, 256>}]} {
    %get3A = arith.constant 0 : index
    %get3A_0 = arith.constant 0 : index
    %get3A_1 = vector.load %arg1[%get3A, %get3A_0] : memref<512x1xi32, #tpu.memory_space<vmem>>, vector<512x1xi32>
    %iota3A = tpu.iota {dimensions = array<i32: 1>} : vector<512x32xi32>
    %eq3A = vector.broadcast %get3A_1 : vector<512x1xi32> to vector<512x32xi32>
    %eq3A_2 = arith.cmpi eq, %eq3A, %iota3A : vector<512x32xi32>
    %convert_element_type3A = arith.extui %eq3A_2 : vector<512x32xi1> to vector<512x32xi32>
    %convert_element_type3A_3 = arith.sitofp %convert_element_type3A : vector<512x32xi32> to vector<512x32xf32>
    %get3A_4 = arith.constant 0 : index
    %get3A_5 = arith.constant 0 : index
    %get3A_6 = vector.load %arg3[%get3A_4, %get3A_5] : memref<32x512xf32, #tpu.memory_space<vmem>>, vector<32x512xf32>
    %dot_general3A = arith.constant dense<0.000000e+00> : vector<512x512xf32>
    %dot_general3A_7 = tpu.matmul %convert_element_type3A_3, %get3A_6, %dot_general3A {dimension_numbers = #tpu.dot_dimension_numbers<[1], [0], [0], [1], [0, 0, 1, 1], [], []>, transpose_lhs_hint = false} : vector<512x32xf32>, vector<32x512xf32>, vector<512x512xf32> -> vector<512x512xf32>
    %get3A_8 = arith.constant 0 : index
    %get3A_9 = arith.constant 0 : index
    %get3A_10 = vector.load %arg4[%get3A_8, %get3A_9] : memref<512x256xf32, #tpu.memory_space<vmem>>, vector<512x256xf32>
    %dot_general3A_11 = arith.constant dense<0.000000e+00> : vector<512x256xf32>
    %dot_general3A_12 = tpu.matmul %dot_general3A_7, %get3A_10, %dot_general3A_11 {dimension_numbers = #tpu.dot_dimension_numbers<[1], [0], [0], [1], [0, 0, 1, 1], [], []>, transpose_lhs_hint = false} : vector<512x512xf32>, vector<512x256xf32>, vector<512x256xf32> -> vector<512x256xf32>
    %get3A_13 = arith.constant 0 : index
    %get3A_14 = arith.constant 0 : index
    %get3A_15 = vector.load %arg2[%get3A_13, %get3A_14] : memref<512x16xf32, #tpu.memory_space<vmem>>, vector<512x16xf32>
    %get3A_16 = arith.constant 0 : index
    %get3A_17 = arith.constant 0 : index
    %get3A_18 = vector.load %arg5[%get3A_16, %get3A_17] : memref<16x256xf32, #tpu.memory_space<vmem>>, vector<16x256xf32>
    %dot_general3A_19 = arith.constant dense<0.000000e+00> : vector<512x256xf32>
    %dot_general3A_20 = tpu.matmul %get3A_15, %get3A_18, %dot_general3A_19 {dimension_numbers = #tpu.dot_dimension_numbers<[1], [0], [0], [1], [0, 0, 1, 1], [], []>, transpose_lhs_hint = false} : vector<512x16xf32>, vector<16x256xf32>, vector<512x256xf32> -> vector<512x256xf32>
    %add3A = arith.addf %dot_general3A_12, %dot_general3A_20 : vector<512x256xf32>
    %get3A_21 = arith.constant 0 : index
    %get3A_22 = arith.constant 0 : index
    %get3A_23 = vector.load %arg6[%get3A_21, %get3A_22] : memref<1x256xf32, #tpu.memory_space<vmem>>, vector<1x256xf32>
    %add3A_24 = vector.broadcast %get3A_23 : vector<1x256xf32> to vector<512x256xf32>
    %add3A_25 = arith.addf %add3A, %add3A_24 : vector<512x256xf32>
    %logistic3A = arith.negf %add3A_25 : vector<512x256xf32>
    %logistic3A_26 = math.exp %logistic3A : vector<512x256xf32>
    %logistic3A_27 = arith.constant 1.000000e+00 : f32
    %logistic3A_28 = vector.broadcast %logistic3A_27 : f32 to vector<512x256xf32>
    %logistic3A_29 = arith.addf %logistic3A_28, %logistic3A_26 : vector<512x256xf32>
    %logistic3A_30 = arith.divf %logistic3A_28, %logistic3A_29 : vector<512x256xf32>
    %mul3A = arith.mulf %add3A_25, %logistic3A_30 : vector<512x256xf32>
    %get3A_31 = arith.constant 0 : index
    %get3A_32 = arith.constant 0 : index
    %get3A_33 = vector.load %arg7[%get3A_31, %get3A_32] : memref<256x256xf32, #tpu.memory_space<vmem>>, vector<256x256xf32>
    %dot_general3A_34 = arith.constant dense<0.000000e+00> : vector<512x256xf32>
    %dot_general3A_35 = tpu.matmul %mul3A, %get3A_33, %dot_general3A_34 {dimension_numbers = #tpu.dot_dimension_numbers<[1], [0], [0], [1], [0, 0, 1, 1], [], []>, transpose_lhs_hint = false} : vector<512x256xf32>, vector<256x256xf32>, vector<512x256xf32> -> vector<512x256xf32>
    %get3A_36 = arith.constant 0 : index
    %get3A_37 = arith.constant 0 : index
    %get3A_38 = vector.load %arg8[%get3A_36, %get3A_37] : memref<1x256xf32, #tpu.memory_space<vmem>>, vector<1x256xf32>
    %add3A_39 = vector.broadcast %get3A_38 : vector<1x256xf32> to vector<512x256xf32>
    %add3A_40 = arith.addf %dot_general3A_35, %add3A_39 : vector<512x256xf32>
    %logistic3A_41 = arith.negf %add3A_40 : vector<512x256xf32>
    %logistic3A_42 = math.exp %logistic3A_41 : vector<512x256xf32>
    %logistic3A_43 = arith.constant 1.000000e+00 : f32
    %logistic3A_44 = vector.broadcast %logistic3A_43 : f32 to vector<512x256xf32>
    %logistic3A_45 = arith.addf %logistic3A_44, %logistic3A_42 : vector<512x256xf32>
    %logistic3A_46 = arith.divf %logistic3A_44, %logistic3A_45 : vector<512x256xf32>
    %mul3A_47 = arith.mulf %add3A_40, %logistic3A_46 : vector<512x256xf32>
    %swap3A = arith.constant 0 : index
    %swap3A_48 = arith.constant 0 : index
    %swap3A_49 = vector.load %arg10[%swap3A, %swap3A_48] : memref<512x256xf32, #tpu.memory_space<vmem>>, vector<512x256xf32>
    tpu.vector_store %arg10[%swap3A, %swap3A_48], %mul3A_47 {strides = array<i32>} : memref<512x256xf32, #tpu.memory_space<vmem>>, vector<512x256xf32>,
    %get3A_50 = arith.constant 0 : index
    %get3A_51 = arith.constant 0 : index
    %get3A_52 = vector.load %arg9[%get3A_50, %get3A_51] : memref<256x256xf32, #tpu.memory_space<vmem>>, vector<256x256xf32>
    %dot_general3A_53 = arith.constant dense<0.000000e+00> : vector<512x256xf32>
    %dot_general3A_54 = tpu.matmul %mul3A_47, %get3A_52, %dot_general3A_53 {dimension_numbers = #tpu.dot_dimension_numbers<[1], [0], [0], [1], [0, 0, 1, 1], [], []>, transpose_lhs_hint = false} : vector<512x256xf32>, vector<256x256xf32>, vector<512x256xf32> -> vector<512x256xf32>
    %swap3A_55 = arith.constant 0 : index
    %swap3A_56 = arith.constant 0 : index
    %swap3A_57 = vector.load %arg11[%swap3A_55, %swap3A_56] : memref<512x256xf32, #tpu.memory_space<vmem>>, vector<512x256xf32>
    tpu.vector_store %arg11[%swap3A_55, %swap3A_56], %dot_general3A_54 {strides = array<i32>} : memref<512x256xf32, #tpu.memory_space<vmem>>, vector<512x256xf32>,
    return
  }
  func.func @transform_0(%arg0: i32) -> (i32, i32) {
    %c0_i32 = arith.constant 0 : i32
    %c0_i32_0 = arith.constant 0 : i32
    return %arg0, %c0_i32 : i32, i32
  }
  func.func @transform_1(%arg0: i32) -> (i32, i32) {
    %c0_i32 = arith.constant 0 : i32
    %c0_i32_0 = arith.constant 0 : i32
    return %arg0, %c0_i32 : i32, i32
  }
  func.func @transform_2(%arg0: i32) -> (i32, i32) {
    %c0_i32 = arith.constant 0 : i32
    %c0_i32_0 = arith.constant 0 : i32
    %c0_i32_1 = arith.constant 0 : i32
    return %c0_i32, %c0_i32_0 : i32, i32
  }
  func.func @transform_3(%arg0: i32) -> (i32, i32) {
    %c0_i32 = arith.constant 0 : i32
    %c0_i32_0 = arith.constant 0 : i32
    %c0_i32_1 = arith.constant 0 : i32
    return %c0_i32, %c0_i32_0 : i32, i32
  }
  func.func @transform_4(%arg0: i32) -> (i32, i32) {
    %c0_i32 = arith.constant 0 : i32
    %c0_i32_0 = arith.constant 0 : i32
    %c0_i32_1 = arith.constant 0 : i32
    return %c0_i32, %c0_i32_0 : i32, i32
  }
  func.func @transform_5(%arg0: i32) -> (i32, i32) {
    %c0_i32 = arith.constant 0 : i32
    %c0_i32_0 = arith.constant 0 : i32
    %c0_i32_1 = arith.constant 0 : i32
    return %c0_i32, %c0_i32_0 : i32, i32
  }
  func.func @transform_6(%arg0: i32) -> (i32, i32) {
    %c0_i32 = arith.constant 0 : i32
    %c0_i32_0 = arith.constant 0 : i32
    %c0_i32_1 = arith.constant 0 : i32
    return %c0_i32, %c0_i32_0 : i32, i32
  }
  func.func @transform_7(%arg0: i32) -> (i32, i32) {
    %c0_i32 = arith.constant 0 : i32
    %c0_i32_0 = arith.constant 0 : i32
    %c0_i32_1 = arith.constant 0 : i32
    return %c0_i32, %c0_i32_0 : i32, i32
  }
  func.func @transform_8(%arg0: i32) -> (i32, i32) {
    %c0_i32 = arith.constant 0 : i32
    %c0_i32_0 = arith.constant 0 : i32
    %c0_i32_1 = arith.constant 0 : i32
    return %c0_i32, %c0_i32_0 : i32, i32
  }
  func.func @transform_9(%arg0: i32) -> (i32, i32) {
    %c0_i32 = arith.constant 0 : i32
    %c0_i32_0 = arith.constant 0 : i32
    return %arg0, %c0_i32 : i32, i32
  }
  func.func @transform_10(%arg0: i32) -> (i32, i32) {
    %c0_i32 = arith.constant 0 : i32
    %c0_i32_0 = arith.constant 0 : i32
    return %arg0, %c0_i32 : i32, i32
  }
}

module attributes {stable_mosaic.version = 14 : i64} {
  func.func @_stage2_body(%arg0: i32, %arg1: memref<2048x1xf32, #tpu.memory_space<vmem>>, %arg2: memref<1x128xf32, #tpu.memory_space<vmem>>, %arg3: memref<1x128xf32, #tpu.memory_space<vmem>>, %arg4: memref<128x256xf32, #tpu.memory_space<vmem>>, %arg5: memref<1x256xf32, #tpu.memory_space<vmem>>, %arg6: memref<2048x256xf32, #tpu.memory_space<vmem>>) attributes {dimension_semantics = [#tpu.dimension_semantics<arbitrary>], iteration_bounds = array<i64: 128>, scalar_prefetch = 0 : i64, scratch_operands = 0 : i64, tpu.core_type = #tpu.core_type<tc>, window_params = [{transform_indices = @transform_0, window_bounds = array<i64: 2048, 1>}, {pipeline_mode = #tpu.pipeline_mode<synchronous>, transform_indices = @transform_1, window_bounds = array<i64: 1, 128>}, {pipeline_mode = #tpu.pipeline_mode<synchronous>, transform_indices = @transform_2, window_bounds = array<i64: 1, 128>}, {pipeline_mode = #tpu.pipeline_mode<synchronous>, transform_indices = @transform_3, window_bounds = array<i64: 128, 256>}, {pipeline_mode = #tpu.pipeline_mode<synchronous>, transform_indices = @transform_4, window_bounds = array<i64: 1, 256>}, {transform_indices = @transform_5, window_bounds = array<i64: 2048, 256>}]} {
    %get3A = arith.constant 0 : index
    %get3A_0 = arith.constant 0 : index
    %get3A_1 = vector.load %arg1[%get3A, %get3A_0] : memref<2048x1xf32, #tpu.memory_space<vmem>>, vector<2048x1xf32>
    %get3A_2 = arith.constant 0 : index
    %get3A_3 = arith.constant 0 : index
    %get3A_4 = vector.load %arg2[%get3A_2, %get3A_3] : memref<1x128xf32, #tpu.memory_space<vmem>>, vector<1x128xf32>
    %mul3A = vector.broadcast %get3A_1 : vector<2048x1xf32> to vector<2048x128xf32>
    %mul3A_5 = vector.broadcast %get3A_4 : vector<1x128xf32> to vector<2048x128xf32>
    %mul3A_6 = arith.mulf %mul3A, %mul3A_5 : vector<2048x128xf32>
    %get3A_7 = arith.constant 0 : index
    %get3A_8 = arith.constant 0 : index
    %get3A_9 = vector.load %arg3[%get3A_7, %get3A_8] : memref<1x128xf32, #tpu.memory_space<vmem>>, vector<1x128xf32>
    %add3A = vector.broadcast %get3A_9 : vector<1x128xf32> to vector<2048x128xf32>
    %add3A_10 = arith.addf %mul3A_6, %add3A : vector<2048x128xf32>
    %logistic3A = arith.negf %add3A_10 : vector<2048x128xf32>
    %logistic3A_11 = math.exp %logistic3A : vector<2048x128xf32>
    %logistic3A_12 = arith.constant 1.000000e+00 : f32
    %logistic3A_13 = vector.broadcast %logistic3A_12 : f32 to vector<2048x128xf32>
    %logistic3A_14 = arith.addf %logistic3A_13, %logistic3A_11 : vector<2048x128xf32>
    %logistic3A_15 = arith.divf %logistic3A_13, %logistic3A_14 : vector<2048x128xf32>
    %mul3A_16 = arith.mulf %add3A_10, %logistic3A_15 : vector<2048x128xf32>
    %get3A_17 = arith.constant 0 : index
    %get3A_18 = arith.constant 0 : index
    %get3A_19 = vector.load %arg4[%get3A_17, %get3A_18] : memref<128x256xf32, #tpu.memory_space<vmem>>, vector<128x256xf32>
    %dot_general3A = arith.constant dense<0.000000e+00> : vector<2048x256xf32>
    %dot_general3A_20 = tpu.matmul %mul3A_16, %get3A_19, %dot_general3A {dimension_numbers = #tpu.dot_dimension_numbers<[1], [0], [0], [1], [0, 0, 1, 1], [], []>, transpose_lhs_hint = false} : vector<2048x128xf32>, vector<128x256xf32>, vector<2048x256xf32> -> vector<2048x256xf32>
    %get3A_21 = arith.constant 0 : index
    %get3A_22 = arith.constant 0 : index
    %get3A_23 = vector.load %arg5[%get3A_21, %get3A_22] : memref<1x256xf32, #tpu.memory_space<vmem>>, vector<1x256xf32>
    %add3A_24 = vector.broadcast %get3A_23 : vector<1x256xf32> to vector<2048x256xf32>
    %add3A_25 = arith.addf %dot_general3A_20, %add3A_24 : vector<2048x256xf32>
    %logistic3A_26 = arith.negf %add3A_25 : vector<2048x256xf32>
    %logistic3A_27 = math.exp %logistic3A_26 : vector<2048x256xf32>
    %logistic3A_28 = arith.constant 1.000000e+00 : f32
    %logistic3A_29 = vector.broadcast %logistic3A_28 : f32 to vector<2048x256xf32>
    %logistic3A_30 = arith.addf %logistic3A_29, %logistic3A_27 : vector<2048x256xf32>
    %logistic3A_31 = arith.divf %logistic3A_29, %logistic3A_30 : vector<2048x256xf32>
    %mul3A_32 = arith.mulf %add3A_25, %logistic3A_31 : vector<2048x256xf32>
    %swap3A = arith.constant 0 : index
    %swap3A_33 = arith.constant 0 : index
    %swap3A_34 = vector.load %arg6[%swap3A, %swap3A_33] : memref<2048x256xf32, #tpu.memory_space<vmem>>, vector<2048x256xf32>
    tpu.vector_store %arg6[%swap3A, %swap3A_33], %mul3A_32 {strides = array<i32>} : memref<2048x256xf32, #tpu.memory_space<vmem>>, vector<2048x256xf32>,
    return
  }
  func.func @transform_0(%arg0: i32) -> (i32, i32) {
    %c0_i32 = arith.constant 0 : i32
    %c0_i32_0 = arith.constant 0 : i32
    return %arg0, %c0_i32 : i32, i32
  }
  func.func @transform_1(%arg0: i32) -> (i32, i32) {
    %c0_i32 = arith.constant 0 : i32
    %c0_i32_0 = arith.constant 0 : i32
    %c0_i32_1 = arith.constant 0 : i32
    return %c0_i32, %c0_i32_0 : i32, i32
  }
  func.func @transform_2(%arg0: i32) -> (i32, i32) {
    %c0_i32 = arith.constant 0 : i32
    %c0_i32_0 = arith.constant 0 : i32
    %c0_i32_1 = arith.constant 0 : i32
    return %c0_i32, %c0_i32_0 : i32, i32
  }
  func.func @transform_3(%arg0: i32) -> (i32, i32) {
    %c0_i32 = arith.constant 0 : i32
    %c0_i32_0 = arith.constant 0 : i32
    %c0_i32_1 = arith.constant 0 : i32
    return %c0_i32, %c0_i32_0 : i32, i32
  }
  func.func @transform_4(%arg0: i32) -> (i32, i32) {
    %c0_i32 = arith.constant 0 : i32
    %c0_i32_0 = arith.constant 0 : i32
    %c0_i32_1 = arith.constant 0 : i32
    return %c0_i32, %c0_i32_0 : i32, i32
  }
  func.func @transform_5(%arg0: i32) -> (i32, i32) {
    %c0_i32 = arith.constant 0 : i32
    %c0_i32_0 = arith.constant 0 : i32
    return %arg0, %c0_i32 : i32, i32
  }
}

module attributes {stable_mosaic.version = 14 : i64} {
  func.func @_stage3_body(%arg0: i32, %arg1: memref<2048x256xf32, #tpu.memory_space<vmem>>, %arg2: memref<2048x256xf32, #tpu.memory_space<vmem>>, %arg3: memref<256x256xf32, #tpu.memory_space<vmem>>, %arg4: memref<1x256xf32, #tpu.memory_space<vmem>>, %arg5: memref<2048x256xbf16, #tpu.memory_space<vmem>>) attributes {dimension_semantics = [#tpu.dimension_semantics<arbitrary>], iteration_bounds = array<i64: 128>, scalar_prefetch = 0 : i64, scratch_operands = 0 : i64, tpu.core_type = #tpu.core_type<tc>, window_params = [{transform_indices = @transform_0, window_bounds = array<i64: 2048, 256>}, {transform_indices = @transform_1, window_bounds = array<i64: 2048, 256>}, {pipeline_mode = #tpu.pipeline_mode<synchronous>, transform_indices = @transform_2, window_bounds = array<i64: 256, 256>}, {pipeline_mode = #tpu.pipeline_mode<synchronous>, transform_indices = @transform_3, window_bounds = array<i64: 1, 256>}, {transform_indices = @transform_4, window_bounds = array<i64: 2048, 256>}]} {
    %get3A = arith.constant 0 : index
    %get3A_0 = arith.constant 0 : index
    %get3A_1 = vector.load %arg1[%get3A, %get3A_0] : memref<2048x256xf32, #tpu.memory_space<vmem>>, vector<2048x256xf32>
    %get3A_2 = arith.constant 0 : index
    %get3A_3 = arith.constant 0 : index
    %get3A_4 = vector.load %arg2[%get3A_2, %get3A_3] : memref<2048x256xf32, #tpu.memory_space<vmem>>, vector<2048x256xf32>
    %get3A_5 = arith.constant 0 : index
    %get3A_6 = arith.constant 0 : index
    %get3A_7 = vector.load %arg3[%get3A_5, %get3A_6] : memref<256x256xf32, #tpu.memory_space<vmem>>, vector<256x256xf32>
    %dot_general3A = arith.constant dense<0.000000e+00> : vector<2048x256xf32>
    %dot_general3A_8 = tpu.matmul %get3A_4, %get3A_7, %dot_general3A {dimension_numbers = #tpu.dot_dimension_numbers<[1], [0], [0], [1], [0, 0, 1, 1], [], []>, transpose_lhs_hint = false} : vector<2048x256xf32>, vector<256x256xf32>, vector<2048x256xf32> -> vector<2048x256xf32>
    %add3A = arith.addf %get3A_1, %dot_general3A_8 : vector<2048x256xf32>
    %get3A_9 = arith.constant 0 : index
    %get3A_10 = arith.constant 0 : index
    %get3A_11 = vector.load %arg4[%get3A_9, %get3A_10] : memref<1x256xf32, #tpu.memory_space<vmem>>, vector<1x256xf32>
    %add3A_12 = vector.broadcast %get3A_11 : vector<1x256xf32> to vector<2048x256xf32>
    %add3A_13 = arith.addf %add3A, %add3A_12 : vector<2048x256xf32>
    %logistic3A = arith.negf %add3A_13 : vector<2048x256xf32>
    %logistic3A_14 = math.exp %logistic3A : vector<2048x256xf32>
    %logistic3A_15 = arith.constant 1.000000e+00 : f32
    %logistic3A_16 = vector.broadcast %logistic3A_15 : f32 to vector<2048x256xf32>
    %logistic3A_17 = arith.addf %logistic3A_16, %logistic3A_14 : vector<2048x256xf32>
    %logistic3A_18 = arith.divf %logistic3A_16, %logistic3A_17 : vector<2048x256xf32>
    %mul3A = arith.mulf %add3A_13, %logistic3A_18 : vector<2048x256xf32>
    %convert_element_type3A = arith.truncf %mul3A : vector<2048x256xf32> to vector<2048x256xbf16>
    %swap3A = arith.constant 0 : index
    %swap3A_19 = arith.constant 0 : index
    %swap3A_20 = vector.load %arg5[%swap3A, %swap3A_19] : memref<2048x256xbf16, #tpu.memory_space<vmem>>, vector<2048x256xbf16>
    tpu.vector_store %arg5[%swap3A, %swap3A_19], %convert_element_type3A {strides = array<i32>} : memref<2048x256xbf16, #tpu.memory_space<vmem>>, vector<2048x256xbf16>,
    return
  }
  func.func @transform_0(%arg0: i32) -> (i32, i32) {
    %c0_i32 = arith.constant 0 : i32
    %c0_i32_0 = arith.constant 0 : i32
    return %arg0, %c0_i32 : i32, i32
  }
  func.func @transform_1(%arg0: i32) -> (i32, i32) {
    %c0_i32 = arith.constant 0 : i32
    %c0_i32_0 = arith.constant 0 : i32
    return %arg0, %c0_i32 : i32, i32
  }
  func.func @transform_2(%arg0: i32) -> (i32, i32) {
    %c0_i32 = arith.constant 0 : i32
    %c0_i32_0 = arith.constant 0 : i32
    %c0_i32_1 = arith.constant 0 : i32
    return %c0_i32, %c0_i32_0 : i32, i32
  }
  func.func @transform_3(%arg0: i32) -> (i32, i32) {
    %c0_i32 = arith.constant 0 : i32
    %c0_i32_0 = arith.constant 0 : i32
    %c0_i32_1 = arith.constant 0 : i32
    return %c0_i32, %c0_i32_0 : i32, i32
  }
  func.func @transform_4(%arg0: i32) -> (i32, i32) {
    %c0_i32 = arith.constant 0 : i32
    %c0_i32_0 = arith.constant 0 : i32
    return %arg0, %c0_i32 : i32, i32
  }
}

module attributes {stable_mosaic.version = 14 : i64} {
  func.func @_scat_body(%arg0: i32, %arg1: i32, %arg2: memref<1x1x512xi32, #tpu.memory_space<vmem>>, %arg3: memref<512x256xbf16, #tpu.memory_space<vmem>>, %arg4: memref<2048x256xf32, #tpu.memory_space<vmem>>) attributes {dimension_semantics = [#tpu.dimension_semantics<arbitrary>, #tpu.dimension_semantics<arbitrary>], iteration_bounds = array<i64: 4, 128>, scalar_prefetch = 0 : i64, scratch_operands = 0 : i64, tpu.core_type = #tpu.core_type<tc>, window_params = [{transform_indices = @transform_0, window_bounds = array<i64: 1, 1, 512>}, {transform_indices = @transform_1, window_bounds = array<i64: 512, 256>}, {transform_indices = @transform_2, window_bounds = array<i64: 2048, 256>}]} {
    %iota3A = tpu.iota {dimensions = array<i32: 0>} : vector<2048x512xi32>
    %get3A = arith.constant 0 : index
    %get3A_0 = arith.constant 0 : index
    %get3A_1 = arith.constant 0 : index
    %get3A_2 = vector.load %arg2[%get3A, %get3A_0, %get3A_1] : memref<1x1x512xi32, #tpu.memory_space<vmem>>, vector<1x1x512xi32>
    %get3A_3 = vector.shape_cast %get3A_2 : vector<1x1x512xi32> to vector<512xi32>
    %broadcast_in_dim3A = vector.shape_cast %get3A_3 : vector<512xi32> to vector<1x512xi32>
    %eq3A = vector.broadcast %broadcast_in_dim3A : vector<1x512xi32> to vector<2048x512xi32>
    %eq3A_4 = arith.cmpi eq, %iota3A, %eq3A : vector<2048x512xi32>
    %convert_element_type3A = arith.extui %eq3A_4 : vector<2048x512xi1> to vector<2048x512xi32>
    %convert_element_type3A_5 = arith.sitofp %convert_element_type3A : vector<2048x512xi32> to vector<2048x512xf32>
    %convert_element_type3A_6 = arith.truncf %convert_element_type3A_5 : vector<2048x512xf32> to vector<2048x512xbf16>
    %get3A_7 = arith.constant 0 : index
    %get3A_8 = arith.constant 0 : index
    %get3A_9 = vector.load %arg3[%get3A_7, %get3A_8] : memref<512x256xbf16, #tpu.memory_space<vmem>>, vector<512x256xbf16>
    %dot_general3A = arith.constant dense<0.000000e+00> : vector<2048x256xf32>
    %dot_general3A_10 = tpu.matmul %convert_element_type3A_6, %get3A_9, %dot_general3A {dimension_numbers = #tpu.dot_dimension_numbers<[1], [0], [0], [1], [0, 0, 1, 1], [], []>, transpose_lhs_hint = false} : vector<2048x512xbf16>, vector<512x256xbf16>, vector<2048x256xf32> -> vector<2048x256xf32>
    %eq3A_11 = arith.constant 0 : i32
    %eq3A_12 = arith.cmpi eq, %arg1, %eq3A_11 : i32
    %convert_element_type3A_13 = arith.extui %eq3A_12 : i1 to i32
    %cond3A = arith.constant 0 : i32
    %cond3A_14 = arith.cmpi ne, %convert_element_type3A_13, %cond3A : i32
    scf.if %cond3A_14 {
      %swap3A = arith.constant 0 : index
      %swap3A_19 = arith.constant 0 : index
      %swap3A_20 = vector.load %arg4[%swap3A, %swap3A_19] : memref<2048x256xf32, #tpu.memory_space<vmem>>, vector<2048x256xf32>
      tpu.vector_store %arg4[%swap3A, %swap3A_19], %dot_general3A_10 {strides = array<i32>} : memref<2048x256xf32, #tpu.memory_space<vmem>>, vector<2048x256xf32>,
    } else {
    }
    %gt3A = arith.constant 0 : i32
    %gt3A_15 = arith.cmpi sgt, %arg1, %gt3A : i32
    %convert_element_type3A_16 = arith.extui %gt3A_15 : i1 to i32
    %cond3A_17 = arith.constant 0 : i32
    %cond3A_18 = arith.cmpi ne, %convert_element_type3A_16, %cond3A_17 : i32
    scf.if %cond3A_18 {
      %get3A_19 = arith.constant 0 : index
      %get3A_20 = arith.constant 0 : index
      %get3A_21 = vector.load %arg4[%get3A_19, %get3A_20] : memref<2048x256xf32, #tpu.memory_space<vmem>>, vector<2048x256xf32>
      %add3A = arith.addf %get3A_21, %dot_general3A_10 : vector<2048x256xf32>
      %swap3A = arith.constant 0 : index
      %swap3A_22 = arith.constant 0 : index
      %swap3A_23 = vector.load %arg4[%swap3A, %swap3A_22] : memref<2048x256xf32, #tpu.memory_space<vmem>>, vector<2048x256xf32>
      tpu.vector_store %arg4[%swap3A, %swap3A_22], %add3A {strides = array<i32>} : memref<2048x256xf32, #tpu.memory_space<vmem>>, vector<2048x256xf32>,
    } else {
    }
    return
  }
  func.func @transform_0(%arg0: i32, %arg1: i32) -> (i32, i32, i32) {
    %mul3A = arith.constant 128 : i32
    %mul3A_0 = arith.muli %arg0, %mul3A : i32
    %add3A = arith.addi %mul3A_0, %arg1 : i32
    %c0_i32 = arith.constant 0 : i32
    %c0_i32_1 = arith.constant 0 : i32
    %c0_i32_2 = arith.constant 0 : i32
    return %add3A, %c0_i32, %c0_i32_1 : i32, i32, i32
  }
  func.func @transform_1(%arg0: i32, %arg1: i32) -> (i32, i32) {
    %mul3A = arith.constant 128 : i32
    %mul3A_0 = arith.muli %arg0, %mul3A : i32
    %add3A = arith.addi %mul3A_0, %arg1 : i32
    %c0_i32 = arith.constant 0 : i32
    %c0_i32_1 = arith.constant 0 : i32
    return %add3A, %c0_i32 : i32, i32
  }
  func.func @transform_2(%arg0: i32, %arg1: i32) -> (i32, i32) {
    %c0_i32 = arith.constant 0 : i32
    %c0_i32_0 = arith.constant 0 : i32
    return %arg0, %c0_i32 : i32, i32
  }
}

module attributes {stable_mosaic.version = 14 : i64} {
  func.func @_stage4_body(%arg0: i32, %arg1: memref<512x256xf32, #tpu.memory_space<vmem>>, %arg2: memref<512x256xf32, #tpu.memory_space<vmem>>, %arg3: memref<256x256xf32, #tpu.memory_space<vmem>>, %arg4: memref<256x256xf32, #tpu.memory_space<vmem>>, %arg5: memref<1x256xf32, #tpu.memory_space<vmem>>, %arg6: memref<256x256xf32, #tpu.memory_space<vmem>>, %arg7: memref<1x256xf32, #tpu.memory_space<vmem>>, %arg8: memref<256x256xf32, #tpu.memory_space<vmem>>, %arg9: memref<512x256xf32, #tpu.memory_space<vmem>>, %arg10: memref<512x256xf32, #tpu.memory_space<vmem>>) attributes {dimension_semantics = [#tpu.dimension_semantics<arbitrary>], iteration_bounds = array<i64: 16>, scalar_prefetch = 0 : i64, scratch_operands = 0 : i64, tpu.core_type = #tpu.core_type<tc>, window_params = [{transform_indices = @transform_0, window_bounds = array<i64: 512, 256>}, {transform_indices = @transform_1, window_bounds = array<i64: 512, 256>}, {pipeline_mode = #tpu.pipeline_mode<synchronous>, transform_indices = @transform_2, window_bounds = array<i64: 256, 256>}, {pipeline_mode = #tpu.pipeline_mode<synchronous>, transform_indices = @transform_3, window_bounds = array<i64: 256, 256>}, {pipeline_mode = #tpu.pipeline_mode<synchronous>, transform_indices = @transform_4, window_bounds = array<i64: 1, 256>}, {pipeline_mode = #tpu.pipeline_mode<synchronous>, transform_indices = @transform_5, window_bounds = array<i64: 256, 256>}, {pipeline_mode = #tpu.pipeline_mode<synchronous>, transform_indices = @transform_6, window_bounds = array<i64: 1, 256>}, {pipeline_mode = #tpu.pipeline_mode<synchronous>, transform_indices = @transform_7, window_bounds = array<i64: 256, 256>}, {transform_indices = @transform_8, window_bounds = array<i64: 512, 256>}, {transform_indices = @transform_9, window_bounds = array<i64: 512, 256>}]} {
    %get3A = arith.constant 0 : index
    %get3A_0 = arith.constant 0 : index
    %get3A_1 = vector.load %arg1[%get3A, %get3A_0] : memref<512x256xf32, #tpu.memory_space<vmem>>, vector<512x256xf32>
    %get3A_2 = arith.constant 0 : index
    %get3A_3 = arith.constant 0 : index
    %get3A_4 = vector.load %arg3[%get3A_2, %get3A_3] : memref<256x256xf32, #tpu.memory_space<vmem>>, vector<256x256xf32>
    %dot_general3A = arith.constant dense<0.000000e+00> : vector<512x256xf32>
    %dot_general3A_5 = tpu.matmul %get3A_1, %get3A_4, %dot_general3A {dimension_numbers = #tpu.dot_dimension_numbers<[1], [0], [0], [1], [0, 0, 1, 1], [], []>, transpose_lhs_hint = false} : vector<512x256xf32>, vector<256x256xf32>, vector<512x256xf32> -> vector<512x256xf32>
    %get3A_6 = arith.constant 0 : index
    %get3A_7 = arith.constant 0 : index
    %get3A_8 = vector.load %arg2[%get3A_6, %get3A_7] : memref<512x256xf32, #tpu.memory_space<vmem>>, vector<512x256xf32>
    %get3A_9 = arith.constant 0 : index
    %get3A_10 = arith.constant 0 : index
    %get3A_11 = vector.load %arg4[%get3A_9, %get3A_10] : memref<256x256xf32, #tpu.memory_space<vmem>>, vector<256x256xf32>
    %dot_general3A_12 = arith.constant dense<0.000000e+00> : vector<512x256xf32>
    %dot_general3A_13 = tpu.matmul %get3A_8, %get3A_11, %dot_general3A_12 {dimension_numbers = #tpu.dot_dimension_numbers<[1], [0], [0], [1], [0, 0, 1, 1], [], []>, transpose_lhs_hint = false} : vector<512x256xf32>, vector<256x256xf32>, vector<512x256xf32> -> vector<512x256xf32>
    %add3A = arith.addf %dot_general3A_5, %dot_general3A_13 : vector<512x256xf32>
    %get3A_14 = arith.constant 0 : index
    %get3A_15 = arith.constant 0 : index
    %get3A_16 = vector.load %arg5[%get3A_14, %get3A_15] : memref<1x256xf32, #tpu.memory_space<vmem>>, vector<1x256xf32>
    %add3A_17 = vector.broadcast %get3A_16 : vector<1x256xf32> to vector<512x256xf32>
    %add3A_18 = arith.addf %add3A, %add3A_17 : vector<512x256xf32>
    %logistic3A = arith.negf %add3A_18 : vector<512x256xf32>
    %logistic3A_19 = math.exp %logistic3A : vector<512x256xf32>
    %logistic3A_20 = arith.constant 1.000000e+00 : f32
    %logistic3A_21 = vector.broadcast %logistic3A_20 : f32 to vector<512x256xf32>
    %logistic3A_22 = arith.addf %logistic3A_21, %logistic3A_19 : vector<512x256xf32>
    %logistic3A_23 = arith.divf %logistic3A_21, %logistic3A_22 : vector<512x256xf32>
    %mul3A = arith.mulf %add3A_18, %logistic3A_23 : vector<512x256xf32>
    %get3A_24 = arith.constant 0 : index
    %get3A_25 = arith.constant 0 : index
    %get3A_26 = vector.load %arg1[%get3A_24, %get3A_25] : memref<512x256xf32, #tpu.memory_space<vmem>>, vector<512x256xf32>
    %get3A_27 = arith.constant 0 : index
    %get3A_28 = arith.constant 0 : index
    %get3A_29 = vector.load %arg6[%get3A_27, %get3A_28] : memref<256x256xf32, #tpu.memory_space<vmem>>, vector<256x256xf32>
    %dot_general3A_30 = arith.constant dense<0.000000e+00> : vector<512x256xf32>
    %dot_general3A_31 = tpu.matmul %mul3A, %get3A_29, %dot_general3A_30 {dimension_numbers = #tpu.dot_dimension_numbers<[1], [0], [0], [1], [0, 0, 1, 1], [], []>, transpose_lhs_hint = false} : vector<512x256xf32>, vector<256x256xf32>, vector<512x256xf32> -> vector<512x256xf32>
    %add3A_32 = arith.addf %get3A_26, %dot_general3A_31 : vector<512x256xf32>
    %get3A_33 = arith.constant 0 : index
    %get3A_34 = arith.constant 0 : index
    %get3A_35 = vector.load %arg7[%get3A_33, %get3A_34] : memref<1x256xf32, #tpu.memory_space<vmem>>, vector<1x256xf32>
    %add3A_36 = vector.broadcast %get3A_35 : vector<1x256xf32> to vector<512x256xf32>
    %add3A_37 = arith.addf %add3A_32, %add3A_36 : vector<512x256xf32>
    %swap3A = arith.constant 0 : index
    %swap3A_38 = arith.constant 0 : index
    %swap3A_39 = vector.load %arg9[%swap3A, %swap3A_38] : memref<512x256xf32, #tpu.memory_space<vmem>>, vector<512x256xf32>
    tpu.vector_store %arg9[%swap3A, %swap3A_38], %add3A_37 {strides = array<i32>} : memref<512x256xf32, #tpu.memory_space<vmem>>, vector<512x256xf32>,
    %get3A_40 = arith.constant 0 : index
    %get3A_41 = arith.constant 0 : index
    %get3A_42 = vector.load %arg8[%get3A_40, %get3A_41] : memref<256x256xf32, #tpu.memory_space<vmem>>, vector<256x256xf32>
    %dot_general3A_43 = arith.constant dense<0.000000e+00> : vector<512x256xf32>
    %dot_general3A_44 = tpu.matmul %add3A_37, %get3A_42, %dot_general3A_43 {dimension_numbers = #tpu.dot_dimension_numbers<[1], [0], [0], [1], [0, 0, 1, 1], [], []>, transpose_lhs_hint = false} : vector<512x256xf32>, vector<256x256xf32>, vector<512x256xf32> -> vector<512x256xf32>
    %swap3A_45 = arith.constant 0 : index
    %swap3A_46 = arith.constant 0 : index
    %swap3A_47 = vector.load %arg10[%swap3A_45, %swap3A_46] : memref<512x256xf32, #tpu.memory_space<vmem>>, vector<512x256xf32>
    tpu.vector_store %arg10[%swap3A_45, %swap3A_46], %dot_general3A_44 {strides = array<i32>} : memref<512x256xf32, #tpu.memory_space<vmem>>, vector<512x256xf32>,
    return
  }
  func.func @transform_0(%arg0: i32) -> (i32, i32) {
    %c0_i32 = arith.constant 0 : i32
    %c0_i32_0 = arith.constant 0 : i32
    return %arg0, %c0_i32 : i32, i32
  }
  func.func @transform_1(%arg0: i32) -> (i32, i32) {
    %c0_i32 = arith.constant 0 : i32
    %c0_i32_0 = arith.constant 0 : i32
    return %arg0, %c0_i32 : i32, i32
  }
  func.func @transform_2(%arg0: i32) -> (i32, i32) {
    %c0_i32 = arith.constant 0 : i32
    %c0_i32_0 = arith.constant 0 : i32
    %c0_i32_1 = arith.constant 0 : i32
    return %c0_i32, %c0_i32_0 : i32, i32
  }
  func.func @transform_3(%arg0: i32) -> (i32, i32) {
    %c0_i32 = arith.constant 0 : i32
    %c0_i32_0 = arith.constant 0 : i32
    %c0_i32_1 = arith.constant 0 : i32
    return %c0_i32, %c0_i32_0 : i32, i32
  }
  func.func @transform_4(%arg0: i32) -> (i32, i32) {
    %c0_i32 = arith.constant 0 : i32
    %c0_i32_0 = arith.constant 0 : i32
    %c0_i32_1 = arith.constant 0 : i32
    return %c0_i32, %c0_i32_0 : i32, i32
  }
  func.func @transform_5(%arg0: i32) -> (i32, i32) {
    %c0_i32 = arith.constant 0 : i32
    %c0_i32_0 = arith.constant 0 : i32
    %c0_i32_1 = arith.constant 0 : i32
    return %c0_i32, %c0_i32_0 : i32, i32
  }
  func.func @transform_6(%arg0: i32) -> (i32, i32) {
    %c0_i32 = arith.constant 0 : i32
    %c0_i32_0 = arith.constant 0 : i32
    %c0_i32_1 = arith.constant 0 : i32
    return %c0_i32, %c0_i32_0 : i32, i32
  }
  func.func @transform_7(%arg0: i32) -> (i32, i32) {
    %c0_i32 = arith.constant 0 : i32
    %c0_i32_0 = arith.constant 0 : i32
    %c0_i32_1 = arith.constant 0 : i32
    return %c0_i32, %c0_i32_0 : i32, i32
  }
  func.func @transform_8(%arg0: i32) -> (i32, i32) {
    %c0_i32 = arith.constant 0 : i32
    %c0_i32_0 = arith.constant 0 : i32
    return %arg0, %c0_i32 : i32, i32
  }
  func.func @transform_9(%arg0: i32) -> (i32, i32) {
    %c0_i32 = arith.constant 0 : i32
    %c0_i32_0 = arith.constant 0 : i32
    return %arg0, %c0_i32 : i32, i32
  }
}

module attributes {stable_mosaic.version = 14 : i64} {
  func.func @_stage4_body(%arg0: i32, %arg1: memref<512x256xf32, #tpu.memory_space<vmem>>, %arg2: memref<512x256xf32, #tpu.memory_space<vmem>>, %arg3: memref<256x256xf32, #tpu.memory_space<vmem>>, %arg4: memref<256x256xf32, #tpu.memory_space<vmem>>, %arg5: memref<1x256xf32, #tpu.memory_space<vmem>>, %arg6: memref<256x256xf32, #tpu.memory_space<vmem>>, %arg7: memref<1x256xf32, #tpu.memory_space<vmem>>, %arg8: memref<256x256xf32, #tpu.memory_space<vmem>>, %arg9: memref<512x256xf32, #tpu.memory_space<vmem>>, %arg10: memref<512x256xf32, #tpu.memory_space<vmem>>) attributes {dimension_semantics = [#tpu.dimension_semantics<arbitrary>], iteration_bounds = array<i64: 16>, scalar_prefetch = 0 : i64, scratch_operands = 0 : i64, tpu.core_type = #tpu.core_type<tc>, window_params = [{transform_indices = @transform_0, window_bounds = array<i64: 512, 256>}, {transform_indices = @transform_1, window_bounds = array<i64: 512, 256>}, {pipeline_mode = #tpu.pipeline_mode<synchronous>, transform_indices = @transform_2, window_bounds = array<i64: 256, 256>}, {pipeline_mode = #tpu.pipeline_mode<synchronous>, transform_indices = @transform_3, window_bounds = array<i64: 256, 256>}, {pipeline_mode = #tpu.pipeline_mode<synchronous>, transform_indices = @transform_4, window_bounds = array<i64: 1, 256>}, {pipeline_mode = #tpu.pipeline_mode<synchronous>, transform_indices = @transform_5, window_bounds = array<i64: 256, 256>}, {pipeline_mode = #tpu.pipeline_mode<synchronous>, transform_indices = @transform_6, window_bounds = array<i64: 1, 256>}, {pipeline_mode = #tpu.pipeline_mode<synchronous>, transform_indices = @transform_7, window_bounds = array<i64: 256, 256>}, {transform_indices = @transform_8, window_bounds = array<i64: 512, 256>}, {transform_indices = @transform_9, window_bounds = array<i64: 512, 256>}]} {
    %get3A = arith.constant 0 : index
    %get3A_0 = arith.constant 0 : index
    %get3A_1 = vector.load %arg1[%get3A, %get3A_0] : memref<512x256xf32, #tpu.memory_space<vmem>>, vector<512x256xf32>
    %get3A_2 = arith.constant 0 : index
    %get3A_3 = arith.constant 0 : index
    %get3A_4 = vector.load %arg3[%get3A_2, %get3A_3] : memref<256x256xf32, #tpu.memory_space<vmem>>, vector<256x256xf32>
    %dot_general3A = arith.constant dense<0.000000e+00> : vector<512x256xf32>
    %dot_general3A_5 = tpu.matmul %get3A_1, %get3A_4, %dot_general3A {dimension_numbers = #tpu.dot_dimension_numbers<[1], [0], [0], [1], [0, 0, 1, 1], [], []>, transpose_lhs_hint = false} : vector<512x256xf32>, vector<256x256xf32>, vector<512x256xf32> -> vector<512x256xf32>
    %get3A_6 = arith.constant 0 : index
    %get3A_7 = arith.constant 0 : index
    %get3A_8 = vector.load %arg2[%get3A_6, %get3A_7] : memref<512x256xf32, #tpu.memory_space<vmem>>, vector<512x256xf32>
    %get3A_9 = arith.constant 0 : index
    %get3A_10 = arith.constant 0 : index
    %get3A_11 = vector.load %arg4[%get3A_9, %get3A_10] : memref<256x256xf32, #tpu.memory_space<vmem>>, vector<256x256xf32>
    %dot_general3A_12 = arith.constant dense<0.000000e+00> : vector<512x256xf32>
    %dot_general3A_13 = tpu.matmul %get3A_8, %get3A_11, %dot_general3A_12 {dimension_numbers = #tpu.dot_dimension_numbers<[1], [0], [0], [1], [0, 0, 1, 1], [], []>, transpose_lhs_hint = false} : vector<512x256xf32>, vector<256x256xf32>, vector<512x256xf32> -> vector<512x256xf32>
    %add3A = arith.addf %dot_general3A_5, %dot_general3A_13 : vector<512x256xf32>
    %get3A_14 = arith.constant 0 : index
    %get3A_15 = arith.constant 0 : index
    %get3A_16 = vector.load %arg5[%get3A_14, %get3A_15] : memref<1x256xf32, #tpu.memory_space<vmem>>, vector<1x256xf32>
    %add3A_17 = vector.broadcast %get3A_16 : vector<1x256xf32> to vector<512x256xf32>
    %add3A_18 = arith.addf %add3A, %add3A_17 : vector<512x256xf32>
    %logistic3A = arith.negf %add3A_18 : vector<512x256xf32>
    %logistic3A_19 = math.exp %logistic3A : vector<512x256xf32>
    %logistic3A_20 = arith.constant 1.000000e+00 : f32
    %logistic3A_21 = vector.broadcast %logistic3A_20 : f32 to vector<512x256xf32>
    %logistic3A_22 = arith.addf %logistic3A_21, %logistic3A_19 : vector<512x256xf32>
    %logistic3A_23 = arith.divf %logistic3A_21, %logistic3A_22 : vector<512x256xf32>
    %mul3A = arith.mulf %add3A_18, %logistic3A_23 : vector<512x256xf32>
    %get3A_24 = arith.constant 0 : index
    %get3A_25 = arith.constant 0 : index
    %get3A_26 = vector.load %arg1[%get3A_24, %get3A_25] : memref<512x256xf32, #tpu.memory_space<vmem>>, vector<512x256xf32>
    %get3A_27 = arith.constant 0 : index
    %get3A_28 = arith.constant 0 : index
    %get3A_29 = vector.load %arg6[%get3A_27, %get3A_28] : memref<256x256xf32, #tpu.memory_space<vmem>>, vector<256x256xf32>
    %dot_general3A_30 = arith.constant dense<0.000000e+00> : vector<512x256xf32>
    %dot_general3A_31 = tpu.matmul %mul3A, %get3A_29, %dot_general3A_30 {dimension_numbers = #tpu.dot_dimension_numbers<[1], [0], [0], [1], [0, 0, 1, 1], [], []>, transpose_lhs_hint = false} : vector<512x256xf32>, vector<256x256xf32>, vector<512x256xf32> -> vector<512x256xf32>
    %add3A_32 = arith.addf %get3A_26, %dot_general3A_31 : vector<512x256xf32>
    %get3A_33 = arith.constant 0 : index
    %get3A_34 = arith.constant 0 : index
    %get3A_35 = vector.load %arg7[%get3A_33, %get3A_34] : memref<1x256xf32, #tpu.memory_space<vmem>>, vector<1x256xf32>
    %add3A_36 = vector.broadcast %get3A_35 : vector<1x256xf32> to vector<512x256xf32>
    %add3A_37 = arith.addf %add3A_32, %add3A_36 : vector<512x256xf32>
    %swap3A = arith.constant 0 : index
    %swap3A_38 = arith.constant 0 : index
    %swap3A_39 = vector.load %arg9[%swap3A, %swap3A_38] : memref<512x256xf32, #tpu.memory_space<vmem>>, vector<512x256xf32>
    tpu.vector_store %arg9[%swap3A, %swap3A_38], %add3A_37 {strides = array<i32>} : memref<512x256xf32, #tpu.memory_space<vmem>>, vector<512x256xf32>,
    %get3A_40 = arith.constant 0 : index
    %get3A_41 = arith.constant 0 : index
    %get3A_42 = vector.load %arg8[%get3A_40, %get3A_41] : memref<256x256xf32, #tpu.memory_space<vmem>>, vector<256x256xf32>
    %dot_general3A_43 = arith.constant dense<0.000000e+00> : vector<512x256xf32>
    %dot_general3A_44 = tpu.matmul %add3A_37, %get3A_42, %dot_general3A_43 {dimension_numbers = #tpu.dot_dimension_numbers<[1], [0], [0], [1], [0, 0, 1, 1], [], []>, transpose_lhs_hint = false} : vector<512x256xf32>, vector<256x256xf32>, vector<512x256xf32> -> vector<512x256xf32>
    %swap3A_45 = arith.constant 0 : index
    %swap3A_46 = arith.constant 0 : index
    %swap3A_47 = vector.load %arg10[%swap3A_45, %swap3A_46] : memref<512x256xf32, #tpu.memory_space<vmem>>, vector<512x256xf32>
    tpu.vector_store %arg10[%swap3A_45, %swap3A_46], %dot_general3A_44 {strides = array<i32>} : memref<512x256xf32, #tpu.memory_space<vmem>>, vector<512x256xf32>,
    return
  }
  func.func @transform_0(%arg0: i32) -> (i32, i32) {
    %c0_i32 = arith.constant 0 : i32
    %c0_i32_0 = arith.constant 0 : i32
    return %arg0, %c0_i32 : i32, i32
  }
  func.func @transform_1(%arg0: i32) -> (i32, i32) {
    %c0_i32 = arith.constant 0 : i32
    %c0_i32_0 = arith.constant 0 : i32
    return %arg0, %c0_i32 : i32, i32
  }
  func.func @transform_2(%arg0: i32) -> (i32, i32) {
    %c0_i32 = arith.constant 0 : i32
    %c0_i32_0 = arith.constant 0 : i32
    %c0_i32_1 = arith.constant 0 : i32
    return %c0_i32, %c0_i32_0 : i32, i32
  }
  func.func @transform_3(%arg0: i32) -> (i32, i32) {
    %c0_i32 = arith.constant 0 : i32
    %c0_i32_0 = arith.constant 0 : i32
    %c0_i32_1 = arith.constant 0 : i32
    return %c0_i32, %c0_i32_0 : i32, i32
  }
  func.func @transform_4(%arg0: i32) -> (i32, i32) {
    %c0_i32 = arith.constant 0 : i32
    %c0_i32_0 = arith.constant 0 : i32
    %c0_i32_1 = arith.constant 0 : i32
    return %c0_i32, %c0_i32_0 : i32, i32
  }
  func.func @transform_5(%arg0: i32) -> (i32, i32) {
    %c0_i32 = arith.constant 0 : i32
    %c0_i32_0 = arith.constant 0 : i32
    %c0_i32_1 = arith.constant 0 : i32
    return %c0_i32, %c0_i32_0 : i32, i32
  }
  func.func @transform_6(%arg0: i32) -> (i32, i32) {
    %c0_i32 = arith.constant 0 : i32
    %c0_i32_0 = arith.constant 0 : i32
    %c0_i32_1 = arith.constant 0 : i32
    return %c0_i32, %c0_i32_0 : i32, i32
  }
  func.func @transform_7(%arg0: i32) -> (i32, i32) {
    %c0_i32 = arith.constant 0 : i32
    %c0_i32_0 = arith.constant 0 : i32
    %c0_i32_1 = arith.constant 0 : i32
    return %c0_i32, %c0_i32_0 : i32, i32
  }
  func.func @transform_8(%arg0: i32) -> (i32, i32) {
    %c0_i32 = arith.constant 0 : i32
    %c0_i32_0 = arith.constant 0 : i32
    return %arg0, %c0_i32 : i32, i32
  }
  func.func @transform_9(%arg0: i32) -> (i32, i32) {
    %c0_i32 = arith.constant 0 : i32
    %c0_i32_0 = arith.constant 0 : i32
    return %arg0, %c0_i32 : i32, i32
  }
}

module attributes {stable_mosaic.version = 14 : i64} {
  func.func @_stage5_body(%arg0: i32, %arg1: memref<2048x256xf32, #tpu.memory_space<vmem>>, %arg2: memref<1x2048x1xf32, #tpu.memory_space<vmem>>, %arg3: memref<256x256xf32, #tpu.memory_space<vmem>>, %arg4: memref<1x256xf32, #tpu.memory_space<vmem>>, %arg5: memref<256x512xf32, #tpu.memory_space<vmem>>, %arg6: memref<1x512xf32, #tpu.memory_space<vmem>>, %arg7: memref<1x512xf32, #tpu.memory_space<vmem>>, %arg8: memref<1x512xf32, #tpu.memory_space<vmem>>, %arg9: memref<1x1x512xf32, #tpu.memory_space<vmem>>) attributes {dimension_semantics = [#tpu.dimension_semantics<arbitrary>], iteration_bounds = array<i64: 4>, scalar_prefetch = 0 : i64, scratch_operands = 0 : i64, tpu.core_type = #tpu.core_type<tc>, window_params = [{transform_indices = @transform_0, window_bounds = array<i64: 2048, 256>}, {transform_indices = @transform_1, window_bounds = array<i64: 1, 2048, 1>}, {pipeline_mode = #tpu.pipeline_mode<synchronous>, transform_indices = @transform_2, window_bounds = array<i64: 256, 256>}, {pipeline_mode = #tpu.pipeline_mode<synchronous>, transform_indices = @transform_3, window_bounds = array<i64: 1, 256>}, {pipeline_mode = #tpu.pipeline_mode<synchronous>, transform_indices = @transform_4, window_bounds = array<i64: 256, 512>}, {pipeline_mode = #tpu.pipeline_mode<synchronous>, transform_indices = @transform_5, window_bounds = array<i64: 1, 512>}, {pipeline_mode = #tpu.pipeline_mode<synchronous>, transform_indices = @transform_6, window_bounds = array<i64: 1, 512>}, {pipeline_mode = #tpu.pipeline_mode<synchronous>, transform_indices = @transform_7, window_bounds = array<i64: 1, 512>}, {transform_indices = @transform_8, window_bounds = array<i64: 1, 1, 512>}]} {
    %get3A = arith.constant 0 : index
    %get3A_0 = arith.constant 0 : index
    %get3A_1 = vector.load %arg1[%get3A, %get3A_0] : memref<2048x256xf32, #tpu.memory_space<vmem>>, vector<2048x256xf32>
    %get3A_2 = arith.constant 0 : index
    %get3A_3 = arith.constant 0 : index
    %get3A_4 = arith.constant 0 : index
    %get3A_5 = vector.load %arg2[%get3A_2, %get3A_3, %get3A_4] : memref<1x2048x1xf32, #tpu.memory_space<vmem>>, vector<1x2048x1xf32>
    %get3A_6 = vector.shape_cast %get3A_5 : vector<1x2048x1xf32> to vector<2048x1xf32>
    %mul3A = vector.broadcast %get3A_6 : vector<2048x1xf32> to vector<2048x256xf32>
    %mul3A_7 = arith.mulf %get3A_1, %mul3A : vector<2048x256xf32>
    %reduce_sum3A = arith.constant dense<0.000000e+00> : vector<256xf32>
    %reduce_sum3A_8 = vector.multi_reduction <add>, %mul3A_7, %reduce_sum3A [0] : vector<2048x256xf32> to vector<256xf32>
    %broadcast_in_dim3A = vector.shape_cast %reduce_sum3A_8 : vector<256xf32> to vector<1x256xf32>
    %get3A_9 = arith.constant 0 : index
    %get3A_10 = arith.constant 0 : index
    %get3A_11 = arith.constant 0 : index
    %get3A_12 = vector.load %arg2[%get3A_9, %get3A_10, %get3A_11] : memref<1x2048x1xf32, #tpu.memory_space<vmem>>, vector<1x2048x1xf32>
    %get3A_13 = vector.shape_cast %get3A_12 : vector<1x2048x1xf32> to vector<2048x1xf32>
    %reduce_sum3A_14 = vector.shape_cast %get3A_13 : vector<2048x1xf32> to vector<1x2048x1xf32>
    %reduce_sum3A_15 = arith.constant dense<0.000000e+00> : vector<1xf32>
    %reduce_sum3A_16 = vector.multi_reduction <add>, %reduce_sum3A_14, %reduce_sum3A_15 [1, 2] : vector<1x2048x1xf32> to vector<1xf32>
    %reduce_sum3A_17 = vector.shape_cast %reduce_sum3A_16 : vector<1xf32> to vector<1x1x1xf32>
    %reduce_sum3A_18 = vector.extract %reduce_sum3A_17[0, 0, 0] : f32 from vector<1x1x1xf32>
    %max3A = arith.constant 1.000000e+00 : f32
    %max3A_19 = arith.maximumf %reduce_sum3A_18, %max3A : f32
    %div3A = vector.broadcast %max3A_19 : f32 to vector<1x256xf32>
    %div3A_20 = arith.divf %broadcast_in_dim3A, %div3A : vector<1x256xf32>
    %get3A_21 = arith.constant 0 : index
    %get3A_22 = arith.constant 0 : index
    %get3A_23 = vector.load %arg3[%get3A_21, %get3A_22] : memref<256x256xf32, #tpu.memory_space<vmem>>, vector<256x256xf32>
    %dot_general3A = arith.constant dense<0.000000e+00> : vector<1x256xf32>
    %dot_general3A_24 = tpu.matmul %div3A_20, %get3A_23, %dot_general3A {dimension_numbers = #tpu.dot_dimension_numbers<[1], [0], [0], [1], [0, 0, 1, 1], [], []>, transpose_lhs_hint = false} : vector<1x256xf32>, vector<256x256xf32>, vector<1x256xf32> -> vector<1x256xf32>
    %get3A_25 = arith.constant 0 : index
    %get3A_26 = arith.constant 0 : index
    %get3A_27 = vector.load %arg4[%get3A_25, %get3A_26] : memref<1x256xf32, #tpu.memory_space<vmem>>, vector<1x256xf32>
    %add3A = arith.addf %dot_general3A_24, %get3A_27 : vector<1x256xf32>
    %logistic3A = arith.negf %add3A : vector<1x256xf32>
    %logistic3A_28 = math.exp %logistic3A : vector<1x256xf32>
    %logistic3A_29 = arith.constant 1.000000e+00 : f32
    %logistic3A_30 = vector.broadcast %logistic3A_29 : f32 to vector<1x256xf32>
    %logistic3A_31 = arith.addf %logistic3A_30, %logistic3A_28 : vector<1x256xf32>
    %logistic3A_32 = arith.divf %logistic3A_30, %logistic3A_31 : vector<1x256xf32>
    %mul3A_33 = arith.mulf %add3A, %logistic3A_32 : vector<1x256xf32>
    %get3A_34 = arith.constant 0 : index
    %get3A_35 = arith.constant 0 : index
    %get3A_36 = vector.load %arg5[%get3A_34, %get3A_35] : memref<256x512xf32, #tpu.memory_space<vmem>>, vector<256x512xf32>
    %dot_general3A_37 = arith.constant dense<0.000000e+00> : vector<1x512xf32>
    %dot_general3A_38 = tpu.matmul %mul3A_33, %get3A_36, %dot_general3A_37 {dimension_numbers = #tpu.dot_dimension_numbers<[1], [0], [0], [1], [0, 0, 1, 1], [], []>, transpose_lhs_hint = false} : vector<1x256xf32>, vector<256x512xf32>, vector<1x512xf32> -> vector<1x512xf32>
    %get3A_39 = arith.constant 0 : index
    %get3A_40 = arith.constant 0 : index
    %get3A_41 = vector.load %arg6[%get3A_39, %get3A_40] : memref<1x512xf32, #tpu.memory_space<vmem>>, vector<1x512xf32>
    %add3A_42 = arith.addf %dot_general3A_38, %get3A_41 : vector<1x512xf32>
    %reduce_sum3A_43 = arith.constant dense<0.000000e+00> : vector<1xf32>
    %reduce_sum3A_44 = vector.multi_reduction <add>, %add3A_42, %reduce_sum3A_43 [1] : vector<1x512xf32> to vector<1xf32>
    %broadcast_in_dim3A_45 = vector.shape_cast %reduce_sum3A_44 : vector<1xf32> to vector<1x1xf32>
    %div3A_46 = arith.constant 5.120000e+02 : f32
    %div3A_47 = vector.broadcast %div3A_46 : f32 to vector<1x1xf32>
    %div3A_48 = arith.divf %broadcast_in_dim3A_45, %div3A_47 : vector<1x1xf32>
    %sub3A = vector.broadcast %div3A_48 : vector<1x1xf32> to vector<1x512xf32>
    %sub3A_49 = arith.subf %add3A_42, %sub3A : vector<1x512xf32>
    %integer_pow3A = arith.mulf %sub3A_49, %sub3A_49 : vector<1x512xf32>
    %reduce_sum3A_50 = arith.constant dense<0.000000e+00> : vector<1xf32>
    %reduce_sum3A_51 = vector.multi_reduction <add>, %integer_pow3A, %reduce_sum3A_50 [1] : vector<1x512xf32> to vector<1xf32>
    %broadcast_in_dim3A_52 = vector.shape_cast %reduce_sum3A_51 : vector<1xf32> to vector<1x1xf32>
    %div3A_53 = arith.constant 5.120000e+02 : f32
    %div3A_54 = vector.broadcast %div3A_53 : f32 to vector<1x1xf32>
    %div3A_55 = arith.divf %broadcast_in_dim3A_52, %div3A_54 : vector<1x1xf32>
    %sub3A_56 = vector.broadcast %div3A_48 : vector<1x1xf32> to vector<1x512xf32>
    %sub3A_57 = arith.subf %add3A_42, %sub3A_56 : vector<1x512xf32>
    %add3A_58 = arith.constant 9.99999974E-6 : f32
    %add3A_59 = vector.broadcast %add3A_58 : f32 to vector<1x1xf32>
    %add3A_60 = arith.addf %div3A_55, %add3A_59 : vector<1x1xf32>
    %rsqrt3A = math.rsqrt %add3A_60 : vector<1x1xf32>
    %mul3A_61 = vector.broadcast %rsqrt3A : vector<1x1xf32> to vector<1x512xf32>
    %mul3A_62 = arith.mulf %sub3A_57, %mul3A_61 : vector<1x512xf32>
    %get3A_63 = arith.constant 0 : index
    %get3A_64 = arith.constant 0 : index
    %get3A_65 = vector.load %arg7[%get3A_63, %get3A_64] : memref<1x512xf32, #tpu.memory_space<vmem>>, vector<1x512xf32>
    %mul3A_66 = arith.mulf %mul3A_62, %get3A_65 : vector<1x512xf32>
    %get3A_67 = arith.constant 0 : index
    %get3A_68 = arith.constant 0 : index
    %get3A_69 = vector.load %arg8[%get3A_67, %get3A_68] : memref<1x512xf32, #tpu.memory_space<vmem>>, vector<1x512xf32>
    %add3A_70 = arith.addf %mul3A_66, %get3A_69 : vector<1x512xf32>
    %swap3A = arith.constant 0 : index
    %swap3A_71 = arith.constant 0 : index
    %swap3A_72 = arith.constant 0 : index
    %swap3A_73 = vector.load %arg9[%swap3A, %swap3A_71, %swap3A_72] : memref<1x1x512xf32, #tpu.memory_space<vmem>>, vector<1x1x512xf32>
    %swap3A_74 = vector.shape_cast %swap3A_73 : vector<1x1x512xf32> to vector<1x512xf32>
    %swap3A_75 = vector.shape_cast %add3A_70 : vector<1x512xf32> to vector<1x1x512xf32>
    tpu.vector_store %arg9[%swap3A, %swap3A_71, %swap3A_72], %swap3A_75 {strides = array<i32>} : memref<1x1x512xf32, #tpu.memory_space<vmem>>, vector<1x1x512xf32>,
    return
  }
  func.func @transform_0(%arg0: i32) -> (i32, i32) {
    %c0_i32 = arith.constant 0 : i32
    %c0_i32_0 = arith.constant 0 : i32
    return %arg0, %c0_i32 : i32, i32
  }
  func.func @transform_1(%arg0: i32) -> (i32, i32, i32) {
    %c0_i32 = arith.constant 0 : i32
    %c0_i32_0 = arith.constant 0 : i32
    %c0_i32_1 = arith.constant 0 : i32
    return %arg0, %c0_i32, %c0_i32_0 : i32, i32, i32
  }
  func.func @transform_2(%arg0: i32) -> (i32, i32) {
    %c0_i32 = arith.constant 0 : i32
    %c0_i32_0 = arith.constant 0 : i32
    %c0_i32_1 = arith.constant 0 : i32
    return %c0_i32, %c0_i32_0 : i32, i32
  }
  func.func @transform_3(%arg0: i32) -> (i32, i32) {
    %c0_i32 = arith.constant 0 : i32
    %c0_i32_0 = arith.constant 0 : i32
    %c0_i32_1 = arith.constant 0 : i32
    return %c0_i32, %c0_i32_0 : i32, i32
  }
  func.func @transform_4(%arg0: i32) -> (i32, i32) {
    %c0_i32 = arith.constant 0 : i32
    %c0_i32_0 = arith.constant 0 : i32
    %c0_i32_1 = arith.constant 0 : i32
    return %c0_i32, %c0_i32_0 : i32, i32
  }
  func.func @transform_5(%arg0: i32) -> (i32, i32) {
    %c0_i32 = arith.constant 0 : i32
    %c0_i32_0 = arith.constant 0 : i32
    %c0_i32_1 = arith.constant 0 : i32
    return %c0_i32, %c0_i32_0 : i32, i32
  }
  func.func @transform_6(%arg0: i32) -> (i32, i32) {
    %c0_i32 = arith.constant 0 : i32
    %c0_i32_0 = arith.constant 0 : i32
    %c0_i32_1 = arith.constant 0 : i32
    return %c0_i32, %c0_i32_0 : i32, i32
  }
  func.func @transform_7(%arg0: i32) -> (i32, i32) {
    %c0_i32 = arith.constant 0 : i32
    %c0_i32_0 = arith.constant 0 : i32
    %c0_i32_1 = arith.constant 0 : i32
    return %c0_i32, %c0_i32_0 : i32, i32
  }
  func.func @transform_8(%arg0: i32) -> (i32, i32, i32) {
    %c0_i32 = arith.constant 0 : i32
    %c0_i32_0 = arith.constant 0 : i32
    %c0_i32_1 = arith.constant 0 : i32
    return %arg0, %c0_i32, %c0_i32_0 : i32, i32, i32
  }
}

</mosaic_0001>

<sc_bundles>
// kernel: kernel.21.cloned.1.call-start
scs
__scs_entry_jumppad:
0x0: {  	(pc) =	sbr.rel $0x88, $3  }
0x1: {  	(tag) =	ssettag $0x0;
	lr =	simm.s32 $0x1  }
0x2: {  	[smem:$0x3F86] =	sst lr;
	_ =	strace $0xD0000000  }
0x3: {  	_ = 	snop  }
0x4: {  	_ = 	snop  }
0x5: {  	_ = 	snop  }
0x6: {  	_ = 	snop  }
0x7: {  	_ = 	snop  }
__scs_overlays_trampoline_lowered:
0x8: {  	[smem:$0x3F95] =	sst s0  }
0x9: {  	[smem:$0x3F96] =	sst s1  }
0xa: {  	[smem:$0x3F97] =	sst s2  }
0xb: {  	[smem:$0x3F98] =	sst s3  }
0xc: {  	[smem:$0x3F99] =	sst s4  }
0xd: {  	[smem:$0x3F9A] =	sst s5  }
0xe: {  	[smem:$0x3F9B] =	sst s6  }
0xf: {  	[smem:$0x3F9C] =	sst s7  }
0x10: {  	[smem:$0x3F9D] =	sst s8  }
0x11: {  	[smem:$0x3F9E] =	sst s9;
	s0 =	simm.s32 @!p0 $0x0  }
0x12: {  	s1 =	sld [smem:$0x3F84];
	s0 =	simm.s32 @p0 $0x1  }
0x13: {  	[smem:$0x3F9F] =	sst s0;
	s0 =	simm.s32 @!p1 $0x0  }
0x14: {  	s2 =	sld [smem:$0x3F83];
	s0 =	simm.s32 @p1 $0x1  }
0x15: {  	[smem:$0x3FA0] =	sst s0;
	s0 =	simm.s32 @!p2 $0x0  }
0x16: {  	s3 =	sld [smem:$0x3FDB];
	s0 =	simm.s32 @p2 $0x1  }
0x17: {  	s4 =	simm.s32 $0x1BF5;
	[smem:$0x3FA2] =	sst s0  }
0x18: {  	s0 =	sld [smem:$0x3F85];
	_ =	swait.ge [sflag:s4], $0x0  }
0x19: {  	s7 =	sld [smem:$0x3F86]  }
0x1a: {  	s8 =	sadd.s32 $0xFFFFE003, lr  }
0x1b: {  	s9 =	sadd.s32 $0xFFFFFEF7, lr;
	s5 =	simm.s32 $0xFFFFFFFF;
	p2 =	slt.u32 s8, $0xFFFFF086  }
0x1c: {  	p1 =	slt.u32 s9, $0xF7A;
	s5 =	simm.s32 @!p2 $0x0  }
0x1d: {  	s5 =	simm.s32 @p1 $0x1;
	p0 =	seq.s32 s7, s2  }
0x1e: {  	s7 =	smul.u32 @!p0 $0xF7A, s2;
	p2 =	seq.s32 @!p0 s5, $0x0  }
0x1f: {  	s9 =	smul.u32 $0xF7A, s1;
	s8 =	simm.s32 @!p0 $0x1BF5;
	p2 =	por !p2, p0  }
0x20: {  	[sflag:s8] =	ssyncset.s32 @!p0 $0xFFFFF086;
	s6 =	sadd.s32 @!p0 s3, s7;
	s7 =	simm.s32 @!p0 $0x108  }
0x21: {  	s3 =	sadd.s32 s3, s9;
	s6 =	sadd.s32 @!p0 $0x88, s6;
	s7 =	simm.s32 @p2 $0x1082  }
0x22: {  	[simem:s7], [sflag:s8] =	dma.local @!p0 [hbm:s6], $0xF7A  }
0x23: {  	s9 =	sor.u32 $0xD0000000, s2;
	s6 =	simm.s32 $0x108;
	_ =	swait.ge @!p0 [sflag:s8], $0x0  }
0x24: {  	s3 =	sadd.s32 $0x88, s3;
	s6 =	simm.s32 @!p1 $0x1082;
	[sflag:s4] =	ssyncset.s32 $0xFFFFF086  }
0x25: {  	[simem:s6], [sflag:s4] =	dma.local [hbm:s3], $0xF7A  }
0x26: {  	[smem:$0x3F86] =	sst s1;
	(tag) =	ssettag s2;
	_ =	strace s9  }
0x27: {  	s1 =	sld [smem:$0x3F96]  }
0x28: {  	s2 =	sld [smem:$0x3F97]  }
0x29: {  	s4 =	sld [smem:$0x3F99]  }
0x2a: {  	p0 =	seq.s32 s5, $0x0;
	s5 =	sld [smem:$0x3F9A]  }
0x2b: {  	s6 =	sld [smem:$0x3F9B]  }
0x2c: {  	s7 =	sld [smem:$0x3F9C]  }
0x2d: {  	s3 =	simm.s32 $0x108;
	s8 =	sld [smem:$0x3F9D]  }
0x2e: {  	s3 =	simm.s32 @!p0 $0x1082;
	s9 =	sld [smem:$0x3F9E]  }
0x2f: {  	lr =	sadd.s32 s0, s3;
	s0 =	sld [smem:$0x3F95]  }
0x30: {  	s3 =	sld [smem:$0x3F98]  }
0x31: {  	[smem:$0x3FA1] =	sst s10  }
0x32: {  	s10 =	sld [smem:$0x3F9F];
	_ =	sdelay $0x3  }
0x33: {  	p0 =	seq.s32 s10, $0x1;
	s10 =	sld [smem:$0x3FA1];
	_ =	sdelay $0x3  }
0x34: {  	[smem:$0x3FA1] =	sst s10  }
0x35: {  	s10 =	sld [smem:$0x3FA0];
	_ =	sdelay $0x3  }
0x36: {  	p1 =	seq.s32 s10, $0x1;
	s10 =	sld [smem:$0x3FA1];
	_ =	sdelay $0x3  }
0x37: {  	[smem:$0x3FA1] =	sst s10  }
0x38: {  	s10 =	sld [smem:$0x3FA2]  }
0x39: {  	_ = 	snop;
	(pc) =	sbr.ind lr, $3  }
0x3a: {  	_ = 	snop  }
0x3b: {  	_ = 	snop  }
0x3c: {  	p2 =	seq.s32 s10, $0x1;
	s10 =	sld [smem:$0x3FA1]  }
0x3d: {  	_ =	shalt  }
0x3e: {  	_ =	shalt  }
0x3f: {  	_ =	shalt  }
0x40: {  	_ =	shalt  }
0x41: {  	_ =	shalt  }
0x42: {  	_ =	shalt  }
0x43: {  	_ =	shalt  }
0x44: {  	_ =	shalt  }
0x45: {  	_ =	shalt  }
0x46: {  	_ =	shalt  }
0x47: {  	_ =	shalt  }
0x48: {  	_ =	shalt  }
0x49: {  	_ =	shalt  }
0x4a: {  	_ =	shalt  }
0x4b: {  	_ =	shalt  }
0x4c: {  	_ =	shalt  }
0x4d: {  	_ =	shalt  }
0x4e: {  	_ =	shalt  }
0x4f: {  	_ =	shalt  }
0x50: {  	_ =	shalt  }
0x51: {  	_ =	shalt  }
0x52: {  	_ =	shalt  }
0x53: {  	_ =	shalt  }
0x54: {  	_ =	shalt  }
0x55: {  	_ =	shalt  }
0x56: {  	_ =	shalt  }
0x57: {  	_ =	shalt  }
0x58: {  	_ =	shalt  }
0x59: {  	_ =	shalt  }
0x5a: {  	_ =	shalt  }
0x5b: {  	_ =	shalt  }
0x5c: {  	_ =	shalt  }
0x5d: {  	_ =	shalt  }
0x5e: {  	_ =	shalt  }
0x5f: {  	_ =	shalt  }
0x60: {  	_ =	shalt  }
0x61: {  	_ =	shalt  }
0x62: {  	_ =	shalt  }
0x63: {  	_ =	shalt  }
0x64: {  	_ =	shalt  }
0x65: {  	_ =	shalt  }
0x66: {  	_ =	shalt  }
0x67: {  	_ =	shalt  }
0x68: {  	_ =	shalt  }
0x69: {  	_ =	shalt  }
0x6a: {  	_ =	shalt  }
0x6b: {  	_ =	shalt  }
0x6c: {  	_ =	shalt  }
0x6d: {  	_ =	shalt  }
0x6e: {  	_ =	shalt  }
0x6f: {  	_ =	shalt  }
0x70: {  	_ =	shalt  }
0x71: {  	_ =	shalt  }
0x72: {  	_ =	shalt  }
0x73: {  	_ =	shalt  }
0x74: {  	_ =	shalt  }
0x75: {  	_ =	shalt  }
0x76: {  	_ =	shalt  }
0x77: {  	_ =	shalt  }
0x78: {  	_ =	shalt  }
0x79: {  	_ =	shalt  }
0x7a: {  	_ =	shalt  }
0x7b: {  	_ =	shalt  }
0x7c: {  	_ =	shalt  }
0x7d: {  	_ =	shalt  }
0x7e: {  	_ =	shalt  }
0x7f: {  	_ =	shalt  }
0x80: {  	_ =	shalt  }
0x81: {  	_ =	shalt  }
0x82: {  	_ =	shalt  }
0x83: {  	_ =	shalt  }
0x84: {  	_ =	shalt  }
0x85: {  	_ =	shalt  }
0x86: {  	_ =	shalt  }
0x87: {  	_ =	shalt  }
.Lfunc_end0:
.L_simem_size_0:
called_computation_lowered:
.L_overlay_start_0:
0x88: {  	s2 =	sld [smem:$0x3FD9]  }
0x89: {  	s3 =	sld [smem:$0x3FFE];
	_ =	sdelay $0x1  }
0x8a: {  	s1 =	srdreg.scid  }
0x8b: {  	s0 =	sand.u32 $0x1, s1  }
0x8c: {  	s16 =	sshll.u32 s0, $0xA;
	s2 =	sadd.s32 s3, s2  }
0x8d: {  	s2 =	sadd.s32 s2, s16  }
0x8e: {  	[smem:$0x3FAD] =	sst s2  }
0x8f: {  	_ = 	snop  }
0x90: {  	(tm) =	ssettm $0x1  }
0x91: {  	s17 =	sld [smem:$0x3FFB];
	_ =	sdelay $0x3  }
0x92: {  	_ =	strace s17  }
0x93: {  	s2 =	sld [smem:$0x3FFC];
	_ =	sdelay $0x3  }
0x94: {  	_ =	strace s2  }
0x95: {  	s2 =	sld [smem:$0x3FFD];
	_ =	sdelay $0x3  }
0x96: {  	_ =	strace s2  }
0x97: {  	_ =	strace $0x8FFFFFFF  }
0x98: {  	s18 =	sld [smem:$0x3FDB];
	_ =	sdelay $0x1  }
0x99: {  	s19 =	simm.s32 $_scs_section_size  }
0x9a: {  	s4 =	simm.s32 $_size__tile_overlayer_lowered;
	s5 =	simm.s32 $_tile_overlayer_lowered  }
0x9b: {  	s22 =	simm.s32 $0x1BFF;
	s21 =	sshll.u32 s5, $0x1;
	s2 =	sadd.s32 s19, s18  }
0x9c: {  	s6 =	simm.s32 $0x0;
	s20 =	sshll.u32 s4, $0x1;
	s4 =	sadd.s32 s21, s2  }
0x9d: {  	[timem:s6], [sflag:s22] =	dma.local [hbm:s4], s20  }
0x9e: {  	_ =	swait.ge [sflag:s22], s20  }
0x9f: {  	s3 =	ssub.s32 $0x0, s20;
	[sflag:s22] =	ssyncset.done $0x0  }
0xa0: {  	[sflag:s22] =	ssyncadd.s32 s3;
	_ =	sdelay $0x1  }
0xa1: {  	s23 =	simm.s32 $0x1B8B  }
0xa2: {  	_ =	swait.ge [sflag:s23], $0x1  }
0xa3: {  	[sflag:s23] =	ssyncset.done $0x0  }
0xa4: {  	s25 =	simm.s32 $0x1B8E;
	s24 =	sld [smem:$0x3FFE];
	[sflag:s23] =	ssyncadd.s32 $0xFFFFFFFF  }
0xa5: {  	s26 =	simm.s32 $execute0_lowered;
	[smem:$0x3FD2] =	sst s25  }
0xa6: {  	s4 =	sshll.u32 s26, $0x1;
	_ =	strace $0x80000046;
	[dreg:$0x1] =	wrdreg $0xFFFFFFFF  }
0xa7: {  	s28 =	simm.s32 $_size_execute0_lowered;
	s2 =	sadd.s32 s2, s4;
	[dreg:$0x0] =	wrdreg $0x0  }
0xa8: {  	s4 =	sshll.u32 s28, $0x1;
	[dreg:$0x2] =	wrdreg s2  }
0xa9: {  	[dreg:$0x3] =	wrdreg s4  }
0xaa: {  	[dreg:$0x4] =	wrdreg $0xC0  }
0xab: {  	_ =	task [dreg:s6], $0x5FFFF  }
0xac: {  	[dreg:$0x1] =	wrdreg $0xFFFFFFFF  }
0xad: {  	[dreg:$0x0] =	wrdreg $0x60  }
0xae: {  	[dreg:$0x2] =	wrdreg s24  }
0xaf: {  	[dreg:$0x3] =	wrdreg $0x9  }
0xb0: {  	_ =	task.clear_ibuf [dreg:s6], $0x4FFFF;
	_ =	strace $0x90000046  }
0xb1: {  	s29 =	simm.s32 $0x9;
	_ =	strace $0x80000048  }
0xb2: {  	_ =	swait.ge [sflag:s29], $0x1  }
0xb3: {  	[sflag:s29] =	ssyncadd.s32 $0xFFFFFFFF  }
0xb4: {  	_ =	strace $0x90000048  }
0xb5: {  	_ =	sfence  }
0xb6: {  	s30 =	sld [smem:$0x0];
	_ =	sdelay $0x2  }
0xb7: {  	s31 =	sshll.u32 s1, $0xD;
	s1 =	sshrl.u32 s1, $0x2  }
0xb8: {  	s3 =	sand.u32 $0x4000, s31;
	s1 =	sadd.s32 s1, s30  }
0xb9: {  	s0 =	sor.u32 s3, s0;
	s1 =	sshll.u32 s1, $0x11  }
0xba: {  	s0 =	sor.u32 s1, s0  }
0xbb: {  	s0 =	sadd.s32 $0x8F2B, s0  }
0xbc: {  	[sflag:s0] =	ssyncadd.remote.s32 $0x1  }
0xbd: {  	_ =	sfence.sel $0xFFFF  }
0xbe: {  	[dreg:$0x0] =	wrdreg $0xFFFFFFFF;
	(pc) =	sbr.abs _section_cstart, $3  }
0xbf: {  	[dreg:$0x1] =	wrdreg $0xFFFFFFFF  }
0xc0: {  	_ =	task.clear_ibuf [dreg:s6], $0x2FFFF;
	_ =	strace $0x9FFFFFFF  }
0xc1: {  	(tm) =	ssettm $0x7FFFFFFF  }
tec
execute0_lowered:
.L_overlay_start_1:
0x0: {  	(tag) =	ssettag $0x1  }
0x1: {  	s0 =	rddreg [dreg:$0x0];
	s1 =	simm.s32 $0x0  }
0x2: {  	s2 =	srdreg.scid;
	s9 =	stileid.u32;
	s11 =	simm.s32 $0x1  }
0x3: {  	s12 =	simm.s32 $0x100;
	s28 =	simm.s32 $0x7900;
	s29 =	simm.s32 $0x2  }
0x4: {  	s30 =	simm.s32 $0x8100;
	s31 =	simm.s32 $0x8900;
	s10 =	simm.s32 $0xC100  }
0x5: {  	s13 =	simm.s32 $0xC900;
	s14 =	simm.s32 $0xD100;
	s15 =	simm.s32 $0xD900  }
0x6: {  	s16 =	simm.s32 $0xE100;
	s17 =	simm.s32 $0xE900;
	s18 =	simm.s32 $0xF100  }
0x7: {  	s19 =	simm.s32 $0xF900;
	s20 =	simm.s32 $0x3;
	[smem:$0x7FF] =	sst s1  }
0x8: {  	s2 =	sand.u32 $0x1, s2;
	s3 =	sadd.s32 $0x29200, s0;
	s5 =	sshll.u32 s9, $0xD  }
0x9: {  	s6 =	sadd.s32 $0x21200, s0;
	s25 =	sshll.u32 s9, $0x12;
	_ =	strace $0x80000047  }
0xa: {  	s4 =	sshll.u32 s2, $0x11;
	s7 =	ssub.s32 $0x2, s2;
	s2 =	sshll.u32 s2, $0x16  }
0xb: {  	s4 =	sor.u32 s5, s4;
	s21 =	sshrl.u32 s7, $0x1;
	s0 =	sadd.s32 s2, s0  }
0xc: {  	s8 =	sshrl.u32 s4, $0x3;
	s22 =	ssub.s32 s7, s21;
	s24 =	sor.u32 $0x180, s4  }
0xd: {  	s4 =	sor.u32 $0x100, s4;
	s0 =	sadd.s32 s25, s0;
	s21 =	simm.s32 $0x4  }
0xe: {  	s25 =	simm.s32 $0x0;
	s23 =	sadd.s32 s6, s8;
	s2 =	smax.u32 s22, $0x1  }
0xf: {  	s26 =	sshrl.u32 s4, $0x3;
	s0 =	sadd.s32 $0xAA200, s0;
	s4 =	simm.s32 $0xB100  }
.Ltmp0:
0x10: {  	s8 =	simm.s32 $0xB900;
	[dreg:$0x2] =	wrdreg s23;
	(pc) =	sbr.rel .LBB2_1-.Ltmp0, $4  }
0x11: {  	s22 =	simm.s32 $0x5;
	s5 =	sadd.s32 $0x10, s23;
	[dreg:$0x4] =	wrdreg s2  }
0x12: {  	v2 =	vlaneseq.u32;
	s2 =	sshrl.u32 s24, $0x3;
	[dreg:$0x5] =	wrdreg s0;
	s9 =	sadd.s32 s26, s6  }
0x13: {  	vm0 =	vmmov $0xffff;
	v1 =	vshrl.u32 v2, $0x3;
	s0 =	simm.s32 $0x9100;
	[dreg:$0x3] =	wrdreg s5;
	s7 =	sadd.s32 s2, s6  }
0x14: {  	v0 =	vand.u32 $0x7, v2;
	v2 =	vor.u32 $0x8, v2;
	v1 =	vmul.u32 $0x8, v1;
	s2 =	simm.s32 $0x9900;
	s5 =	simm.s32 $0xA100;
	s6 =	simm.s32 $0xA900  }
.LBB2_6:
0x15: {  	_ =	swait.ge [sflag:s22], $0x8000  }
0x16: {  	[sflag:s22] =	ssyncset.done $0x0  }
0x17: {  	s24 =	simm.s32 $0x6;
	[sflag:s22] =	ssyncadd.s32 $0xFFFF8000  }
0x18: {  	_ =	swait.ge [sflag:s24], $0x8000  }
0x19: {  	s25 =	rddreg [dreg:$0x6]  }
0x1a: {  	s23 =	rddreg [dreg:$0x4];
	s25 =	sadd.s32 $0x1, s25  }
0x1b: {  	p0 =	sne.s32 s25, s23  }
.Ltmp1:
0x1c: {  	_ = 	snop;
	(pc) =	sbr.rel @!p0 .LBB2_7-.Ltmp1, $3  }
0x1d: {  	_ =	sdelay $0x1  }
0x1e: {  	[sflag:s24] =	ssyncset.done $0x0  }
0x1f: {  	[sflag:s24] =	ssyncadd.s32 $0xFFFF8000  }
.LBB2_1:
0x20: {  	[dreg:$0x6] =	wrdreg s25  }
0x21: {  	s23 =	rddreg [dreg:$0x2]  }
0x22: {  	[tilespmem:s1], [sflag:$0x1] =	stream.linear.gather [hbm4b:s23+s1], $0x80, $0x38;
	[tilespmem:$0x10100] =	vst v63  }
0x23: {  	s26 =	rddreg [dreg:$0x3];
	s24 =	simm.s32 $0x80  }
0x24: {  	[tilespmem:s24], [sflag:$0x2] =	stream.linear.gather [hbm4b:s26+s1], $0x80, $0x38;
	[tilespmem:$0x10100] =	vst v63  }
0x25: {  	_ =	swait.ge [sflag:s11], $0x80  }
0x26: {  	[sflag:s11] =	ssyncset.done $0x0  }
0x27: {  	[sflag:s11] =	ssyncadd.s32 $0xFFFFFF80  }
0x28: {  	v3 =	vld [tilespmem:$0x0];
	_ =	sdelay $0x4  }
0x29: {  	v4 =	vshll.u32 v3, $0x1  }
0x2a: {  	v3 =	vand.u32 $0x7, v3;
	v4 =	vand.u32 $0xFFFFFFF0, v4  }
0x2b: {  	v3 =	vor.u32 v3, v4  }
0x2c: {  	v4 =	vperm.xlane v3, v0;
	_ =	sdelay $0x1  }
0x2d: {  	v3 =	vperm.xlane v3, v2;
	v4 =	vadd.s32 v1, v4;
	_ =	sdelay $0x1  }
0x2e: {  	v3 =	vadd.s32 v1, v3;
	_ =	sdelay $0x2  }
0x2f: {  	[tilespmem:s12], [sflag:$0x3] =	stream.indirect_vreg.gather [hbm4b:s3+s1], $0x80, v4, vm0, $0xb8;
	[tilespmem:$0x10100] =	vst v63  }
0x30: {  	s25 =	simm.s32 $0x900  }
0x31: {  	[tilespmem:s25], [sflag:$0x3] =	stream.indirect_vreg.gather [hbm4b:s3+s1], $0x80, v3, vm0, $0xb8;
	[tilespmem:$0x10100] =	vst v63  }
0x32: {  	v3 =	vld [tilespmem:$0x10];
	_ =	sdelay $0x4  }
0x33: {  	v57 =	vshll.u32 v3, $0x1  }
0x34: {  	v3 =	vand.u32 $0x7, v3;
	v4 =	vand.u32 $0xFFFFFFF0, v57  }
0x35: {  	v3 =	vor.u32 v3, v4  }
0x36: {  	v4 =	vperm.xlane v3, v0;
	_ =	sdelay $0x1  }
0x37: {  	v3 =	vperm.xlane v3, v2;
	v4 =	vadd.s32 v1, v4;
	_ =	sdelay $0x1  }
0x38: {  	v3 =	vadd.s32 v1, v3;
	_ =	sdelay $0x1  }
0x39: {  	s26 =	simm.s32 $0x1100  }
0x3a: {  	[tilespmem:s26], [sflag:$0x3] =	stream.indirect_vreg.gather [hbm4b:s3+s1], $0x80, v4, vm0, $0xb8;
	[tilespmem:$0x10100] =	vst v63  }
0x3b: {  	s24 =	simm.s32 $0x1900  }
0x3c: {  	[tilespmem:s24], [sflag:$0x3] =	stream.indirect_vreg.gather [hbm4b:s3+s1], $0x80, v3, vm0, $0xb8;
	[tilespmem:$0x10100] =	vst v63  }
0x3d: {  	v3 =	vld [tilespmem:$0x20];
	_ =	sdelay $0x4  }
0x3e: {  	v58 =	vshll.u32 v3, $0x1  }
0x3f: {  	v3 =	vand.u32 $0x7, v3;
	v4 =	vand.u32 $0xFFFFFFF0, v58  }
0x40: {  	v3 =	vor.u32 v3, v4  }
0x41: {  	v4 =	vperm.xlane v3, v0;
	_ =	sdelay $0x1  }
0x42: {  	v3 =	vperm.xlane v3, v2;
	v4 =	vadd.s32 v1, v4;
	_ =	sdelay $0x1  }
0x43: {  	v3 =	vadd.s32 v1, v3;
	_ =	sdelay $0x1  }
0x44: {  	s25 =	simm.s32 $0x2100  }
0x45: {  	[tilespmem:s25], [sflag:$0x3] =	stream.indirect_vreg.gather [hbm4b:s3+s1], $0x80, v4, vm0, $0xb8;
	[tilespmem:$0x10100] =	vst v63  }
0x46: {  	s26 =	simm.s32 $0x2900  }
0x47: {  	[tilespmem:s26], [sflag:$0x3] =	stream.indirect_vreg.gather [hbm4b:s3+s1], $0x80, v3, vm0, $0xb8;
	[tilespmem:$0x10100] =	vst v63  }
0x48: {  	v3 =	vld [tilespmem:$0x30];
	_ =	sdelay $0x4  }
0x49: {  	v59 =	vshll.u32 v3, $0x1  }
0x4a: {  	v3 =	vand.u32 $0x7, v3;
	v4 =	vand.u32 $0xFFFFFFF0, v59  }
0x4b: {  	v3 =	vor.u32 v3, v4  }
0x4c: {  	v4 =	vperm.xlane v3, v0;
	_ =	sdelay $0x1  }
0x4d: {  	v3 =	vperm.xlane v3, v2;
	v4 =	vadd.s32 v1, v4;
	_ =	sdelay $0x1  }
0x4e: {  	v3 =	vadd.s32 v1, v3;
	_ =	sdelay $0x1  }
0x4f: {  	s24 =	simm.s32 $0x3100  }
0x50: {  	[tilespmem:s24], [sflag:$0x3] =	stream.indirect_vreg.gather [hbm4b:s3+s1], $0x80, v4, vm0, $0xb8;
	[tilespmem:$0x10100] =	vst v63  }
0x51: {  	s25 =	simm.s32 $0x3900  }
0x52: {  	[tilespmem:s25], [sflag:$0x3] =	stream.indirect_vreg.gather [hbm4b:s3+s1], $0x80, v3, vm0, $0xb8;
	[tilespmem:$0x10100] =	vst v63  }
0x53: {  	v3 =	vld [tilespmem:$0x40];
	_ =	sdelay $0x4  }
0x54: {  	v60 =	vshll.u32 v3, $0x1  }
0x55: {  	v3 =	vand.u32 $0x7, v3;
	v4 =	vand.u32 $0xFFFFFFF0, v60  }
0x56: {  	v3 =	vor.u32 v3, v4  }
0x57: {  	v4 =	vperm.xlane v3, v0;
	_ =	sdelay $0x1  }
0x58: {  	v3 =	vperm.xlane v3, v2;
	v4 =	vadd.s32 v1, v4;
	_ =	sdelay $0x1  }
0x59: {  	v3 =	vadd.s32 v1, v3;
	_ =	sdelay $0x1  }
0x5a: {  	s26 =	simm.s32 $0x4100  }
0x5b: {  	[tilespmem:s26], [sflag:$0x3] =	stream.indirect_vreg.gather [hbm4b:s3+s1], $0x80, v4, vm0, $0xb8;
	[tilespmem:$0x10100] =	vst v63  }
0x5c: {  	s24 =	simm.s32 $0x4900  }
0x5d: {  	[tilespmem:s24], [sflag:$0x3] =	stream.indirect_vreg.gather [hbm4b:s3+s1], $0x80, v3, vm0, $0xb8;
	[tilespmem:$0x10100] =	vst v63  }
0x5e: {  	v3 =	vld [tilespmem:$0x50];
	_ =	sdelay $0x4  }
0x5f: {  	v61 =	vshll.u32 v3, $0x1  }
0x60: {  	v3 =	vand.u32 $0x7, v3;
	v4 =	vand.u32 $0xFFFFFFF0, v61  }
0x61: {  	v3 =	vor.u32 v3, v4  }
0x62: {  	v4 =	vperm.xlane v3, v0;
	_ =	sdelay $0x1  }
0x63: {  	v3 =	vperm.xlane v3, v2;
	v4 =	vadd.s32 v1, v4;
	_ =	sdelay $0x1  }
0x64: {  	v3 =	vadd.s32 v1, v3;
	_ =	sdelay $0x1  }
0x65: {  	s25 =	simm.s32 $0x5100  }
0x66: {  	[tilespmem:s25], [sflag:$0x3] =	stream.indirect_vreg.gather [hbm4b:s3+s1], $0x80, v4, vm0, $0xb8;
	[tilespmem:$0x10100] =	vst v63  }
0x67: {  	s26 =	simm.s32 $0x5900  }
0x68: {  	[tilespmem:s26], [sflag:$0x3] =	stream.indirect_vreg.gather [hbm4b:s3+s1], $0x80, v3, vm0, $0xb8;
	[tilespmem:$0x10100] =	vst v63  }
0x69: {  	v3 =	vld [tilespmem:$0x60];
	_ =	sdelay $0x4  }
0x6a: {  	v62 =	vshll.u32 v3, $0x1  }
0x6b: {  	v3 =	vand.u32 $0x7, v3;
	v4 =	vand.u32 $0xFFFFFFF0, v62  }
0x6c: {  	v3 =	vor.u32 v3, v4  }
0x6d: {  	v4 =	vperm.xlane v3, v0;
	_ =	sdelay $0x1  }
0x6e: {  	v3 =	vperm.xlane v3, v2;
	v4 =	vadd.s32 v1, v4;
	_ =	sdelay $0x1  }
0x6f: {  	v3 =	vadd.s32 v1, v3;
	_ =	sdelay $0x1  }
0x70: {  	s24 =	simm.s32 $0x6100  }
0x71: {  	[tilespmem:s24], [sflag:$0x3] =	stream.indirect_vreg.gather [hbm4b:s3+s1], $0x80, v4, vm0, $0xb8;
	[tilespmem:$0x10100] =	vst v63  }
0x72: {  	s25 =	simm.s32 $0x6900  }
0x73: {  	[tilespmem:s25], [sflag:$0x3] =	stream.indirect_vreg.gather [hbm4b:s3+s1], $0x80, v3, vm0, $0xb8;
	[tilespmem:$0x10100] =	vst v63  }
0x74: {  	v3 =	vld [tilespmem:$0x70];
	_ =	sdelay $0x4  }
0x75: {  	v63 =	vshll.u32 v3, $0x1  }
0x76: {  	v3 =	vand.u32 $0x7, v3;
	v4 =	vand.u32 $0xFFFFFFF0, v63  }
0x77: {  	v3 =	vor.u32 v3, v4  }
0x78: {  	v4 =	vperm.xlane v3, v0;
	_ =	sdelay $0x1  }
0x79: {  	v3 =	vperm.xlane v3, v2;
	v4 =	vadd.s32 v1, v4;
	_ =	sdelay $0x1  }
0x7a: {  	v3 =	vadd.s32 v1, v3  }
.Ltmp2:
0x7b: {  	_ = 	snop;
	(pc) =	sbr.rel .LBB2_2-.Ltmp2, $4  }
0x7c: {  	s26 =	simm.s32 $0x7100  }
0x7d: {  	[tilespmem:s26], [sflag:$0x3] =	stream.indirect_vreg.gather [hbm4b:s3+s1], $0x80, v4, vm0, $0xb8;
	[tilespmem:$0x10100] =	vst v63  }
0x7e: {  	s23 =	rddreg [dreg:$0x5];
	s24 =	simm.s32 $0x0  }
0x7f: {  	[tilespmem:s28], [sflag:$0x3] =	stream.indirect_vreg.gather [hbm4b:s3+s1], $0x80, v3, vm0, $0xb8;
	[tilespmem:$0x10100] =	vst v63  }
.LBB2_4:
0x80: {  	_ =	swait.ge [sflag:s11], $0x80  }
0x81: {  	[sflag:s11] =	ssyncset.done $0x0  }
0x82: {  	[sflag:s11] =	ssyncadd.s32 $0xFFFFFF80  }
0x83: {  	_ =	swait.ge [sflag:s22], $0x8000  }
0x84: {  	[sflag:s22] =	ssyncset.done $0x0  }
0x85: {  	[sflag:s22] =	ssyncadd.s32 $0xFFFF8000  }
0x86: {  	v3 =	vld [tilespmem:$0x0];
	_ =	sdelay $0x4  }
0x87: {  	v4 =	vshll.u32 v3, $0x1  }
0x88: {  	v3 =	vand.u32 $0x7, v3;
	v4 =	vand.u32 $0xFFFFFFF0, v4  }
0x89: {  	v3 =	vor.u32 v3, v4  }
0x8a: {  	v4 =	vperm.xlane v3, v0;
	_ =	sdelay $0x1  }
0x8b: {  	v3 =	vperm.xlane v3, v2;
	v4 =	vadd.s32 v1, v4;
	_ =	sdelay $0x1  }
0x8c: {  	v3 =	vadd.s32 v1, v3;
	_ =	sdelay $0x2  }
0x8d: {  	[tilespmem:s12], [sflag:$0x3] =	stream.indirect_vreg.gather [hbm4b:s3+s1], $0x80, v4, vm0, $0xb8;
	[tilespmem:$0x10100] =	vst v63  }
0x8e: {  	s25 =	simm.s32 $0x900  }
0x8f: {  	[tilespmem:s25], [sflag:$0x3] =	stream.indirect_vreg.gather [hbm4b:s3+s1], $0x80, v3, vm0, $0xb8;
	[tilespmem:$0x10100] =	vst v63  }
0x90: {  	v3 =	vld [tilespmem:$0x10];
	_ =	sdelay $0x4  }
0x91: {  	v57 =	vshll.u32 v3, $0x1  }
0x92: {  	v3 =	vand.u32 $0x7, v3;
	v4 =	vand.u32 $0xFFFFFFF0, v57  }
0x93: {  	v3 =	vor.u32 v3, v4  }
0x94: {  	v4 =	vperm.xlane v3, v0;
	_ =	sdelay $0x1  }
0x95: {  	v3 =	vperm.xlane v3, v2;
	v4 =	vadd.s32 v1, v4;
	_ =	sdelay $0x1  }
0x96: {  	v3 =	vadd.s32 v1, v3;
	_ =	sdelay $0x1  }
0x97: {  	s26 =	simm.s32 $0x1100  }
0x98: {  	[tilespmem:s26], [sflag:$0x3] =	stream.indirect_vreg.gather [hbm4b:s3+s1], $0x80, v4, vm0, $0xb8;
	[tilespmem:$0x10100] =	vst v63  }
0x99: {  	s26 =	simm.s32 $0x1900  }
0x9a: {  	[tilespmem:s26], [sflag:$0x3] =	stream.indirect_vreg.gather [hbm4b:s3+s1], $0x80, v3, vm0, $0xb8;
	[tilespmem:$0x10100] =	vst v63  }
0x9b: {  	v3 =	vld [tilespmem:$0x20];
	_ =	sdelay $0x4  }
0x9c: {  	v58 =	vshll.u32 v3, $0x1  }
0x9d: {  	v3 =	vand.u32 $0x7, v3;
	v4 =	vand.u32 $0xFFFFFFF0, v58  }
0x9e: {  	v3 =	vor.u32 v3, v4  }
0x9f: {  	v4 =	vperm.xlane v3, v0;
	_ =	sdelay $0x1  }
0xa0: {  	v3 =	vperm.xlane v3, v2;
	v4 =	vadd.s32 v1, v4;
	_ =	sdelay $0x1  }
0xa1: {  	v3 =	vadd.s32 v1, v3;
	_ =	sdelay $0x1  }
0xa2: {  	s26 =	simm.s32 $0x2100  }
0xa3: {  	[tilespmem:s26], [sflag:$0x3] =	stream.indirect_vreg.gather [hbm4b:s3+s1], $0x80, v4, vm0, $0xb8;
	[tilespmem:$0x10100] =	vst v63  }
0xa4: {  	s26 =	simm.s32 $0x2900  }
0xa5: {  	[tilespmem:s26], [sflag:$0x3] =	stream.indirect_vreg.gather [hbm4b:s3+s1], $0x80, v3, vm0, $0xb8;
	[tilespmem:$0x10100] =	vst v63  }
0xa6: {  	v3 =	vld [tilespmem:$0x30];
	_ =	sdelay $0x4  }
0xa7: {  	v59 =	vshll.u32 v3, $0x1  }
0xa8: {  	v3 =	vand.u32 $0x7, v3;
	v4 =	vand.u32 $0xFFFFFFF0, v59  }
0xa9: {  	v3 =	vor.u32 v3, v4  }
0xaa: {  	v4 =	vperm.xlane v3, v0;
	_ =	sdelay $0x1  }
0xab: {  	v3 =	vperm.xlane v3, v2;
	v4 =	vadd.s32 v1, v4;
	_ =	sdelay $0x1  }
0xac: {  	v3 =	vadd.s32 v1, v3;
	_ =	sdelay $0x1  }
0xad: {  	s26 =	simm.s32 $0x3100  }
0xae: {  	[tilespmem:s26], [sflag:$0x3] =	stream.indirect_vreg.gather [hbm4b:s3+s1], $0x80, v4, vm0, $0xb8;
	[tilespmem:$0x10100] =	vst v63  }
0xaf: {  	s26 =	simm.s32 $0x3900  }
0xb0: {  	[tilespmem:s26], [sflag:$0x3] =	stream.indirect_vreg.gather [hbm4b:s3+s1], $0x80, v3, vm0, $0xb8;
	[tilespmem:$0x10100] =	vst v63  }
0xb1: {  	v3 =	vld [tilespmem:$0x40];
	_ =	sdelay $0x4  }
0xb2: {  	v60 =	vshll.u32 v3, $0x1  }
0xb3: {  	v3 =	vand.u32 $0x7, v3;
	v4 =	vand.u32 $0xFFFFFFF0, v60  }
0xb4: {  	v3 =	vor.u32 v3, v4  }
0xb5: {  	v4 =	vperm.xlane v3, v0;
	_ =	sdelay $0x1  }
0xb6: {  	v3 =	vperm.xlane v3, v2;
	v4 =	vadd.s32 v1, v4;
	_ =	sdelay $0x1  }
0xb7: {  	v3 =	vadd.s32 v1, v3;
	_ =	sdelay $0x1  }
0xb8: {  	s26 =	simm.s32 $0x4100  }
0xb9: {  	[tilespmem:s26], [sflag:$0x3] =	stream.indirect_vreg.gather [hbm4b:s3+s1], $0x80, v4, vm0, $0xb8;
	[tilespmem:$0x10100] =	vst v63  }
0xba: {  	s26 =	simm.s32 $0x4900  }
0xbb: {  	[tilespmem:s26], [sflag:$0x3] =	stream.indirect_vreg.gather [hbm4b:s3+s1], $0x80, v3, vm0, $0xb8;
	[tilespmem:$0x10100] =	vst v63  }
0xbc: {  	v3 =	vld [tilespmem:$0x50];
	_ =	sdelay $0x4  }
0xbd: {  	v61 =	vshll.u32 v3, $0x1  }
0xbe: {  	v3 =	vand.u32 $0x7, v3;
	v4 =	vand.u32 $0xFFFFFFF0, v61  }
0xbf: {  	v3 =	vor.u32 v3, v4  }
0xc0: {  	v4 =	vperm.xlane v3, v0;
	_ =	sdelay $0x1  }
0xc1: {  	v3 =	vperm.xlane v3, v2;
	v4 =	vadd.s32 v1, v4;
	_ =	sdelay $0x1  }
0xc2: {  	v3 =	vadd.s32 v1, v3;
	_ =	sdelay $0x1  }
0xc3: {  	s26 =	simm.s32 $0x5100  }
0xc4: {  	[tilespmem:s26], [sflag:$0x3] =	stream.indirect_vreg.gather [hbm4b:s3+s1], $0x80, v4, vm0, $0xb8;
	[tilespmem:$0x10100] =	vst v63  }
0xc5: {  	s26 =	simm.s32 $0x5900  }
0xc6: {  	[tilespmem:s26], [sflag:$0x3] =	stream.indirect_vreg.gather [hbm4b:s3+s1], $0x80, v3, vm0, $0xb8;
	[tilespmem:$0x10100] =	vst v63  }
0xc7: {  	v3 =	vld [tilespmem:$0x60];
	_ =	sdelay $0x4  }
0xc8: {  	v62 =	vshll.u32 v3, $0x1  }
0xc9: {  	v3 =	vand.u32 $0x7, v3;
	v4 =	vand.u32 $0xFFFFFFF0, v62  }
0xca: {  	v3 =	vor.u32 v3, v4  }
0xcb: {  	v4 =	vperm.xlane v3, v0;
	_ =	sdelay $0x1  }
0xcc: {  	v3 =	vperm.xlane v3, v2;
	v4 =	vadd.s32 v1, v4;
	_ =	sdelay $0x1  }
0xcd: {  	v3 =	vadd.s32 v1, v3;
	_ =	sdelay $0x1  }
0xce: {  	s26 =	simm.s32 $0x6100  }
0xcf: {  	[tilespmem:s26], [sflag:$0x3] =	stream.indirect_vreg.gather [hbm4b:s3+s1], $0x80, v4, vm0, $0xb8;
	[tilespmem:$0x10100] =	vst v63  }
0xd0: {  	s26 =	simm.s32 $0x6900  }
0xd1: {  	[tilespmem:s26], [sflag:$0x3] =	stream.indirect_vreg.gather [hbm4b:s3+s1], $0x80, v3, vm0, $0xb8;
	[tilespmem:$0x10100] =	vst v63  }
0xd2: {  	v3 =	vld [tilespmem:$0x70];
	_ =	sdelay $0x4  }
0xd3: {  	v63 =	vshll.u32 v3, $0x1  }
0xd4: {  	v3 =	vand.u32 $0x7, v3;
	v4 =	vand.u32 $0xFFFFFFF0, v63  }
0xd5: {  	v3 =	vor.u32 v3, v4  }
0xd6: {  	v4 =	vperm.xlane v3, v0;
	_ =	sdelay $0x1  }
0xd7: {  	v3 =	vperm.xlane v3, v2;
	v4 =	vadd.s32 v1, v4;
	_ =	sdelay $0x1  }
0xd8: {  	v3 =	vadd.s32 v1, v3;
	_ =	sdelay $0x1  }
0xd9: {  	s26 =	simm.s32 $0x7100  }
0xda: {  	[tilespmem:s26], [sflag:$0x3] =	stream.indirect_vreg.gather [hbm4b:s3+s1], $0x80, v4, vm0, $0xb8;
	[tilespmem:$0x10100] =	vst v63  }
0xdb: {  	_ = 	snop  }
0xdc: {  	[tilespmem:s28], [sflag:$0x3] =	stream.indirect_vreg.gather [hbm4b:s3+s1], $0x80, v3, vm0, $0xb8;
	[tilespmem:$0x10100] =	vst v63  }
0xdd: {  	_ =	swait.ge [sflag:s21], $0x8000  }
0xde: {  	[sflag:s21] =	ssyncset.done $0x0  }
0xdf: {  	s25 =	sadd.s32 s24, s7;
	s26 =	simm.s32 $0x80;
	[sflag:s21] =	ssyncadd.s32 $0xFFFF8000  }
0xe0: {  	[tilespmem:s26], [sflag:$0x2] =	stream.linear.gather [hbm4b:s25+s1], $0x80, $0x38;
	[tilespmem:$0x10100] =	vst v63  }
.LBB2_5:
0xe1: {  	s24 =	sadd.s32 $0x20, s24  }
0xe2: {  	p0 =	sne.s32 s24, $0x400  }
.Ltmp3:
0xe3: {  	_ = 	snop;
	(pc) =	sbr.rel @!p0 .LBB2_6-.Ltmp3, $3  }
0xe4: {  	_ =	sdelay $0x1  }
0xe5: {  	[hbm4b:s23+s1] =	stream.linear.scatter [tilespmem:s30], [sflag:$0x6], $0x8000, $0x38;
	[tilespmem:$0x10100] =	vst v63  }
0xe6: {  	s23 =	sadd.s32 $0x2000, s23  }
.LBB2_2:
0xe7: {  	_ =	swait.ge [sflag:s29], $0x80  }
0xe8: {  	p0 =	seq.s32 s24, $0x0;
	[sflag:s29] =	ssyncset.done $0x0  }
0xe9: {  	s25 =	simm.s32 @!p0 $0x6;
	[sflag:s29] =	ssyncadd.s32 $0xFFFFFF80  }
0xea: {  	_ =	swait.ge @!p0 [sflag:s25], $0x8000  }
0xeb: {  	[sflag:s25] =	ssyncset.done @!p0 $0x0  }
0xec: {  	[sflag:s25] =	ssyncadd.s32 @!p0 $0xFFFF8000  }
0xed: {  	v3 =	vld [tilespmem:$0x80];
	_ =	sdelay $0x4  }
0xee: {  	v4 =	vshll.u32 v3, $0x1  }
0xef: {  	v3 =	vand.u32 $0x7, v3;
	v4 =	vand.u32 $0xFFFFFFF0, v4  }
0xf0: {  	v3 =	vor.u32 v3, v4  }
0xf1: {  	v4 =	vperm.xlane v3, v0;
	_ =	sdelay $0x1  }
0xf2: {  	v3 =	vperm.xlane v3, v2;
	v4 =	vadd.s32 v1, v4;
	_ =	sdelay $0x1  }
0xf3: {  	v3 =	vadd.s32 v1, v3;
	_ =	sdelay $0x2  }
0xf4: {  	[tilespmem:s30], [sflag:$0x4] =	stream.indirect_vreg.gather [hbm4b:s3+s1], $0x80, v4, vm0, $0xb8;
	[tilespmem:$0x10100] =	vst v63  }
0xf5: {  	_ = 	snop  }
0xf6: {  	[tilespmem:s31], [sflag:$0x4] =	stream.indirect_vreg.gather [hbm4b:s3+s1], $0x80, v3, vm0, $0xb8;
	[tilespmem:$0x10100] =	vst v63  }
0xf7: {  	v3 =	vld [tilespmem:$0x90];
	_ =	sdelay $0x4  }
0xf8: {  	v57 =	vshll.u32 v3, $0x1  }
0xf9: {  	v3 =	vand.u32 $0x7, v3;
	v4 =	vand.u32 $0xFFFFFFF0, v57  }
0xfa: {  	v3 =	vor.u32 v3, v4  }
0xfb: {  	v4 =	vperm.xlane v3, v0;
	_ =	sdelay $0x1  }
0xfc: {  	v3 =	vperm.xlane v3, v2;
	v4 =	vadd.s32 v1, v4;
	_ =	sdelay $0x1  }
0xfd: {  	v3 =	vadd.s32 v1, v3;
	_ =	sdelay $0x2  }
0xfe: {  	[tilespmem:s0], [sflag:$0x4] =	stream.indirect_vreg.gather [hbm4b:s3+s1], $0x80, v4, vm0, $0xb8;
	[tilespmem:$0x10100] =	vst v63  }
0xff: {  	_ = 	snop  }
0x100: {  	[tilespmem:s2], [sflag:$0x4] =	stream.indirect_vreg.gather [hbm4b:s3+s1], $0x80, v3, vm0, $0xb8;
	[tilespmem:$0x10100] =	vst v63  }
0x101: {  	v3 =	vld [tilespmem:$0xA0];
	_ =	sdelay $0x4  }
0x102: {  	v58 =	vshll.u32 v3, $0x1  }
0x103: {  	v3 =	vand.u32 $0x7, v3;
	v4 =	vand.u32 $0xFFFFFFF0, v58  }
0x104: {  	v3 =	vor.u32 v3, v4  }
0x105: {  	v4 =	vperm.xlane v3, v0;
	_ =	sdelay $0x1  }
0x106: {  	v3 =	vperm.xlane v3, v2;
	v4 =	vadd.s32 v1, v4;
	_ =	sdelay $0x1  }
0x107: {  	v3 =	vadd.s32 v1, v3;
	_ =	sdelay $0x2  }
0x108: {  	[tilespmem:s5], [sflag:$0x4] =	stream.indirect_vreg.gather [hbm4b:s3+s1], $0x80, v4, vm0, $0xb8;
	[tilespmem:$0x10100] =	vst v63  }
0x109: {  	_ = 	snop  }
0x10a: {  	[tilespmem:s6], [sflag:$0x4] =	stream.indirect_vreg.gather [hbm4b:s3+s1], $0x80, v3, vm0, $0xb8;
	[tilespmem:$0x10100] =	vst v63  }
0x10b: {  	v3 =	vld [tilespmem:$0xB0];
	_ =	sdelay $0x4  }
0x10c: {  	v59 =	vshll.u32 v3, $0x1  }
0x10d: {  	v3 =	vand.u32 $0x7, v3;
	v4 =	vand.u32 $0xFFFFFFF0, v59  }
0x10e: {  	v3 =	vor.u32 v3, v4  }
0x10f: {  	v4 =	vperm.xlane v3, v0;
	_ =	sdelay $0x1  }
0x110: {  	v3 =	vperm.xlane v3, v2;
	v4 =	vadd.s32 v1, v4;
	_ =	sdelay $0x1  }
0x111: {  	v3 =	vadd.s32 v1, v3;
	_ =	sdelay $0x2  }
0x112: {  	[tilespmem:s4], [sflag:$0x4] =	stream.indirect_vreg.gather [hbm4b:s3+s1], $0x80, v4, vm0, $0xb8;
	[tilespmem:$0x10100] =	vst v63  }
0x113: {  	_ = 	snop  }
0x114: {  	[tilespmem:s8], [sflag:$0x4] =	stream.indirect_vreg.gather [hbm4b:s3+s1], $0x80, v3, vm0, $0xb8;
	[tilespmem:$0x10100] =	vst v63  }
0x115: {  	v3 =	vld [tilespmem:$0xC0];
	_ =	sdelay $0x4  }
0x116: {  	v60 =	vshll.u32 v3, $0x1  }
0x117: {  	v3 =	vand.u32 $0x7, v3;
	v4 =	vand.u32 $0xFFFFFFF0, v60  }
0x118: {  	v3 =	vor.u32 v3, v4  }
0x119: {  	v4 =	vperm.xlane v3, v0;
	_ =	sdelay $0x1  }
0x11a: {  	v3 =	vperm.xlane v3, v2;
	v4 =	vadd.s32 v1, v4;
	_ =	sdelay $0x1  }
0x11b: {  	v3 =	vadd.s32 v1, v3;
	_ =	sdelay $0x2  }
0x11c: {  	[tilespmem:s10], [sflag:$0x4] =	stream.indirect_vreg.gather [hbm4b:s3+s1], $0x80, v4, vm0, $0xb8;
	[tilespmem:$0x10100] =	vst v63  }
0x11d: {  	_ = 	snop  }
0x11e: {  	[tilespmem:s13], [sflag:$0x4] =	stream.indirect_vreg.gather [hbm4b:s3+s1], $0x80, v3, vm0, $0xb8;
	[tilespmem:$0x10100] =	vst v63  }
0x11f: {  	v3 =	vld [tilespmem:$0xD0];
	_ =	sdelay $0x4  }
0x120: {  	v61 =	vshll.u32 v3, $0x1  }
0x121: {  	v3 =	vand.u32 $0x7, v3;
	v4 =	vand.u32 $0xFFFFFFF0, v61  }
0x122: {  	v3 =	vor.u32 v3, v4  }
0x123: {  	v4 =	vperm.xlane v3, v0;
	_ =	sdelay $0x1  }
0x124: {  	v3 =	vperm.xlane v3, v2;
	v4 =	vadd.s32 v1, v4;
	_ =	sdelay $0x1  }
0x125: {  	v3 =	vadd.s32 v1, v3;
	_ =	sdelay $0x2  }
0x126: {  	[tilespmem:s14], [sflag:$0x4] =	stream.indirect_vreg.gather [hbm4b:s3+s1], $0x80, v4, vm0, $0xb8;
	[tilespmem:$0x10100] =	vst v63  }
0x127: {  	_ = 	snop  }
0x128: {  	[tilespmem:s15], [sflag:$0x4] =	stream.indirect_vreg.gather [hbm4b:s3+s1], $0x80, v3, vm0, $0xb8;
	[tilespmem:$0x10100] =	vst v63  }
0x129: {  	v3 =	vld [tilespmem:$0xE0];
	_ =	sdelay $0x4  }
0x12a: {  	v62 =	vshll.u32 v3, $0x1  }
0x12b: {  	v3 =	vand.u32 $0x7, v3;
	v4 =	vand.u32 $0xFFFFFFF0, v62  }
0x12c: {  	v3 =	vor.u32 v3, v4  }
0x12d: {  	v4 =	vperm.xlane v3, v0;
	_ =	sdelay $0x1  }
0x12e: {  	v3 =	vperm.xlane v3, v2;
	v4 =	vadd.s32 v1, v4;
	_ =	sdelay $0x1  }
0x12f: {  	v3 =	vadd.s32 v1, v3;
	_ =	sdelay $0x2  }
0x130: {  	[tilespmem:s16], [sflag:$0x4] =	stream.indirect_vreg.gather [hbm4b:s3+s1], $0x80, v4, vm0, $0xb8;
	[tilespmem:$0x10100] =	vst v63  }
0x131: {  	_ = 	snop  }
0x132: {  	[tilespmem:s17], [sflag:$0x4] =	stream.indirect_vreg.gather [hbm4b:s3+s1], $0x80, v3, vm0, $0xb8;
	[tilespmem:$0x10100] =	vst v63  }
0x133: {  	v3 =	vld [tilespmem:$0xF0];
	_ =	sdelay $0x4  }
0x134: {  	v63 =	vshll.u32 v3, $0x1  }
0x135: {  	v3 =	vand.u32 $0x7, v3;
	v4 =	vand.u32 $0xFFFFFFF0, v63  }
0x136: {  	v3 =	vor.u32 v3, v4  }
0x137: {  	v4 =	vperm.xlane v3, v0;
	_ =	sdelay $0x1  }
0x138: {  	v3 =	vperm.xlane v3, v2;
	v4 =	vadd.s32 v1, v4;
	_ =	sdelay $0x1  }
0x139: {  	v3 =	vadd.s32 v1, v3;
	_ =	sdelay $0x2  }
0x13a: {  	[tilespmem:s18], [sflag:$0x4] =	stream.indirect_vreg.gather [hbm4b:s3+s1], $0x80, v4, vm0, $0xb8;
	[tilespmem:$0x10100] =	vst v63  }
0x13b: {  	_ = 	snop  }
0x13c: {  	[tilespmem:s19], [sflag:$0x4] =	stream.indirect_vreg.gather [hbm4b:s3+s1], $0x80, v3, vm0, $0xb8;
	[tilespmem:$0x10100] =	vst v63  }
0x13d: {  	_ =	swait.ge [sflag:s20], $0x8000  }
0x13e: {  	p0 =	seq.s32 s24, $0x3E0;
	[sflag:s20] =	ssyncset.done $0x0  }
0x13f: {  	s25 =	sadd.s32 @!p0 s24, s9;
	s26 =	simm.s32 @!p0 $0x0;
	[sflag:s20] =	ssyncadd.s32 $0xFFFF8000  }
0x140: {  	[tilespmem:s26], [sflag:$0x1] =	stream.linear.gather @!p0 [hbm4b:s25+s26], $0x80, $0x38;
	[tilespmem:$0x10100] =	vst v63  }
0x141: {  	p0 =	sne.s32 s24, $0x3E0  }
.Ltmp4:
0x142: {  	_ = 	snop;
	(pc) =	sbr.rel @p0 .LBB2_4-.Ltmp4, $3  }
0x143: {  	_ =	sdelay $0x1  }
0x144: {  	s26 =	sadd.s32 $0xFFFFF000, s23  }
0x145: {  	[hbm4b:s26+s1] =	stream.linear.scatter [tilespmem:s12], [sflag:$0x5], $0x8000, $0x38;
	[tilespmem:$0x10100] =	vst v63  }
.Ltmp5:
0x146: {  	(pc) =	sbr.rel .LBB2_5-.Ltmp5, $4  }
0x147: {  	_ = 	snop  }
0x148: {  	_ =	swait.ge [sflag:s21], $0x8000  }
0x149: {  	[sflag:s21] =	ssyncset.done $0x0  }
0x14a: {  	[sflag:s21] =	ssyncadd.s32 $0xFFFF8000  }
.LBB2_7:
0x14b: {  	_ =	sfence.sel $0x180000  }
0x14c: {  	[bflag:$0x0] =	sbarrier.arrive $0xFFFF  }
0x14d: {  	_ =	strace $0x90000047  }
0x14e: {  	s0 =	stileid.u32;
	[bflag:$0x2] =	sbarrier.arrive $0xFFFF  }
0x14f: {  	p0 =	sne.s32 s0, $0x0;
	s0 =	rddreg [dreg:$0x1]  }
0x150: {  	s0 =	sadd.s32 @!p0 $0x100000, s0  }
0x151: {  	[sflag:s0] =	ssyncadd.tile.s32 @!p0 $0x1;
	_ =	shalt  }
.Lfunc_end2:
_tile_overlayer_lowered:
.L_overlay_start_2:
0x152: {  	(tag) =	ssettag $0x2  }
0x153: {  	s0 =	rddreg [dreg:$0x0];
	s2 =	stileid.u32  }
0x154: {  	s1 =	rddreg [dreg:$0x1];
	p0 =	sne.s32 s2, $0x0  }
0x155: {  	s3 =	rddreg [dreg:$0x2];
	[bflag:$0x3] =	sbarrier.arrive $0xFFFF;
	s2 =	simm.s32 @!p0 $0x1C07  }
0x156: {  	[timem:s3], [sflag:s2] =	dma.local @!p0 [hbm:s0], s1  }
0x157: {  	s0 =	simm.s32 @!p0 $0x7  }
0x158: {  	_ =	swait.ge @!p0 [sflag:s0], s1  }
0x159: {  	s1 =	ssub.s32 @!p0 $0x0, s1;
	[sflag:s0] =	ssyncset.done @!p0 $0x0  }
0x15a: {  	[sflag:s0] =	ssyncadd.s32 @!p0 s1  }
0x15b: {  	[bflag:$0x3] =	sbarrier.arrive $0xFFFF  }
0x15c: {  	_ =	shalt  }

// kernel: kernel.24.cloned.1.call-start
scs
__scs_entry_jumppad:
0x0: {  	(pc) =	sbr.rel $0x88, $3  }
0x1: {  	(tag) =	ssettag $0x0;
	lr =	simm.s32 $0x1  }
0x2: {  	[smem:$0x3F86] =	sst lr;
	_ =	strace $0xD0000000  }
0x3: {  	_ = 	snop  }
0x4: {  	_ = 	snop  }
0x5: {  	_ = 	snop  }
0x6: {  	_ = 	snop  }
0x7: {  	_ = 	snop  }
__scs_overlays_trampoline_lowered:
0x8: {  	[smem:$0x3F95] =	sst s0  }
0x9: {  	[smem:$0x3F96] =	sst s1  }
0xa: {  	[smem:$0x3F97] =	sst s2  }
0xb: {  	[smem:$0x3F98] =	sst s3  }
0xc: {  	[smem:$0x3F99] =	sst s4  }
0xd: {  	[smem:$0x3F9A] =	sst s5  }
0xe: {  	[smem:$0x3F9B] =	sst s6  }
0xf: {  	[smem:$0x3F9C] =	sst s7  }
0x10: {  	[smem:$0x3F9D] =	sst s8  }
0x11: {  	[smem:$0x3F9E] =	sst s9;
	s0 =	simm.s32 @!p0 $0x0  }
0x12: {  	s1 =	sld [smem:$0x3F84];
	s0 =	simm.s32 @p0 $0x1  }
0x13: {  	[smem:$0x3F9F] =	sst s0;
	s0 =	simm.s32 @!p1 $0x0  }
0x14: {  	s2 =	sld [smem:$0x3F83];
	s0 =	simm.s32 @p1 $0x1  }
0x15: {  	[smem:$0x3FA0] =	sst s0;
	s0 =	simm.s32 @!p2 $0x0  }
0x16: {  	s3 =	sld [smem:$0x3FDB];
	s0 =	simm.s32 @p2 $0x1  }
0x17: {  	s4 =	simm.s32 $0x1BF5;
	[smem:$0x3FA2] =	sst s0  }
0x18: {  	s0 =	sld [smem:$0x3F85];
	_ =	swait.ge [sflag:s4], $0x0  }
0x19: {  	s7 =	sld [smem:$0x3F86]  }
0x1a: {  	s8 =	sadd.s32 $0xFFFFE003, lr  }
0x1b: {  	s9 =	sadd.s32 $0xFFFFFEF7, lr;
	s5 =	simm.s32 $0xFFFFFFFF;
	p2 =	slt.u32 s8, $0xFFFFF086  }
0x1c: {  	p1 =	slt.u32 s9, $0xF7A;
	s5 =	simm.s32 @!p2 $0x0  }
0x1d: {  	s5 =	simm.s32 @p1 $0x1;
	p0 =	seq.s32 s7, s2  }
0x1e: {  	s7 =	smul.u32 @!p0 $0xF7A, s2;
	p2 =	seq.s32 @!p0 s5, $0x0  }
0x1f: {  	s9 =	smul.u32 $0xF7A, s1;
	s8 =	simm.s32 @!p0 $0x1BF5;
	p2 =	por !p2, p0  }
0x20: {  	[sflag:s8] =	ssyncset.s32 @!p0 $0xFFFFF086;
	s6 =	sadd.s32 @!p0 s3, s7;
	s7 =	simm.s32 @!p0 $0x108  }
0x21: {  	s3 =	sadd.s32 s3, s9;
	s6 =	sadd.s32 @!p0 $0x88, s6;
	s7 =	simm.s32 @p2 $0x1082  }
0x22: {  	[simem:s7], [sflag:s8] =	dma.local @!p0 [hbm:s6], $0xF7A  }
0x23: {  	s9 =	sor.u32 $0xD0000000, s2;
	s6 =	simm.s32 $0x108;
	_ =	swait.ge @!p0 [sflag:s8], $0x0  }
0x24: {  	s3 =	sadd.s32 $0x88, s3;
	s6 =	simm.s32 @!p1 $0x1082;
	[sflag:s4] =	ssyncset.s32 $0xFFFFF086  }
0x25: {  	[simem:s6], [sflag:s4] =	dma.local [hbm:s3], $0xF7A  }
0x26: {  	[smem:$0x3F86] =	sst s1;
	(tag) =	ssettag s2;
	_ =	strace s9  }
0x27: {  	s1 =	sld [smem:$0x3F96]  }
0x28: {  	s2 =	sld [smem:$0x3F97]  }
0x29: {  	s4 =	sld [smem:$0x3F99]  }
0x2a: {  	p0 =	seq.s32 s5, $0x0;
	s5 =	sld [smem:$0x3F9A]  }
0x2b: {  	s6 =	sld [smem:$0x3F9B]  }
0x2c: {  	s7 =	sld [smem:$0x3F9C]  }
0x2d: {  	s3 =	simm.s32 $0x108;
	s8 =	sld [smem:$0x3F9D]  }
0x2e: {  	s3 =	simm.s32 @!p0 $0x1082;
	s9 =	sld [smem:$0x3F9E]  }
0x2f: {  	lr =	sadd.s32 s0, s3;
	s0 =	sld [smem:$0x3F95]  }
0x30: {  	s3 =	sld [smem:$0x3F98]  }
0x31: {  	[smem:$0x3FA1] =	sst s10  }
0x32: {  	s10 =	sld [smem:$0x3F9F];
	_ =	sdelay $0x3  }
0x33: {  	p0 =	seq.s32 s10, $0x1;
	s10 =	sld [smem:$0x3FA1];
	_ =	sdelay $0x3  }
0x34: {  	[smem:$0x3FA1] =	sst s10  }
0x35: {  	s10 =	sld [smem:$0x3FA0];
	_ =	sdelay $0x3  }
0x36: {  	p1 =	seq.s32 s10, $0x1;
	s10 =	sld [smem:$0x3FA1];
	_ =	sdelay $0x3  }
0x37: {  	[smem:$0x3FA1] =	sst s10  }
0x38: {  	s10 =	sld [smem:$0x3FA2]  }
0x39: {  	_ = 	snop;
	(pc) =	sbr.ind lr, $3  }
0x3a: {  	_ = 	snop  }
0x3b: {  	_ = 	snop  }
0x3c: {  	p2 =	seq.s32 s10, $0x1;
	s10 =	sld [smem:$0x3FA1]  }
0x3d: {  	_ =	shalt  }
0x3e: {  	_ =	shalt  }
0x3f: {  	_ =	shalt  }
0x40: {  	_ =	shalt  }
0x41: {  	_ =	shalt  }
0x42: {  	_ =	shalt  }
0x43: {  	_ =	shalt  }
0x44: {  	_ =	shalt  }
0x45: {  	_ =	shalt  }
0x46: {  	_ =	shalt  }
0x47: {  	_ =	shalt  }
0x48: {  	_ =	shalt  }
0x49: {  	_ =	shalt  }
0x4a: {  	_ =	shalt  }
0x4b: {  	_ =	shalt  }
0x4c: {  	_ =	shalt  }
0x4d: {  	_ =	shalt  }
0x4e: {  	_ =	shalt  }
0x4f: {  	_ =	shalt  }
0x50: {  	_ =	shalt  }
0x51: {  	_ =	shalt  }
0x52: {  	_ =	shalt  }
0x53: {  	_ =	shalt  }
0x54: {  	_ =	shalt  }
0x55: {  	_ =	shalt  }
0x56: {  	_ =	shalt  }
0x57: {  	_ =	shalt  }
0x58: {  	_ =	shalt  }
0x59: {  	_ =	shalt  }
0x5a: {  	_ =	shalt  }
0x5b: {  	_ =	shalt  }
0x5c: {  	_ =	shalt  }
0x5d: {  	_ =	shalt  }
0x5e: {  	_ =	shalt  }
0x5f: {  	_ =	shalt  }
0x60: {  	_ =	shalt  }
0x61: {  	_ =	shalt  }
0x62: {  	_ =	shalt  }
0x63: {  	_ =	shalt  }
0x64: {  	_ =	shalt  }
0x65: {  	_ =	shalt  }
0x66: {  	_ =	shalt  }
0x67: {  	_ =	shalt  }
0x68: {  	_ =	shalt  }
0x69: {  	_ =	shalt  }
0x6a: {  	_ =	shalt  }
0x6b: {  	_ =	shalt  }
0x6c: {  	_ =	shalt  }
0x6d: {  	_ =	shalt  }
0x6e: {  	_ =	shalt  }
0x6f: {  	_ =	shalt  }
0x70: {  	_ =	shalt  }
0x71: {  	_ =	shalt  }
0x72: {  	_ =	shalt  }
0x73: {  	_ =	shalt  }
0x74: {  	_ =	shalt  }
0x75: {  	_ =	shalt  }
0x76: {  	_ =	shalt  }
0x77: {  	_ =	shalt  }
0x78: {  	_ =	shalt  }
0x79: {  	_ =	shalt  }
0x7a: {  	_ =	shalt  }
0x7b: {  	_ =	shalt  }
0x7c: {  	_ =	shalt  }
0x7d: {  	_ =	shalt  }
0x7e: {  	_ =	shalt  }
0x7f: {  	_ =	shalt  }
0x80: {  	_ =	shalt  }
0x81: {  	_ =	shalt  }
0x82: {  	_ =	shalt  }
0x83: {  	_ =	shalt  }
0x84: {  	_ =	shalt  }
0x85: {  	_ =	shalt  }
0x86: {  	_ =	shalt  }
0x87: {  	_ =	shalt  }
.Lfunc_end0:
.L_simem_size_0:
called_computation.1_lowered:
.L_overlay_start_0:
0x88: {  	s2 =	sld [smem:$0x3FD9]  }
0x89: {  	s3 =	sld [smem:$0x3FFE];
	_ =	sdelay $0x1  }
0x8a: {  	s1 =	srdreg.scid  }
0x8b: {  	s0 =	sand.u32 $0x1, s1  }
0x8c: {  	s16 =	sshll.u32 s0, $0xA;
	s2 =	sadd.s32 s3, s2  }
0x8d: {  	s2 =	sadd.s32 s2, s16  }
0x8e: {  	[smem:$0x3FAD] =	sst s2  }
0x8f: {  	_ = 	snop  }
0x90: {  	(tm) =	ssettm $0x1  }
0x91: {  	s17 =	sld [smem:$0x3FFB];
	_ =	sdelay $0x3  }
0x92: {  	_ =	strace s17  }
0x93: {  	s2 =	sld [smem:$0x3FFC];
	_ =	sdelay $0x3  }
0x94: {  	_ =	strace s2  }
0x95: {  	s2 =	sld [smem:$0x3FFD];
	_ =	sdelay $0x3  }
0x96: {  	_ =	strace s2  }
0x97: {  	_ =	strace $0x8FFFFFFF  }
0x98: {  	s18 =	sld [smem:$0x3FDB];
	_ =	sdelay $0x1  }
0x99: {  	s19 =	simm.s32 $_scs_section_size  }
0x9a: {  	s4 =	simm.s32 $_size__tile_overlayer_lowered;
	s5 =	simm.s32 $_tile_overlayer_lowered  }
0x9b: {  	s22 =	simm.s32 $0x1BFF;
	s21 =	sshll.u32 s5, $0x1;
	s2 =	sadd.s32 s19, s18  }
0x9c: {  	s6 =	simm.s32 $0x0;
	s20 =	sshll.u32 s4, $0x1;
	s4 =	sadd.s32 s21, s2  }
0x9d: {  	[timem:s6], [sflag:s22] =	dma.local [hbm:s4], s20  }
0x9e: {  	_ =	swait.ge [sflag:s22], s20  }
0x9f: {  	s3 =	ssub.s32 $0x0, s20;
	[sflag:s22] =	ssyncset.done $0x0  }
0xa0: {  	[sflag:s22] =	ssyncadd.s32 s3;
	_ =	sdelay $0x1  }
0xa1: {  	s23 =	simm.s32 $0x1B8B  }
0xa2: {  	_ =	swait.ge [sflag:s23], $0x1  }
0xa3: {  	[sflag:s23] =	ssyncset.done $0x0  }
0xa4: {  	s25 =	simm.s32 $0x1B8E;
	s24 =	sld [smem:$0x3FFE];
	[sflag:s23] =	ssyncadd.s32 $0xFFFFFFFF  }
0xa5: {  	s26 =	simm.s32 $execute0_lowered;
	[smem:$0x3FD2] =	sst s25  }
0xa6: {  	s4 =	sshll.u32 s26, $0x1;
	_ =	strace $0x80000049;
	[dreg:$0x1] =	wrdreg $0xFFFFFFFF  }
0xa7: {  	s28 =	simm.s32 $_size_execute0_lowered;
	s2 =	sadd.s32 s2, s4;
	[dreg:$0x0] =	wrdreg $0x0  }
0xa8: {  	s4 =	sshll.u32 s28, $0x1;
	[dreg:$0x2] =	wrdreg s2  }
0xa9: {  	[dreg:$0x3] =	wrdreg s4  }
0xaa: {  	[dreg:$0x4] =	wrdreg $0xC0  }
0xab: {  	_ =	task [dreg:s6], $0x5FFFF  }
0xac: {  	[dreg:$0x1] =	wrdreg $0xFFFFFFFF  }
0xad: {  	[dreg:$0x0] =	wrdreg $0x60  }
0xae: {  	[dreg:$0x2] =	wrdreg s24  }
0xaf: {  	[dreg:$0x3] =	wrdreg $0x9  }
0xb0: {  	_ =	task.clear_ibuf [dreg:s6], $0x4FFFF;
	_ =	strace $0x90000049  }
0xb1: {  	s29 =	simm.s32 $0x9;
	_ =	strace $0x8000004B  }
0xb2: {  	_ =	swait.ge [sflag:s29], $0x1  }
0xb3: {  	[sflag:s29] =	ssyncadd.s32 $0xFFFFFFFF  }
0xb4: {  	_ =	strace $0x9000004B  }
0xb5: {  	_ =	sfence  }
0xb6: {  	s30 =	sld [smem:$0x0];
	_ =	sdelay $0x2  }
0xb7: {  	s31 =	sshll.u32 s1, $0xD;
	s1 =	sshrl.u32 s1, $0x2  }
0xb8: {  	s3 =	sand.u32 $0x4000, s31;
	s1 =	sadd.s32 s1, s30  }
0xb9: {  	s0 =	sor.u32 s3, s0;
	s1 =	sshll.u32 s1, $0x11  }
0xba: {  	s0 =	sor.u32 s1, s0  }
0xbb: {  	s0 =	sadd.s32 $0x8F2B, s0  }
0xbc: {  	[sflag:s0] =	ssyncadd.remote.s32 $0x1  }
0xbd: {  	_ =	sfence.sel $0xFFFF  }
0xbe: {  	[dreg:$0x0] =	wrdreg $0xFFFFFFFF;
	(pc) =	sbr.abs _section_cstart, $3  }
0xbf: {  	[dreg:$0x1] =	wrdreg $0xFFFFFFFF  }
0xc0: {  	_ =	task.clear_ibuf [dreg:s6], $0x2FFFF;
	_ =	strace $0x9FFFFFFF  }
0xc1: {  	(tm) =	ssettm $0x7FFFFFFF  }
tec
execute0_lowered:
.L_overlay_start_1:
0x0: {  	(tag) =	ssettag $0x1  }
0x1: {  	s0 =	rddreg [dreg:$0x0];
	s1 =	simm.s32 $0x0  }
0x2: {  	s2 =	srdreg.scid;
	s9 =	stileid.u32;
	s11 =	simm.s32 $0x1  }
0x3: {  	s12 =	simm.s32 $0x100;
	s28 =	simm.s32 $0x7900;
	s29 =	simm.s32 $0x2  }
0x4: {  	s30 =	simm.s32 $0x8100;
	s31 =	simm.s32 $0x8900;
	s10 =	simm.s32 $0xC100  }
0x5: {  	s13 =	simm.s32 $0xC900;
	s14 =	simm.s32 $0xD100;
	s15 =	simm.s32 $0xD900  }
0x6: {  	s16 =	simm.s32 $0xE100;
	s17 =	simm.s32 $0xE900;
	s18 =	simm.s32 $0xF100  }
0x7: {  	s19 =	simm.s32 $0xF900;
	s20 =	simm.s32 $0x3;
	[smem:$0x7FF] =	sst s1  }
0x8: {  	s2 =	sand.u32 $0x1, s2;
	s3 =	sadd.s32 $0x8C2600, s0;
	s5 =	sshll.u32 s9, $0xD  }
0x9: {  	s6 =	sadd.s32 $0x21200, s0;
	s25 =	sshll.u32 s9, $0x12;
	_ =	strace $0x8000004A  }
0xa: {  	s4 =	sshll.u32 s2, $0x11;
	s7 =	ssub.s32 $0x2, s2;
	s2 =	sshll.u32 s2, $0x16  }
0xb: {  	s4 =	sor.u32 s5, s4;
	s21 =	sshrl.u32 s7, $0x1;
	s0 =	sadd.s32 s2, s0  }
0xc: {  	s8 =	sshrl.u32 s4, $0x3;
	s22 =	ssub.s32 s7, s21;
	s24 =	sor.u32 $0x180, s4  }
0xd: {  	s4 =	sor.u32 $0x100, s4;
	s0 =	sadd.s32 s25, s0;
	s21 =	simm.s32 $0x4  }
0xe: {  	s25 =	simm.s32 $0x0;
	s23 =	sadd.s32 s6, s8;
	s2 =	smax.u32 s22, $0x1  }
0xf: {  	s26 =	sshrl.u32 s4, $0x3;
	s0 =	sadd.s32 $0x2A200, s0;
	s4 =	simm.s32 $0xB100  }
.Ltmp0:
0x10: {  	s8 =	simm.s32 $0xB900;
	[dreg:$0x2] =	wrdreg s23;
	(pc) =	sbr.rel .LBB2_1-.Ltmp0, $4  }
0x11: {  	s22 =	simm.s32 $0x5;
	s5 =	sadd.s32 $0x10, s23;
	[dreg:$0x4] =	wrdreg s2  }
0x12: {  	v2 =	vlaneseq.u32;
	s2 =	sshrl.u32 s24, $0x3;
	[dreg:$0x5] =	wrdreg s0;
	s9 =	sadd.s32 s26, s6  }
0x13: {  	vm0 =	vmmov $0xffff;
	v1 =	vshrl.u32 v2, $0x3;
	s0 =	simm.s32 $0x9100;
	[dreg:$0x3] =	wrdreg s5;
	s7 =	sadd.s32 s2, s6  }
0x14: {  	v0 =	vand.u32 $0x7, v2;
	v2 =	vor.u32 $0x8, v2;
	v1 =	vmul.u32 $0x8, v1;
	s2 =	simm.s32 $0x9900;
	s5 =	simm.s32 $0xA100;
	s6 =	simm.s32 $0xA900  }
.LBB2_6:
0x15: {  	_ =	swait.ge [sflag:s22], $0x8000  }
0x16: {  	[sflag:s22] =	ssyncset.done $0x0  }
0x17: {  	s24 =	simm.s32 $0x6;
	[sflag:s22] =	ssyncadd.s32 $0xFFFF8000  }
0x18: {  	_ =	swait.ge [sflag:s24], $0x8000  }
0x19: {  	s25 =	rddreg [dreg:$0x6]  }
0x1a: {  	s23 =	rddreg [dreg:$0x4];
	s25 =	sadd.s32 $0x1, s25  }
0x1b: {  	p0 =	sne.s32 s25, s23  }
.Ltmp1:
0x1c: {  	_ = 	snop;
	(pc) =	sbr.rel @!p0 .LBB2_7-.Ltmp1, $3  }
0x1d: {  	_ =	sdelay $0x1  }
0x1e: {  	[sflag:s24] =	ssyncset.done $0x0  }
0x1f: {  	[sflag:s24] =	ssyncadd.s32 $0xFFFF8000  }
.LBB2_1:
0x20: {  	[dreg:$0x6] =	wrdreg s25  }
0x21: {  	s23 =	rddreg [dreg:$0x2]  }
0x22: {  	[tilespmem:s1], [sflag:$0x1] =	stream.linear.gather [hbm4b:s23+s1], $0x80, $0x38;
	[tilespmem:$0x10100] =	vst v63  }
0x23: {  	s26 =	rddreg [dreg:$0x3];
	s24 =	simm.s32 $0x80  }
0x24: {  	[tilespmem:s24], [sflag:$0x2] =	stream.linear.gather [hbm4b:s26+s1], $0x80, $0x38;
	[tilespmem:$0x10100] =	vst v63  }
0x25: {  	_ =	swait.ge [sflag:s11], $0x80  }
0x26: {  	[sflag:s11] =	ssyncset.done $0x0  }
0x27: {  	[sflag:s11] =	ssyncadd.s32 $0xFFFFFF80  }
0x28: {  	v3 =	vld [tilespmem:$0x0];
	_ =	sdelay $0x4  }
0x29: {  	v4 =	vshll.u32 v3, $0x1  }
0x2a: {  	v3 =	vand.u32 $0x7, v3;
	v4 =	vand.u32 $0xFFFFFFF0, v4  }
0x2b: {  	v3 =	vor.u32 v3, v4  }
0x2c: {  	v4 =	vperm.xlane v3, v0;
	_ =	sdelay $0x1  }
0x2d: {  	v3 =	vperm.xlane v3, v2;
	v4 =	vadd.s32 v1, v4;
	_ =	sdelay $0x1  }
0x2e: {  	v3 =	vadd.s32 v1, v3;
	_ =	sdelay $0x2  }
0x2f: {  	[tilespmem:s12], [sflag:$0x3] =	stream.indirect_vreg.gather [hbm4b:s3+s1], $0x80, v4, vm0, $0xb8;
	[tilespmem:$0x10100] =	vst v63  }
0x30: {  	s25 =	simm.s32 $0x900  }
0x31: {  	[tilespmem:s25], [sflag:$0x3] =	stream.indirect_vreg.gather [hbm4b:s3+s1], $0x80, v3, vm0, $0xb8;
	[tilespmem:$0x10100] =	vst v63  }
0x32: {  	v3 =	vld [tilespmem:$0x10];
	_ =	sdelay $0x4  }
0x33: {  	v57 =	vshll.u32 v3, $0x1  }
0x34: {  	v3 =	vand.u32 $0x7, v3;
	v4 =	vand.u32 $0xFFFFFFF0, v57  }
0x35: {  	v3 =	vor.u32 v3, v4  }
0x36: {  	v4 =	vperm.xlane v3, v0;
	_ =	sdelay $0x1  }
0x37: {  	v3 =	vperm.xlane v3, v2;
	v4 =	vadd.s32 v1, v4;
	_ =	sdelay $0x1  }
0x38: {  	v3 =	vadd.s32 v1, v3;
	_ =	sdelay $0x1  }
0x39: {  	s26 =	simm.s32 $0x1100  }
0x3a: {  	[tilespmem:s26], [sflag:$0x3] =	stream.indirect_vreg.gather [hbm4b:s3+s1], $0x80, v4, vm0, $0xb8;
	[tilespmem:$0x10100] =	vst v63  }
0x3b: {  	s24 =	simm.s32 $0x1900  }
0x3c: {  	[tilespmem:s24], [sflag:$0x3] =	stream.indirect_vreg.gather [hbm4b:s3+s1], $0x80, v3, vm0, $0xb8;
	[tilespmem:$0x10100] =	vst v63  }
0x3d: {  	v3 =	vld [tilespmem:$0x20];
	_ =	sdelay $0x4  }
0x3e: {  	v58 =	vshll.u32 v3, $0x1  }
0x3f: {  	v3 =	vand.u32 $0x7, v3;
	v4 =	vand.u32 $0xFFFFFFF0, v58  }
0x40: {  	v3 =	vor.u32 v3, v4  }
0x41: {  	v4 =	vperm.xlane v3, v0;
	_ =	sdelay $0x1  }
0x42: {  	v3 =	vperm.xlane v3, v2;
	v4 =	vadd.s32 v1, v4;
	_ =	sdelay $0x1  }
0x43: {  	v3 =	vadd.s32 v1, v3;
	_ =	sdelay $0x1  }
0x44: {  	s25 =	simm.s32 $0x2100  }
0x45: {  	[tilespmem:s25], [sflag:$0x3] =	stream.indirect_vreg.gather [hbm4b:s3+s1], $0x80, v4, vm0, $0xb8;
	[tilespmem:$0x10100] =	vst v63  }
0x46: {  	s26 =	simm.s32 $0x2900  }
0x47: {  	[tilespmem:s26], [sflag:$0x3] =	stream.indirect_vreg.gather [hbm4b:s3+s1], $0x80, v3, vm0, $0xb8;
	[tilespmem:$0x10100] =	vst v63  }
0x48: {  	v3 =	vld [tilespmem:$0x30];
	_ =	sdelay $0x4  }
0x49: {  	v59 =	vshll.u32 v3, $0x1  }
0x4a: {  	v3 =	vand.u32 $0x7, v3;
	v4 =	vand.u32 $0xFFFFFFF0, v59  }
0x4b: {  	v3 =	vor.u32 v3, v4  }
0x4c: {  	v4 =	vperm.xlane v3, v0;
	_ =	sdelay $0x1  }
0x4d: {  	v3 =	vperm.xlane v3, v2;
	v4 =	vadd.s32 v1, v4;
	_ =	sdelay $0x1  }
0x4e: {  	v3 =	vadd.s32 v1, v3;
	_ =	sdelay $0x1  }
0x4f: {  	s24 =	simm.s32 $0x3100  }
0x50: {  	[tilespmem:s24], [sflag:$0x3] =	stream.indirect_vreg.gather [hbm4b:s3+s1], $0x80, v4, vm0, $0xb8;
	[tilespmem:$0x10100] =	vst v63  }
0x51: {  	s25 =	simm.s32 $0x3900  }
0x52: {  	[tilespmem:s25], [sflag:$0x3] =	stream.indirect_vreg.gather [hbm4b:s3+s1], $0x80, v3, vm0, $0xb8;
	[tilespmem:$0x10100] =	vst v63  }
0x53: {  	v3 =	vld [tilespmem:$0x40];
	_ =	sdelay $0x4  }
0x54: {  	v60 =	vshll.u32 v3, $0x1  }
0x55: {  	v3 =	vand.u32 $0x7, v3;
	v4 =	vand.u32 $0xFFFFFFF0, v60  }
0x56: {  	v3 =	vor.u32 v3, v4  }
0x57: {  	v4 =	vperm.xlane v3, v0;
	_ =	sdelay $0x1  }
0x58: {  	v3 =	vperm.xlane v3, v2;
	v4 =	vadd.s32 v1, v4;
	_ =	sdelay $0x1  }
0x59: {  	v3 =	vadd.s32 v1, v3;
	_ =	sdelay $0x1  }
0x5a: {  	s26 =	simm.s32 $0x4100  }
0x5b: {  	[tilespmem:s26], [sflag:$0x3] =	stream.indirect_vreg.gather [hbm4b:s3+s1], $0x80, v4, vm0, $0xb8;
	[tilespmem:$0x10100] =	vst v63  }
0x5c: {  	s24 =	simm.s32 $0x4900  }
0x5d: {  	[tilespmem:s24], [sflag:$0x3] =	stream.indirect_vreg.gather [hbm4b:s3+s1], $0x80, v3, vm0, $0xb8;
	[tilespmem:$0x10100] =	vst v63  }
0x5e: {  	v3 =	vld [tilespmem:$0x50];
	_ =	sdelay $0x4  }
0x5f: {  	v61 =	vshll.u32 v3, $0x1  }
0x60: {  	v3 =	vand.u32 $0x7, v3;
	v4 =	vand.u32 $0xFFFFFFF0, v61  }
0x61: {  	v3 =	vor.u32 v3, v4  }
0x62: {  	v4 =	vperm.xlane v3, v0;
	_ =	sdelay $0x1  }
0x63: {  	v3 =	vperm.xlane v3, v2;
	v4 =	vadd.s32 v1, v4;
	_ =	sdelay $0x1  }
0x64: {  	v3 =	vadd.s32 v1, v3;
	_ =	sdelay $0x1  }
0x65: {  	s25 =	simm.s32 $0x5100  }
0x66: {  	[tilespmem:s25], [sflag:$0x3] =	stream.indirect_vreg.gather [hbm4b:s3+s1], $0x80, v4, vm0, $0xb8;
	[tilespmem:$0x10100] =	vst v63  }
0x67: {  	s26 =	simm.s32 $0x5900  }
0x68: {  	[tilespmem:s26], [sflag:$0x3] =	stream.indirect_vreg.gather [hbm4b:s3+s1], $0x80, v3, vm0, $0xb8;
	[tilespmem:$0x10100] =	vst v63  }
0x69: {  	v3 =	vld [tilespmem:$0x60];
	_ =	sdelay $0x4  }
0x6a: {  	v62 =	vshll.u32 v3, $0x1  }
0x6b: {  	v3 =	vand.u32 $0x7, v3;
	v4 =	vand.u32 $0xFFFFFFF0, v62  }
0x6c: {  	v3 =	vor.u32 v3, v4  }
0x6d: {  	v4 =	vperm.xlane v3, v0;
	_ =	sdelay $0x1  }
0x6e: {  	v3 =	vperm.xlane v3, v2;
	v4 =	vadd.s32 v1, v4;
	_ =	sdelay $0x1  }
0x6f: {  	v3 =	vadd.s32 v1, v3;
	_ =	sdelay $0x1  }
0x70: {  	s24 =	simm.s32 $0x6100  }
0x71: {  	[tilespmem:s24], [sflag:$0x3] =	stream.indirect_vreg.gather [hbm4b:s3+s1], $0x80, v4, vm0, $0xb8;
	[tilespmem:$0x10100] =	vst v63  }
0x72: {  	s25 =	simm.s32 $0x6900  }
0x73: {  	[tilespmem:s25], [sflag:$0x3] =	stream.indirect_vreg.gather [hbm4b:s3+s1], $0x80, v3, vm0, $0xb8;
	[tilespmem:$0x10100] =	vst v63  }
0x74: {  	v3 =	vld [tilespmem:$0x70];
	_ =	sdelay $0x4  }
0x75: {  	v63 =	vshll.u32 v3, $0x1  }
0x76: {  	v3 =	vand.u32 $0x7, v3;
	v4 =	vand.u32 $0xFFFFFFF0, v63  }
0x77: {  	v3 =	vor.u32 v3, v4  }
0x78: {  	v4 =	vperm.xlane v3, v0;
	_ =	sdelay $0x1  }
0x79: {  	v3 =	vperm.xlane v3, v2;
	v4 =	vadd.s32 v1, v4;
	_ =	sdelay $0x1  }
0x7a: {  	v3 =	vadd.s32 v1, v3  }
.Ltmp2:
0x7b: {  	_ = 	snop;
	(pc) =	sbr.rel .LBB2_2-.Ltmp2, $4  }
0x7c: {  	s26 =	simm.s32 $0x7100  }
0x7d: {  	[tilespmem:s26], [sflag:$0x3] =	stream.indirect_vreg.gather [hbm4b:s3+s1], $0x80, v4, vm0, $0xb8;
	[tilespmem:$0x10100] =	vst v63  }
0x7e: {  	s23 =	rddreg [dreg:$0x5];
	s24 =	simm.s32 $0x0  }
0x7f: {  	[tilespmem:s28], [sflag:$0x3] =	stream.indirect_vreg.gather [hbm4b:s3+s1], $0x80, v3, vm0, $0xb8;
	[tilespmem:$0x10100] =	vst v63  }
.LBB2_4:
0x80: {  	_ =	swait.ge [sflag:s11], $0x80  }
0x81: {  	[sflag:s11] =	ssyncset.done $0x0  }
0x82: {  	[sflag:s11] =	ssyncadd.s32 $0xFFFFFF80  }
0x83: {  	_ =	swait.ge [sflag:s22], $0x8000  }
0x84: {  	[sflag:s22] =	ssyncset.done $0x0  }
0x85: {  	[sflag:s22] =	ssyncadd.s32 $0xFFFF8000  }
0x86: {  	v3 =	vld [tilespmem:$0x0];
	_ =	sdelay $0x4  }
0x87: {  	v4 =	vshll.u32 v3, $0x1  }
0x88: {  	v3 =	vand.u32 $0x7, v3;
	v4 =	vand.u32 $0xFFFFFFF0, v4  }
0x89: {  	v3 =	vor.u32 v3, v4  }
0x8a: {  	v4 =	vperm.xlane v3, v0;
	_ =	sdelay $0x1  }
0x8b: {  	v3 =	vperm.xlane v3, v2;
	v4 =	vadd.s32 v1, v4;
	_ =	sdelay $0x1  }
0x8c: {  	v3 =	vadd.s32 v1, v3;
	_ =	sdelay $0x2  }
0x8d: {  	[tilespmem:s12], [sflag:$0x3] =	stream.indirect_vreg.gather [hbm4b:s3+s1], $0x80, v4, vm0, $0xb8;
	[tilespmem:$0x10100] =	vst v63  }
0x8e: {  	s25 =	simm.s32 $0x900  }
0x8f: {  	[tilespmem:s25], [sflag:$0x3] =	stream.indirect_vreg.gather [hbm4b:s3+s1], $0x80, v3, vm0, $0xb8;
	[tilespmem:$0x10100] =	vst v63  }
0x90: {  	v3 =	vld [tilespmem:$0x10];
	_ =	sdelay $0x4  }
0x91: {  	v57 =	vshll.u32 v3, $0x1  }
0x92: {  	v3 =	vand.u32 $0x7, v3;
	v4 =	vand.u32 $0xFFFFFFF0, v57  }
0x93: {  	v3 =	vor.u32 v3, v4  }
0x94: {  	v4 =	vperm.xlane v3, v0;
	_ =	sdelay $0x1  }
0x95: {  	v3 =	vperm.xlane v3, v2;
	v4 =	vadd.s32 v1, v4;
	_ =	sdelay $0x1  }
0x96: {  	v3 =	vadd.s32 v1, v3;
	_ =	sdelay $0x1  }
0x97: {  	s26 =	simm.s32 $0x1100  }
0x98: {  	[tilespmem:s26], [sflag:$0x3] =	stream.indirect_vreg.gather [hbm4b:s3+s1], $0x80, v4, vm0, $0xb8;
	[tilespmem:$0x10100] =	vst v63  }
0x99: {  	s26 =	simm.s32 $0x1900  }
0x9a: {  	[tilespmem:s26], [sflag:$0x3] =	stream.indirect_vreg.gather [hbm4b:s3+s1], $0x80, v3, vm0, $0xb8;
	[tilespmem:$0x10100] =	vst v63  }
0x9b: {  	v3 =	vld [tilespmem:$0x20];
	_ =	sdelay $0x4  }
0x9c: {  	v58 =	vshll.u32 v3, $0x1  }
0x9d: {  	v3 =	vand.u32 $0x7, v3;
	v4 =	vand.u32 $0xFFFFFFF0, v58  }
0x9e: {  	v3 =	vor.u32 v3, v4  }
0x9f: {  	v4 =	vperm.xlane v3, v0;
	_ =	sdelay $0x1  }
0xa0: {  	v3 =	vperm.xlane v3, v2;
	v4 =	vadd.s32 v1, v4;
	_ =	sdelay $0x1  }
0xa1: {  	v3 =	vadd.s32 v1, v3;
	_ =	sdelay $0x1  }
0xa2: {  	s26 =	simm.s32 $0x2100  }
0xa3: {  	[tilespmem:s26], [sflag:$0x3] =	stream.indirect_vreg.gather [hbm4b:s3+s1], $0x80, v4, vm0, $0xb8;
	[tilespmem:$0x10100] =	vst v63  }
0xa4: {  	s26 =	simm.s32 $0x2900  }
0xa5: {  	[tilespmem:s26], [sflag:$0x3] =	stream.indirect_vreg.gather [hbm4b:s3+s1], $0x80, v3, vm0, $0xb8;
	[tilespmem:$0x10100] =	vst v63  }
0xa6: {  	v3 =	vld [tilespmem:$0x30];
	_ =	sdelay $0x4  }
0xa7: {  	v59 =	vshll.u32 v3, $0x1  }
0xa8: {  	v3 =	vand.u32 $0x7, v3;
	v4 =	vand.u32 $0xFFFFFFF0, v59  }
0xa9: {  	v3 =	vor.u32 v3, v4  }
0xaa: {  	v4 =	vperm.xlane v3, v0;
	_ =	sdelay $0x1  }
0xab: {  	v3 =	vperm.xlane v3, v2;
	v4 =	vadd.s32 v1, v4;
	_ =	sdelay $0x1  }
0xac: {  	v3 =	vadd.s32 v1, v3;
	_ =	sdelay $0x1  }
0xad: {  	s26 =	simm.s32 $0x3100  }
0xae: {  	[tilespmem:s26], [sflag:$0x3] =	stream.indirect_vreg.gather [hbm4b:s3+s1], $0x80, v4, vm0, $0xb8;
	[tilespmem:$0x10100] =	vst v63  }
0xaf: {  	s26 =	simm.s32 $0x3900  }
0xb0: {  	[tilespmem:s26], [sflag:$0x3] =	stream.indirect_vreg.gather [hbm4b:s3+s1], $0x80, v3, vm0, $0xb8;
	[tilespmem:$0x10100] =	vst v63  }
0xb1: {  	v3 =	vld [tilespmem:$0x40];
	_ =	sdelay $0x4  }
0xb2: {  	v60 =	vshll.u32 v3, $0x1  }
0xb3: {  	v3 =	vand.u32 $0x7, v3;
	v4 =	vand.u32 $0xFFFFFFF0, v60  }
0xb4: {  	v3 =	vor.u32 v3, v4  }
0xb5: {  	v4 =	vperm.xlane v3, v0;
	_ =	sdelay $0x1  }
0xb6: {  	v3 =	vperm.xlane v3, v2;
	v4 =	vadd.s32 v1, v4;
	_ =	sdelay $0x1  }
0xb7: {  	v3 =	vadd.s32 v1, v3;
	_ =	sdelay $0x1  }
0xb8: {  	s26 =	simm.s32 $0x4100  }
0xb9: {  	[tilespmem:s26], [sflag:$0x3] =	stream.indirect_vreg.gather [hbm4b:s3+s1], $0x80, v4, vm0, $0xb8;
	[tilespmem:$0x10100] =	vst v63  }
0xba: {  	s26 =	simm.s32 $0x4900  }
0xbb: {  	[tilespmem:s26], [sflag:$0x3] =	stream.indirect_vreg.gather [hbm4b:s3+s1], $0x80, v3, vm0, $0xb8;
	[tilespmem:$0x10100] =	vst v63  }
0xbc: {  	v3 =	vld [tilespmem:$0x50];
	_ =	sdelay $0x4  }
0xbd: {  	v61 =	vshll.u32 v3, $0x1  }
0xbe: {  	v3 =	vand.u32 $0x7, v3;
	v4 =	vand.u32 $0xFFFFFFF0, v61  }
0xbf: {  	v3 =	vor.u32 v3, v4  }
0xc0: {  	v4 =	vperm.xlane v3, v0;
	_ =	sdelay $0x1  }
0xc1: {  	v3 =	vperm.xlane v3, v2;
	v4 =	vadd.s32 v1, v4;
	_ =	sdelay $0x1  }
0xc2: {  	v3 =	vadd.s32 v1, v3;
	_ =	sdelay $0x1  }
0xc3: {  	s26 =	simm.s32 $0x5100  }
0xc4: {  	[tilespmem:s26], [sflag:$0x3] =	stream.indirect_vreg.gather [hbm4b:s3+s1], $0x80, v4, vm0, $0xb8;
	[tilespmem:$0x10100] =	vst v63  }
0xc5: {  	s26 =	simm.s32 $0x5900  }
0xc6: {  	[tilespmem:s26], [sflag:$0x3] =	stream.indirect_vreg.gather [hbm4b:s3+s1], $0x80, v3, vm0, $0xb8;
	[tilespmem:$0x10100] =	vst v63  }
0xc7: {  	v3 =	vld [tilespmem:$0x60];
	_ =	sdelay $0x4  }
0xc8: {  	v62 =	vshll.u32 v3, $0x1  }
0xc9: {  	v3 =	vand.u32 $0x7, v3;
	v4 =	vand.u32 $0xFFFFFFF0, v62  }
0xca: {  	v3 =	vor.u32 v3, v4  }
0xcb: {  	v4 =	vperm.xlane v3, v0;
	_ =	sdelay $0x1  }
0xcc: {  	v3 =	vperm.xlane v3, v2;
	v4 =	vadd.s32 v1, v4;
	_ =	sdelay $0x1  }
0xcd: {  	v3 =	vadd.s32 v1, v3;
	_ =	sdelay $0x1  }
0xce: {  	s26 =	simm.s32 $0x6100  }
0xcf: {  	[tilespmem:s26], [sflag:$0x3] =	stream.indirect_vreg.gather [hbm4b:s3+s1], $0x80, v4, vm0, $0xb8;
	[tilespmem:$0x10100] =	vst v63  }
0xd0: {  	s26 =	simm.s32 $0x6900  }
0xd1: {  	[tilespmem:s26], [sflag:$0x3] =	stream.indirect_vreg.gather [hbm4b:s3+s1], $0x80, v3, vm0, $0xb8;
	[tilespmem:$0x10100] =	vst v63  }
0xd2: {  	v3 =	vld [tilespmem:$0x70];
	_ =	sdelay $0x4  }
0xd3: {  	v63 =	vshll.u32 v3, $0x1  }
0xd4: {  	v3 =	vand.u32 $0x7, v3;
	v4 =	vand.u32 $0xFFFFFFF0, v63  }
0xd5: {  	v3 =	vor.u32 v3, v4  }
0xd6: {  	v4 =	vperm.xlane v3, v0;
	_ =	sdelay $0x1  }
0xd7: {  	v3 =	vperm.xlane v3, v2;
	v4 =	vadd.s32 v1, v4;
	_ =	sdelay $0x1  }
0xd8: {  	v3 =	vadd.s32 v1, v3;
	_ =	sdelay $0x1  }
0xd9: {  	s26 =	simm.s32 $0x7100  }
0xda: {  	[tilespmem:s26], [sflag:$0x3] =	stream.indirect_vreg.gather [hbm4b:s3+s1], $0x80, v4, vm0, $0xb8;
	[tilespmem:$0x10100] =	vst v63  }
0xdb: {  	_ = 	snop  }
0xdc: {  	[tilespmem:s28], [sflag:$0x3] =	stream.indirect_vreg.gather [hbm4b:s3+s1], $0x80, v3, vm0, $0xb8;
	[tilespmem:$0x10100] =	vst v63  }
0xdd: {  	_ =	swait.ge [sflag:s21], $0x8000  }
0xde: {  	[sflag:s21] =	ssyncset.done $0x0  }
0xdf: {  	s25 =	sadd.s32 s24, s7;
	s26 =	simm.s32 $0x80;
	[sflag:s21] =	ssyncadd.s32 $0xFFFF8000  }
0xe0: {  	[tilespmem:s26], [sflag:$0x2] =	stream.linear.gather [hbm4b:s25+s1], $0x80, $0x38;
	[tilespmem:$0x10100] =	vst v63  }
.LBB2_5:
0xe1: {  	s24 =	sadd.s32 $0x20, s24  }
0xe2: {  	p0 =	sne.s32 s24, $0x400  }
.Ltmp3:
0xe3: {  	_ = 	snop;
	(pc) =	sbr.rel @!p0 .LBB2_6-.Ltmp3, $3  }
0xe4: {  	_ =	sdelay $0x1  }
0xe5: {  	[hbm4b:s23+s1] =	stream.linear.scatter [tilespmem:s30], [sflag:$0x6], $0x8000, $0x38;
	[tilespmem:$0x10100] =	vst v63  }
0xe6: {  	s23 =	sadd.s32 $0x2000, s23  }
.LBB2_2:
0xe7: {  	_ =	swait.ge [sflag:s29], $0x80  }
0xe8: {  	p0 =	seq.s32 s24, $0x0;
	[sflag:s29] =	ssyncset.done $0x0  }
0xe9: {  	s25 =	simm.s32 @!p0 $0x6;
	[sflag:s29] =	ssyncadd.s32 $0xFFFFFF80  }
0xea: {  	_ =	swait.ge @!p0 [sflag:s25], $0x8000  }
0xeb: {  	[sflag:s25] =	ssyncset.done @!p0 $0x0  }
0xec: {  	[sflag:s25] =	ssyncadd.s32 @!p0 $0xFFFF8000  }
0xed: {  	v3 =	vld [tilespmem:$0x80];
	_ =	sdelay $0x4  }
0xee: {  	v4 =	vshll.u32 v3, $0x1  }
0xef: {  	v3 =	vand.u32 $0x7, v3;
	v4 =	vand.u32 $0xFFFFFFF0, v4  }
0xf0: {  	v3 =	vor.u32 v3, v4  }
0xf1: {  	v4 =	vperm.xlane v3, v0;
	_ =	sdelay $0x1  }
0xf2: {  	v3 =	vperm.xlane v3, v2;
	v4 =	vadd.s32 v1, v4;
	_ =	sdelay $0x1  }
0xf3: {  	v3 =	vadd.s32 v1, v3;
	_ =	sdelay $0x2  }
0xf4: {  	[tilespmem:s30], [sflag:$0x4] =	stream.indirect_vreg.gather [hbm4b:s3+s1], $0x80, v4, vm0, $0xb8;
	[tilespmem:$0x10100] =	vst v63  }
0xf5: {  	_ = 	snop  }
0xf6: {  	[tilespmem:s31], [sflag:$0x4] =	stream.indirect_vreg.gather [hbm4b:s3+s1], $0x80, v3, vm0, $0xb8;
	[tilespmem:$0x10100] =	vst v63  }
0xf7: {  	v3 =	vld [tilespmem:$0x90];
	_ =	sdelay $0x4  }
0xf8: {  	v57 =	vshll.u32 v3, $0x1  }
0xf9: {  	v3 =	vand.u32 $0x7, v3;
	v4 =	vand.u32 $0xFFFFFFF0, v57  }
0xfa: {  	v3 =	vor.u32 v3, v4  }
0xfb: {  	v4 =	vperm.xlane v3, v0;
	_ =	sdelay $0x1  }
0xfc: {  	v3 =	vperm.xlane v3, v2;
	v4 =	vadd.s32 v1, v4;
	_ =	sdelay $0x1  }
0xfd: {  	v3 =	vadd.s32 v1, v3;
	_ =	sdelay $0x2  }
0xfe: {  	[tilespmem:s0], [sflag:$0x4] =	stream.indirect_vreg.gather [hbm4b:s3+s1], $0x80, v4, vm0, $0xb8;
	[tilespmem:$0x10100] =	vst v63  }
0xff: {  	_ = 	snop  }
0x100: {  	[tilespmem:s2], [sflag:$0x4] =	stream.indirect_vreg.gather [hbm4b:s3+s1], $0x80, v3, vm0, $0xb8;
	[tilespmem:$0x10100] =	vst v63  }
0x101: {  	v3 =	vld [tilespmem:$0xA0];
	_ =	sdelay $0x4  }
0x102: {  	v58 =	vshll.u32 v3, $0x1  }
0x103: {  	v3 =	vand.u32 $0x7, v3;
	v4 =	vand.u32 $0xFFFFFFF0, v58  }
0x104: {  	v3 =	vor.u32 v3, v4  }
0x105: {  	v4 =	vperm.xlane v3, v0;
	_ =	sdelay $0x1  }
0x106: {  	v3 =	vperm.xlane v3, v2;
	v4 =	vadd.s32 v1, v4;
	_ =	sdelay $0x1  }
0x107: {  	v3 =	vadd.s32 v1, v3;
	_ =	sdelay $0x2  }
0x108: {  	[tilespmem:s5], [sflag:$0x4] =	stream.indirect_vreg.gather [hbm4b:s3+s1], $0x80, v4, vm0, $0xb8;
	[tilespmem:$0x10100] =	vst v63  }
0x109: {  	_ = 	snop  }
0x10a: {  	[tilespmem:s6], [sflag:$0x4] =	stream.indirect_vreg.gather [hbm4b:s3+s1], $0x80, v3, vm0, $0xb8;
	[tilespmem:$0x10100] =	vst v63  }
0x10b: {  	v3 =	vld [tilespmem:$0xB0];
	_ =	sdelay $0x4  }
0x10c: {  	v59 =	vshll.u32 v3, $0x1  }
0x10d: {  	v3 =	vand.u32 $0x7, v3;
	v4 =	vand.u32 $0xFFFFFFF0, v59  }
0x10e: {  	v3 =	vor.u32 v3, v4  }
0x10f: {  	v4 =	vperm.xlane v3, v0;
	_ =	sdelay $0x1  }
0x110: {  	v3 =	vperm.xlane v3, v2;
	v4 =	vadd.s32 v1, v4;
	_ =	sdelay $0x1  }
0x111: {  	v3 =	vadd.s32 v1, v3;
	_ =	sdelay $0x2  }
0x112: {  	[tilespmem:s4], [sflag:$0x4] =	stream.indirect_vreg.gather [hbm4b:s3+s1], $0x80, v4, vm0, $0xb8;
	[tilespmem:$0x10100] =	vst v63  }
0x113: {  	_ = 	snop  }
0x114: {  	[tilespmem:s8], [sflag:$0x4] =	stream.indirect_vreg.gather [hbm4b:s3+s1], $0x80, v3, vm0, $0xb8;
	[tilespmem:$0x10100] =	vst v63  }
0x115: {  	v3 =	vld [tilespmem:$0xC0];
	_ =	sdelay $0x4  }
0x116: {  	v60 =	vshll.u32 v3, $0x1  }
0x117: {  	v3 =	vand.u32 $0x7, v3;
	v4 =	vand.u32 $0xFFFFFFF0, v60  }
0x118: {  	v3 =	vor.u32 v3, v4  }
0x119: {  	v4 =	vperm.xlane v3, v0;
	_ =	sdelay $0x1  }
0x11a: {  	v3 =	vperm.xlane v3, v2;
	v4 =	vadd.s32 v1, v4;
	_ =	sdelay $0x1  }
0x11b: {  	v3 =	vadd.s32 v1, v3;
	_ =	sdelay $0x2  }
0x11c: {  	[tilespmem:s10], [sflag:$0x4] =	stream.indirect_vreg.gather [hbm4b:s3+s1], $0x80, v4, vm0, $0xb8;
	[tilespmem:$0x10100] =	vst v63  }
0x11d: {  	_ = 	snop  }
0x11e: {  	[tilespmem:s13], [sflag:$0x4] =	stream.indirect_vreg.gather [hbm4b:s3+s1], $0x80, v3, vm0, $0xb8;
	[tilespmem:$0x10100] =	vst v63  }
0x11f: {  	v3 =	vld [tilespmem:$0xD0];
	_ =	sdelay $0x4  }
0x120: {  	v61 =	vshll.u32 v3, $0x1  }
0x121: {  	v3 =	vand.u32 $0x7, v3;
	v4 =	vand.u32 $0xFFFFFFF0, v61  }
0x122: {  	v3 =	vor.u32 v3, v4  }
0x123: {  	v4 =	vperm.xlane v3, v0;
	_ =	sdelay $0x1  }
0x124: {  	v3 =	vperm.xlane v3, v2;
	v4 =	vadd.s32 v1, v4;
	_ =	sdelay $0x1  }
0x125: {  	v3 =	vadd.s32 v1, v3;
	_ =	sdelay $0x2  }
0x126: {  	[tilespmem:s14], [sflag:$0x4] =	stream.indirect_vreg.gather [hbm4b:s3+s1], $0x80, v4, vm0, $0xb8;
	[tilespmem:$0x10100] =	vst v63  }
0x127: {  	_ = 	snop  }
0x128: {  	[tilespmem:s15], [sflag:$0x4] =	stream.indirect_vreg.gather [hbm4b:s3+s1], $0x80, v3, vm0, $0xb8;
	[tilespmem:$0x10100] =	vst v63  }
0x129: {  	v3 =	vld [tilespmem:$0xE0];
	_ =	sdelay $0x4  }
0x12a: {  	v62 =	vshll.u32 v3, $0x1  }
0x12b: {  	v3 =	vand.u32 $0x7, v3;
	v4 =	vand.u32 $0xFFFFFFF0, v62  }
0x12c: {  	v3 =	vor.u32 v3, v4  }
0x12d: {  	v4 =	vperm.xlane v3, v0;
	_ =	sdelay $0x1  }
0x12e: {  	v3 =	vperm.xlane v3, v2;
	v4 =	vadd.s32 v1, v4;
	_ =	sdelay $0x1  }
0x12f: {  	v3 =	vadd.s32 v1, v3;
	_ =	sdelay $0x2  }
0x130: {  	[tilespmem:s16], [sflag:$0x4] =	stream.indirect_vreg.gather [hbm4b:s3+s1], $0x80, v4, vm0, $0xb8;
	[tilespmem:$0x10100] =	vst v63  }
0x131: {  	_ = 	snop  }
0x132: {  	[tilespmem:s17], [sflag:$0x4] =	stream.indirect_vreg.gather [hbm4b:s3+s1], $0x80, v3, vm0, $0xb8;
	[tilespmem:$0x10100] =	vst v63  }
0x133: {  	v3 =	vld [tilespmem:$0xF0];
	_ =	sdelay $0x4  }
0x134: {  	v63 =	vshll.u32 v3, $0x1  }
0x135: {  	v3 =	vand.u32 $0x7, v3;
	v4 =	vand.u32 $0xFFFFFFF0, v63  }
0x136: {  	v3 =	vor.u32 v3, v4  }
0x137: {  	v4 =	vperm.xlane v3, v0;
	_ =	sdelay $0x1  }
0x138: {  	v3 =	vperm.xlane v3, v2;
	v4 =	vadd.s32 v1, v4;
	_ =	sdelay $0x1  }
0x139: {  	v3 =	vadd.s32 v1, v3;
	_ =	sdelay $0x2  }
0x13a: {  	[tilespmem:s18], [sflag:$0x4] =	stream.indirect_vreg.gather [hbm4b:s3+s1], $0x80, v4, vm0, $0xb8;
	[tilespmem:$0x10100] =	vst v63  }
0x13b: {  	_ = 	snop  }
0x13c: {  	[tilespmem:s19], [sflag:$0x4] =	stream.indirect_vreg.gather [hbm4b:s3+s1], $0x80, v3, vm0, $0xb8;
	[tilespmem:$0x10100] =	vst v63  }
0x13d: {  	_ =	swait.ge [sflag:s20], $0x8000  }
0x13e: {  	p0 =	seq.s32 s24, $0x3E0;
	[sflag:s20] =	ssyncset.done $0x0  }
0x13f: {  	s25 =	sadd.s32 @!p0 s24, s9;
	s26 =	simm.s32 @!p0 $0x0;
	[sflag:s20] =	ssyncadd.s32 $0xFFFF8000  }
0x140: {  	[tilespmem:s26], [sflag:$0x1] =	stream.linear.gather @!p0 [hbm4b:s25+s26], $0x80, $0x38;
	[tilespmem:$0x10100] =	vst v63  }
0x141: {  	p0 =	sne.s32 s24, $0x3E0  }
.Ltmp4:
0x142: {  	_ = 	snop;
	(pc) =	sbr.rel @p0 .LBB2_4-.Ltmp4, $3  }
0x143: {  	_ =	sdelay $0x1  }
0x144: {  	s26 =	sadd.s32 $0xFFFFF000, s23  }
0x145: {  	[hbm4b:s26+s1] =	stream.linear.scatter [tilespmem:s12], [sflag:$0x5], $0x8000, $0x38;
	[tilespmem:$0x10100] =	vst v63  }
.Ltmp5:
0x146: {  	(pc) =	sbr.rel .LBB2_5-.Ltmp5, $4  }
0x147: {  	_ = 	snop  }
0x148: {  	_ =	swait.ge [sflag:s21], $0x8000  }
0x149: {  	[sflag:s21] =	ssyncset.done $0x0  }
0x14a: {  	[sflag:s21] =	ssyncadd.s32 $0xFFFF8000  }
.LBB2_7:
0x14b: {  	_ =	sfence.sel $0x180000  }
0x14c: {  	[bflag:$0x0] =	sbarrier.arrive $0xFFFF  }
0x14d: {  	_ =	strace $0x9000004A  }
0x14e: {  	s0 =	stileid.u32;
	[bflag:$0x2] =	sbarrier.arrive $0xFFFF  }
0x14f: {  	p0 =	sne.s32 s0, $0x0;
	s0 =	rddreg [dreg:$0x1]  }
0x150: {  	s0 =	sadd.s32 @!p0 $0x100000, s0  }
0x151: {  	[sflag:s0] =	ssyncadd.tile.s32 @!p0 $0x1;
	_ =	shalt  }
.Lfunc_end2:
_tile_overlayer_lowered:
.L_overlay_start_2:
0x152: {  	(tag) =	ssettag $0x2  }
0x153: {  	s0 =	rddreg [dreg:$0x0];
	s2 =	stileid.u32  }
0x154: {  	s1 =	rddreg [dreg:$0x1];
	p0 =	sne.s32 s2, $0x0  }
0x155: {  	s3 =	rddreg [dreg:$0x2];
	[bflag:$0x3] =	sbarrier.arrive $0xFFFF;
	s2 =	simm.s32 @!p0 $0x1C07  }
0x156: {  	[timem:s3], [sflag:s2] =	dma.local @!p0 [hbm:s0], s1  }
0x157: {  	s0 =	simm.s32 @!p0 $0x7  }
0x158: {  	_ =	swait.ge @!p0 [sflag:s0], s1  }
0x159: {  	s1 =	ssub.s32 @!p0 $0x0, s1;
	[sflag:s0] =	ssyncset.done @!p0 $0x0  }
0x15a: {  	[sflag:s0] =	ssyncadd.s32 @!p0 s1  }
0x15b: {  	[bflag:$0x3] =	sbarrier.arrive $0xFFFF  }
0x15c: {  	_ =	shalt  }

// kernel: kernel.27.cloned.1.call-start
scs
__scs_entry_jumppad:
0x0: {  	(pc) =	sbr.rel $0x88, $3  }
0x1: {  	(tag) =	ssettag $0x0;
	lr =	simm.s32 $0x1  }
0x2: {  	[smem:$0x3F86] =	sst lr;
	_ =	strace $0xD0000000  }
0x3: {  	_ = 	snop  }
0x4: {  	_ = 	snop  }
0x5: {  	_ = 	snop  }
0x6: {  	_ = 	snop  }
0x7: {  	_ = 	snop  }
__scs_overlays_trampoline_lowered:
0x8: {  	[smem:$0x3F95] =	sst s0  }
0x9: {  	[smem:$0x3F96] =	sst s1  }
0xa: {  	[smem:$0x3F97] =	sst s2  }
0xb: {  	[smem:$0x3F98] =	sst s3  }
0xc: {  	[smem:$0x3F99] =	sst s4  }
0xd: {  	[smem:$0x3F9A] =	sst s5  }
0xe: {  	[smem:$0x3F9B] =	sst s6  }
0xf: {  	[smem:$0x3F9C] =	sst s7  }
0x10: {  	[smem:$0x3F9D] =	sst s8  }
0x11: {  	[smem:$0x3F9E] =	sst s9;
	s0 =	simm.s32 @!p0 $0x0  }
0x12: {  	s1 =	sld [smem:$0x3F84];
	s0 =	simm.s32 @p0 $0x1  }
0x13: {  	[smem:$0x3F9F] =	sst s0;
	s0 =	simm.s32 @!p1 $0x0  }
0x14: {  	s2 =	sld [smem:$0x3F83];
	s0 =	simm.s32 @p1 $0x1  }
0x15: {  	[smem:$0x3FA0] =	sst s0;
	s0 =	simm.s32 @!p2 $0x0  }
0x16: {  	s3 =	sld [smem:$0x3FDB];
	s0 =	simm.s32 @p2 $0x1  }
0x17: {  	s4 =	simm.s32 $0x1BF5;
	[smem:$0x3FA2] =	sst s0  }
0x18: {  	s0 =	sld [smem:$0x3F85];
	_ =	swait.ge [sflag:s4], $0x0  }
0x19: {  	s7 =	sld [smem:$0x3F86]  }
0x1a: {  	s8 =	sadd.s32 $0xFFFFE003, lr  }
0x1b: {  	s9 =	sadd.s32 $0xFFFFFEF7, lr;
	s5 =	simm.s32 $0xFFFFFFFF;
	p2 =	slt.u32 s8, $0xFFFFF086  }
0x1c: {  	p1 =	slt.u32 s9, $0xF7A;
	s5 =	simm.s32 @!p2 $0x0  }
0x1d: {  	s5 =	simm.s32 @p1 $0x1;
	p0 =	seq.s32 s7, s2  }
0x1e: {  	s7 =	smul.u32 @!p0 $0xF7A, s2;
	p2 =	seq.s32 @!p0 s5, $0x0  }
0x1f: {  	s9 =	smul.u32 $0xF7A, s1;
	s8 =	simm.s32 @!p0 $0x1BF5;
	p2 =	por !p2, p0  }
0x20: {  	[sflag:s8] =	ssyncset.s32 @!p0 $0xFFFFF086;
	s6 =	sadd.s32 @!p0 s3, s7;
	s7 =	simm.s32 @!p0 $0x108  }
0x21: {  	s3 =	sadd.s32 s3, s9;
	s6 =	sadd.s32 @!p0 $0x88, s6;
	s7 =	simm.s32 @p2 $0x1082  }
0x22: {  	[simem:s7], [sflag:s8] =	dma.local @!p0 [hbm:s6], $0xF7A  }
0x23: {  	s9 =	sor.u32 $0xD0000000, s2;
	s6 =	simm.s32 $0x108;
	_ =	swait.ge @!p0 [sflag:s8], $0x0  }
0x24: {  	s3 =	sadd.s32 $0x88, s3;
	s6 =	simm.s32 @!p1 $0x1082;
	[sflag:s4] =	ssyncset.s32 $0xFFFFF086  }
0x25: {  	[simem:s6], [sflag:s4] =	dma.local [hbm:s3], $0xF7A  }
0x26: {  	[smem:$0x3F86] =	sst s1;
	(tag) =	ssettag s2;
	_ =	strace s9  }
0x27: {  	s1 =	sld [smem:$0x3F96]  }
0x28: {  	s2 =	sld [smem:$0x3F97]  }
0x29: {  	s4 =	sld [smem:$0x3F99]  }
0x2a: {  	p0 =	seq.s32 s5, $0x0;
	s5 =	sld [smem:$0x3F9A]  }
0x2b: {  	s6 =	sld [smem:$0x3F9B]  }
0x2c: {  	s7 =	sld [smem:$0x3F9C]  }
0x2d: {  	s3 =	simm.s32 $0x108;
	s8 =	sld [smem:$0x3F9D]  }
0x2e: {  	s3 =	simm.s32 @!p0 $0x1082;
	s9 =	sld [smem:$0x3F9E]  }
0x2f: {  	lr =	sadd.s32 s0, s3;
	s0 =	sld [smem:$0x3F95]  }
0x30: {  	s3 =	sld [smem:$0x3F98]  }
0x31: {  	[smem:$0x3FA1] =	sst s10  }
0x32: {  	s10 =	sld [smem:$0x3F9F];
	_ =	sdelay $0x3  }
0x33: {  	p0 =	seq.s32 s10, $0x1;
	s10 =	sld [smem:$0x3FA1];
	_ =	sdelay $0x3  }
0x34: {  	[smem:$0x3FA1] =	sst s10  }
0x35: {  	s10 =	sld [smem:$0x3FA0];
	_ =	sdelay $0x3  }
0x36: {  	p1 =	seq.s32 s10, $0x1;
	s10 =	sld [smem:$0x3FA1];
	_ =	sdelay $0x3  }
0x37: {  	[smem:$0x3FA1] =	sst s10  }
0x38: {  	s10 =	sld [smem:$0x3FA2]  }
0x39: {  	_ = 	snop;
	(pc) =	sbr.ind lr, $3  }
0x3a: {  	_ = 	snop  }
0x3b: {  	_ = 	snop  }
0x3c: {  	p2 =	seq.s32 s10, $0x1;
	s10 =	sld [smem:$0x3FA1]  }
0x3d: {  	_ =	shalt  }
0x3e: {  	_ =	shalt  }
0x3f: {  	_ =	shalt  }
0x40: {  	_ =	shalt  }
0x41: {  	_ =	shalt  }
0x42: {  	_ =	shalt  }
0x43: {  	_ =	shalt  }
0x44: {  	_ =	shalt  }
0x45: {  	_ =	shalt  }
0x46: {  	_ =	shalt  }
0x47: {  	_ =	shalt  }
0x48: {  	_ =	shalt  }
0x49: {  	_ =	shalt  }
0x4a: {  	_ =	shalt  }
0x4b: {  	_ =	shalt  }
0x4c: {  	_ =	shalt  }
0x4d: {  	_ =	shalt  }
0x4e: {  	_ =	shalt  }
0x4f: {  	_ =	shalt  }
0x50: {  	_ =	shalt  }
0x51: {  	_ =	shalt  }
0x52: {  	_ =	shalt  }
0x53: {  	_ =	shalt  }
0x54: {  	_ =	shalt  }
0x55: {  	_ =	shalt  }
0x56: {  	_ =	shalt  }
0x57: {  	_ =	shalt  }
0x58: {  	_ =	shalt  }
0x59: {  	_ =	shalt  }
0x5a: {  	_ =	shalt  }
0x5b: {  	_ =	shalt  }
0x5c: {  	_ =	shalt  }
0x5d: {  	_ =	shalt  }
0x5e: {  	_ =	shalt  }
0x5f: {  	_ =	shalt  }
0x60: {  	_ =	shalt  }
0x61: {  	_ =	shalt  }
0x62: {  	_ =	shalt  }
0x63: {  	_ =	shalt  }
0x64: {  	_ =	shalt  }
0x65: {  	_ =	shalt  }
0x66: {  	_ =	shalt  }
0x67: {  	_ =	shalt  }
0x68: {  	_ =	shalt  }
0x69: {  	_ =	shalt  }
0x6a: {  	_ =	shalt  }
0x6b: {  	_ =	shalt  }
0x6c: {  	_ =	shalt  }
0x6d: {  	_ =	shalt  }
0x6e: {  	_ =	shalt  }
0x6f: {  	_ =	shalt  }
0x70: {  	_ =	shalt  }
0x71: {  	_ =	shalt  }
0x72: {  	_ =	shalt  }
0x73: {  	_ =	shalt  }
0x74: {  	_ =	shalt  }
0x75: {  	_ =	shalt  }
0x76: {  	_ =	shalt  }
0x77: {  	_ =	shalt  }
0x78: {  	_ =	shalt  }
0x79: {  	_ =	shalt  }
0x7a: {  	_ =	shalt  }
0x7b: {  	_ =	shalt  }
0x7c: {  	_ =	shalt  }
0x7d: {  	_ =	shalt  }
0x7e: {  	_ =	shalt  }
0x7f: {  	_ =	shalt  }
0x80: {  	_ =	shalt  }
0x81: {  	_ =	shalt  }
0x82: {  	_ =	shalt  }
0x83: {  	_ =	shalt  }
0x84: {  	_ =	shalt  }
0x85: {  	_ =	shalt  }
0x86: {  	_ =	shalt  }
0x87: {  	_ =	shalt  }
.Lfunc_end0:
.L_simem_size_0:
called_computation.2_lowered:
.L_overlay_start_0:
0x88: {  	s2 =	sld [smem:$0x3FD9]  }
0x89: {  	s3 =	sld [smem:$0x3FFE];
	_ =	sdelay $0x1  }
0x8a: {  	s1 =	srdreg.scid  }
0x8b: {  	s0 =	sand.u32 $0x1, s1  }
0x8c: {  	s16 =	sshll.u32 s0, $0xA;
	s2 =	sadd.s32 s3, s2  }
0x8d: {  	s2 =	sadd.s32 s2, s16  }
0x8e: {  	[smem:$0x3FAD] =	sst s2  }
0x8f: {  	_ = 	snop  }
0x90: {  	(tm) =	ssettm $0x1  }
0x91: {  	s17 =	sld [smem:$0x3FFB];
	_ =	sdelay $0x3  }
0x92: {  	_ =	strace s17  }
0x93: {  	s2 =	sld [smem:$0x3FFC];
	_ =	sdelay $0x3  }
0x94: {  	_ =	strace s2  }
0x95: {  	s2 =	sld [smem:$0x3FFD];
	_ =	sdelay $0x3  }
0x96: {  	_ =	strace s2  }
0x97: {  	_ =	strace $0x8FFFFFFF  }
0x98: {  	s18 =	sld [smem:$0x3FDB];
	_ =	sdelay $0x1  }
0x99: {  	s19 =	simm.s32 $_scs_section_size  }
0x9a: {  	s4 =	simm.s32 $_size__tile_overlayer_lowered;
	s5 =	simm.s32 $_tile_overlayer_lowered  }
0x9b: {  	s22 =	simm.s32 $0x1BFF;
	s21 =	sshll.u32 s5, $0x1;
	s2 =	sadd.s32 s19, s18  }
0x9c: {  	s6 =	simm.s32 $0x0;
	s20 =	sshll.u32 s4, $0x1;
	s4 =	sadd.s32 s21, s2  }
0x9d: {  	[timem:s6], [sflag:s22] =	dma.local [hbm:s4], s20  }
0x9e: {  	_ =	swait.ge [sflag:s22], s20  }
0x9f: {  	s3 =	ssub.s32 $0x0, s20;
	[sflag:s22] =	ssyncset.done $0x0  }
0xa0: {  	[sflag:s22] =	ssyncadd.s32 s3;
	_ =	sdelay $0x1  }
0xa1: {  	s23 =	simm.s32 $0x1B8B  }
0xa2: {  	_ =	swait.ge [sflag:s23], $0x1  }
0xa3: {  	[sflag:s23] =	ssyncset.done $0x0  }
0xa4: {  	s25 =	simm.s32 $0x1B8E;
	s24 =	sld [smem:$0x3FFE];
	[sflag:s23] =	ssyncadd.s32 $0xFFFFFFFF  }
0xa5: {  	s26 =	simm.s32 $execute0_lowered;
	[smem:$0x3FD2] =	sst s25  }
0xa6: {  	s4 =	sshll.u32 s26, $0x1;
	_ =	strace $0x8000004C;
	[dreg:$0x1] =	wrdreg $0xFFFFFFFF  }
0xa7: {  	s28 =	simm.s32 $_size_execute0_lowered;
	s2 =	sadd.s32 s2, s4;
	[dreg:$0x0] =	wrdreg $0x0  }
0xa8: {  	s4 =	sshll.u32 s28, $0x1;
	[dreg:$0x2] =	wrdreg s2  }
0xa9: {  	[dreg:$0x3] =	wrdreg s4  }
0xaa: {  	[dreg:$0x4] =	wrdreg $0xC0  }
0xab: {  	_ =	task [dreg:s6], $0x5FFFF  }
0xac: {  	[dreg:$0x1] =	wrdreg $0xFFFFFFFF  }
0xad: {  	[dreg:$0x0] =	wrdreg $0x60  }
0xae: {  	[dreg:$0x2] =	wrdreg s24  }
0xaf: {  	[dreg:$0x3] =	wrdreg $0x9  }
0xb0: {  	_ =	task.clear_ibuf [dreg:s6], $0x4FFFF;
	_ =	strace $0x9000004C  }
0xb1: {  	s29 =	simm.s32 $0x9;
	_ =	strace $0x8000004E  }
0xb2: {  	_ =	swait.ge [sflag:s29], $0x1  }
0xb3: {  	[sflag:s29] =	ssyncadd.s32 $0xFFFFFFFF  }
0xb4: {  	_ =	strace $0x9000004E  }
0xb5: {  	_ =	sfence  }
0xb6: {  	s30 =	sld [smem:$0x0];
	_ =	sdelay $0x2  }
0xb7: {  	s31 =	sshll.u32 s1, $0xD;
	s1 =	sshrl.u32 s1, $0x2  }
0xb8: {  	s3 =	sand.u32 $0x4000, s31;
	s1 =	sadd.s32 s1, s30  }
0xb9: {  	s0 =	sor.u32 s3, s0;
	s1 =	sshll.u32 s1, $0x11  }
0xba: {  	s0 =	sor.u32 s1, s0  }
0xbb: {  	s0 =	sadd.s32 $0x8F2B, s0  }
0xbc: {  	[sflag:s0] =	ssyncadd.remote.s32 $0x1  }
0xbd: {  	_ =	sfence.sel $0xFFFF  }
0xbe: {  	[dreg:$0x0] =	wrdreg $0xFFFFFFFF;
	(pc) =	sbr.abs _section_cstart, $3  }
0xbf: {  	[dreg:$0x1] =	wrdreg $0xFFFFFFFF  }
0xc0: {  	_ =	task.clear_ibuf [dreg:s6], $0x2FFFF;
	_ =	strace $0x9FFFFFFF  }
0xc1: {  	(tm) =	ssettm $0x7FFFFFFF  }
tec
execute0_lowered:
.L_overlay_start_1:
0x0: {  	(tag) =	ssettag $0x1  }
0x1: {  	s0 =	rddreg [dreg:$0x0];
	s1 =	simm.s32 $0x0  }
0x2: {  	s2 =	srdreg.scid;
	s9 =	stileid.u32;
	s11 =	simm.s32 $0x1  }
0x3: {  	s12 =	simm.s32 $0x100;
	s28 =	simm.s32 $0x7900;
	s29 =	simm.s32 $0x2  }
0x4: {  	s30 =	simm.s32 $0x8100;
	s31 =	simm.s32 $0x8900;
	s10 =	simm.s32 $0xC100  }
0x5: {  	s13 =	simm.s32 $0xC900;
	s14 =	simm.s32 $0xD100;
	s15 =	simm.s32 $0xD900  }
0x6: {  	s16 =	simm.s32 $0xE100;
	s17 =	simm.s32 $0xE900;
	s18 =	simm.s32 $0xF100  }
0x7: {  	s19 =	simm.s32 $0xF900;
	s20 =	simm.s32 $0x3;
	[smem:$0x7FF] =	sst s1  }
0x8: {  	s2 =	sand.u32 $0x1, s2;
	s3 =	sadd.s32 $0x8C2600, s0;
	s5 =	sshll.u32 s9, $0xD  }
0x9: {  	s6 =	sadd.s32 $0x21200, s0;
	s25 =	sshll.u32 s9, $0x12;
	_ =	strace $0x8000004D  }
0xa: {  	s4 =	sshll.u32 s2, $0x11;
	s7 =	ssub.s32 $0x2, s2;
	s2 =	sshll.u32 s2, $0x16  }
0xb: {  	s4 =	sor.u32 s5, s4;
	s21 =	sshrl.u32 s7, $0x1;
	s0 =	sadd.s32 s2, s0  }
0xc: {  	s8 =	sshrl.u32 s4, $0x3;
	s22 =	ssub.s32 s7, s21;
	s24 =	sor.u32 $0x180, s4  }
0xd: {  	s4 =	sor.u32 $0x100, s4;
	s0 =	sadd.s32 s25, s0;
	s21 =	simm.s32 $0x4  }
0xe: {  	s25 =	simm.s32 $0x0;
	s23 =	sadd.s32 s6, s8;
	s2 =	smax.u32 s22, $0x1  }
0xf: {  	s26 =	sshrl.u32 s4, $0x3;
	s0 =	sadd.s32 $0x2A200, s0;
	s4 =	simm.s32 $0xB100  }
.Ltmp0:
0x10: {  	s8 =	simm.s32 $0xB900;
	[dreg:$0x2] =	wrdreg s23;
	(pc) =	sbr.rel .LBB2_1-.Ltmp0, $4  }
0x11: {  	s22 =	simm.s32 $0x5;
	s5 =	sadd.s32 $0x10, s23;
	[dreg:$0x4] =	wrdreg s2  }
0x12: {  	v2 =	vlaneseq.u32;
	s2 =	sshrl.u32 s24, $0x3;
	[dreg:$0x5] =	wrdreg s0;
	s9 =	sadd.s32 s26, s6  }
0x13: {  	vm0 =	vmmov $0xffff;
	v1 =	vshrl.u32 v2, $0x3;
	s0 =	simm.s32 $0x9100;
	[dreg:$0x3] =	wrdreg s5;
	s7 =	sadd.s32 s2, s6  }
0x14: {  	v0 =	vand.u32 $0x7, v2;
	v2 =	vor.u32 $0x8, v2;
	v1 =	vmul.u32 $0x8, v1;
	s2 =	simm.s32 $0x9900;
	s5 =	simm.s32 $0xA100;
	s6 =	simm.s32 $0xA900  }
.LBB2_6:
0x15: {  	_ =	swait.ge [sflag:s22], $0x8000  }
0x16: {  	[sflag:s22] =	ssyncset.done $0x0  }
0x17: {  	s24 =	simm.s32 $0x6;
	[sflag:s22] =	ssyncadd.s32 $0xFFFF8000  }
0x18: {  	_ =	swait.ge [sflag:s24], $0x8000  }
0x19: {  	s25 =	rddreg [dreg:$0x6]  }
0x1a: {  	s23 =	rddreg [dreg:$0x4];
	s25 =	sadd.s32 $0x1, s25  }
0x1b: {  	p0 =	sne.s32 s25, s23  }
.Ltmp1:
0x1c: {  	_ = 	snop;
	(pc) =	sbr.rel @!p0 .LBB2_7-.Ltmp1, $3  }
0x1d: {  	_ =	sdelay $0x1  }
0x1e: {  	[sflag:s24] =	ssyncset.done $0x0  }
0x1f: {  	[sflag:s24] =	ssyncadd.s32 $0xFFFF8000  }
.LBB2_1:
0x20: {  	[dreg:$0x6] =	wrdreg s25  }
0x21: {  	s23 =	rddreg [dreg:$0x2]  }
0x22: {  	[tilespmem:s1], [sflag:$0x1] =	stream.linear.gather [hbm4b:s23+s1], $0x80, $0x38;
	[tilespmem:$0x10100] =	vst v63  }
0x23: {  	s26 =	rddreg [dreg:$0x3];
	s24 =	simm.s32 $0x80  }
0x24: {  	[tilespmem:s24], [sflag:$0x2] =	stream.linear.gather [hbm4b:s26+s1], $0x80, $0x38;
	[tilespmem:$0x10100] =	vst v63  }
0x25: {  	_ =	swait.ge [sflag:s11], $0x80  }
0x26: {  	[sflag:s11] =	ssyncset.done $0x0  }
0x27: {  	[sflag:s11] =	ssyncadd.s32 $0xFFFFFF80  }
0x28: {  	v3 =	vld [tilespmem:$0x0];
	_ =	sdelay $0x4  }
0x29: {  	v4 =	vshll.u32 v3, $0x1  }
0x2a: {  	v3 =	vand.u32 $0x7, v3;
	v4 =	vand.u32 $0xFFFFFFF0, v4  }
0x2b: {  	v3 =	vor.u32 v3, v4  }
0x2c: {  	v4 =	vperm.xlane v3, v0;
	_ =	sdelay $0x1  }
0x2d: {  	v3 =	vperm.xlane v3, v2;
	v4 =	vadd.s32 v1, v4;
	_ =	sdelay $0x1  }
0x2e: {  	v3 =	vadd.s32 v1, v3;
	_ =	sdelay $0x2  }
0x2f: {  	[tilespmem:s12], [sflag:$0x3] =	stream.indirect_vreg.gather [hbm4b:s3+s1], $0x80, v4, vm0, $0xb8;
	[tilespmem:$0x10100] =	vst v63  }
0x30: {  	s25 =	simm.s32 $0x900  }
0x31: {  	[tilespmem:s25], [sflag:$0x3] =	stream.indirect_vreg.gather [hbm4b:s3+s1], $0x80, v3, vm0, $0xb8;
	[tilespmem:$0x10100] =	vst v63  }
0x32: {  	v3 =	vld [tilespmem:$0x10];
	_ =	sdelay $0x4  }
0x33: {  	v57 =	vshll.u32 v3, $0x1  }
0x34: {  	v3 =	vand.u32 $0x7, v3;
	v4 =	vand.u32 $0xFFFFFFF0, v57  }
0x35: {  	v3 =	vor.u32 v3, v4  }
0x36: {  	v4 =	vperm.xlane v3, v0;
	_ =	sdelay $0x1  }
0x37: {  	v3 =	vperm.xlane v3, v2;
	v4 =	vadd.s32 v1, v4;
	_ =	sdelay $0x1  }
0x38: {  	v3 =	vadd.s32 v1, v3;
	_ =	sdelay $0x1  }
0x39: {  	s26 =	simm.s32 $0x1100  }
0x3a: {  	[tilespmem:s26], [sflag:$0x3] =	stream.indirect_vreg.gather [hbm4b:s3+s1], $0x80, v4, vm0, $0xb8;
	[tilespmem:$0x10100] =	vst v63  }
0x3b: {  	s24 =	simm.s32 $0x1900  }
0x3c: {  	[tilespmem:s24], [sflag:$0x3] =	stream.indirect_vreg.gather [hbm4b:s3+s1], $0x80, v3, vm0, $0xb8;
	[tilespmem:$0x10100] =	vst v63  }
0x3d: {  	v3 =	vld [tilespmem:$0x20];
	_ =	sdelay $0x4  }
0x3e: {  	v58 =	vshll.u32 v3, $0x1  }
0x3f: {  	v3 =	vand.u32 $0x7, v3;
	v4 =	vand.u32 $0xFFFFFFF0, v58  }
0x40: {  	v3 =	vor.u32 v3, v4  }
0x41: {  	v4 =	vperm.xlane v3, v0;
	_ =	sdelay $0x1  }
0x42: {  	v3 =	vperm.xlane v3, v2;
	v4 =	vadd.s32 v1, v4;
	_ =	sdelay $0x1  }
0x43: {  	v3 =	vadd.s32 v1, v3;
	_ =	sdelay $0x1  }
0x44: {  	s25 =	simm.s32 $0x2100  }
0x45: {  	[tilespmem:s25], [sflag:$0x3] =	stream.indirect_vreg.gather [hbm4b:s3+s1], $0x80, v4, vm0, $0xb8;
	[tilespmem:$0x10100] =	vst v63  }
0x46: {  	s26 =	simm.s32 $0x2900  }
0x47: {  	[tilespmem:s26], [sflag:$0x3] =	stream.indirect_vreg.gather [hbm4b:s3+s1], $0x80, v3, vm0, $0xb8;
	[tilespmem:$0x10100] =	vst v63  }
0x48: {  	v3 =	vld [tilespmem:$0x30];
	_ =	sdelay $0x4  }
0x49: {  	v59 =	vshll.u32 v3, $0x1  }
0x4a: {  	v3 =	vand.u32 $0x7, v3;
	v4 =	vand.u32 $0xFFFFFFF0, v59  }
0x4b: {  	v3 =	vor.u32 v3, v4  }
0x4c: {  	v4 =	vperm.xlane v3, v0;
	_ =	sdelay $0x1  }
0x4d: {  	v3 =	vperm.xlane v3, v2;
	v4 =	vadd.s32 v1, v4;
	_ =	sdelay $0x1  }
0x4e: {  	v3 =	vadd.s32 v1, v3;
	_ =	sdelay $0x1  }
0x4f: {  	s24 =	simm.s32 $0x3100  }
0x50: {  	[tilespmem:s24], [sflag:$0x3] =	stream.indirect_vreg.gather [hbm4b:s3+s1], $0x80, v4, vm0, $0xb8;
	[tilespmem:$0x10100] =	vst v63  }
0x51: {  	s25 =	simm.s32 $0x3900  }
0x52: {  	[tilespmem:s25], [sflag:$0x3] =	stream.indirect_vreg.gather [hbm4b:s3+s1], $0x80, v3, vm0, $0xb8;
	[tilespmem:$0x10100] =	vst v63  }
0x53: {  	v3 =	vld [tilespmem:$0x40];
	_ =	sdelay $0x4  }
0x54: {  	v60 =	vshll.u32 v3, $0x1  }
0x55: {  	v3 =	vand.u32 $0x7, v3;
	v4 =	vand.u32 $0xFFFFFFF0, v60  }
0x56: {  	v3 =	vor.u32 v3, v4  }
0x57: {  	v4 =	vperm.xlane v3, v0;
	_ =	sdelay $0x1  }
0x58: {  	v3 =	vperm.xlane v3, v2;
	v4 =	vadd.s32 v1, v4;
	_ =	sdelay $0x1  }
0x59: {  	v3 =	vadd.s32 v1, v3;
	_ =	sdelay $0x1  }
0x5a: {  	s26 =	simm.s32 $0x4100  }
0x5b: {  	[tilespmem:s26], [sflag:$0x3] =	stream.indirect_vreg.gather [hbm4b:s3+s1], $0x80, v4, vm0, $0xb8;
	[tilespmem:$0x10100] =	vst v63  }
0x5c: {  	s24 =	simm.s32 $0x4900  }
0x5d: {  	[tilespmem:s24], [sflag:$0x3] =	stream.indirect_vreg.gather [hbm4b:s3+s1], $0x80, v3, vm0, $0xb8;
	[tilespmem:$0x10100] =	vst v63  }
0x5e: {  	v3 =	vld [tilespmem:$0x50];
	_ =	sdelay $0x4  }
0x5f: {  	v61 =	vshll.u32 v3, $0x1  }
0x60: {  	v3 =	vand.u32 $0x7, v3;
	v4 =	vand.u32 $0xFFFFFFF0, v61  }
0x61: {  	v3 =	vor.u32 v3, v4  }
0x62: {  	v4 =	vperm.xlane v3, v0;
	_ =	sdelay $0x1  }
0x63: {  	v3 =	vperm.xlane v3, v2;
	v4 =	vadd.s32 v1, v4;
	_ =	sdelay $0x1  }
0x64: {  	v3 =	vadd.s32 v1, v3;
	_ =	sdelay $0x1  }
0x65: {  	s25 =	simm.s32 $0x5100  }
0x66: {  	[tilespmem:s25], [sflag:$0x3] =	stream.indirect_vreg.gather [hbm4b:s3+s1], $0x80, v4, vm0, $0xb8;
	[tilespmem:$0x10100] =	vst v63  }
0x67: {  	s26 =	simm.s32 $0x5900  }
0x68: {  	[tilespmem:s26], [sflag:$0x3] =	stream.indirect_vreg.gather [hbm4b:s3+s1], $0x80, v3, vm0, $0xb8;
	[tilespmem:$0x10100] =	vst v63  }
0x69: {  	v3 =	vld [tilespmem:$0x60];
	_ =	sdelay $0x4  }
0x6a: {  	v62 =	vshll.u32 v3, $0x1  }
0x6b: {  	v3 =	vand.u32 $0x7, v3;
	v4 =	vand.u32 $0xFFFFFFF0, v62  }
0x6c: {  	v3 =	vor.u32 v3, v4  }
0x6d: {  	v4 =	vperm.xlane v3, v0;
	_ =	sdelay $0x1  }
0x6e: {  	v3 =	vperm.xlane v3, v2;
	v4 =	vadd.s32 v1, v4;
	_ =	sdelay $0x1  }
0x6f: {  	v3 =	vadd.s32 v1, v3;
	_ =	sdelay $0x1  }
0x70: {  	s24 =	simm.s32 $0x6100  }
0x71: {  	[tilespmem:s24], [sflag:$0x3] =	stream.indirect_vreg.gather [hbm4b:s3+s1], $0x80, v4, vm0, $0xb8;
	[tilespmem:$0x10100] =	vst v63  }
0x72: {  	s25 =	simm.s32 $0x6900  }
0x73: {  	[tilespmem:s25], [sflag:$0x3] =	stream.indirect_vreg.gather [hbm4b:s3+s1], $0x80, v3, vm0, $0xb8;
	[tilespmem:$0x10100] =	vst v63  }
0x74: {  	v3 =	vld [tilespmem:$0x70];
	_ =	sdelay $0x4  }
0x75: {  	v63 =	vshll.u32 v3, $0x1  }
0x76: {  	v3 =	vand.u32 $0x7, v3;
	v4 =	vand.u32 $0xFFFFFFF0, v63  }
0x77: {  	v3 =	vor.u32 v3, v4  }
0x78: {  	v4 =	vperm.xlane v3, v0;
	_ =	sdelay $0x1  }
0x79: {  	v3 =	vperm.xlane v3, v2;
	v4 =	vadd.s32 v1, v4;
	_ =	sdelay $0x1  }
0x7a: {  	v3 =	vadd.s32 v1, v3  }
.Ltmp2:
0x7b: {  	_ = 	snop;
	(pc) =	sbr.rel .LBB2_2-.Ltmp2, $4  }
0x7c: {  	s26 =	simm.s32 $0x7100  }
0x7d: {  	[tilespmem:s26], [sflag:$0x3] =	stream.indirect_vreg.gather [hbm4b:s3+s1], $0x80, v4, vm0, $0xb8;
	[tilespmem:$0x10100] =	vst v63  }
0x7e: {  	s23 =	rddreg [dreg:$0x5];
	s24 =	simm.s32 $0x0  }
0x7f: {  	[tilespmem:s28], [sflag:$0x3] =	stream.indirect_vreg.gather [hbm4b:s3+s1], $0x80, v3, vm0, $0xb8;
	[tilespmem:$0x10100] =	vst v63  }
.LBB2_4:
0x80: {  	_ =	swait.ge [sflag:s11], $0x80  }
0x81: {  	[sflag:s11] =	ssyncset.done $0x0  }
0x82: {  	[sflag:s11] =	ssyncadd.s32 $0xFFFFFF80  }
0x83: {  	_ =	swait.ge [sflag:s22], $0x8000  }
0x84: {  	[sflag:s22] =	ssyncset.done $0x0  }
0x85: {  	[sflag:s22] =	ssyncadd.s32 $0xFFFF8000  }
0x86: {  	v3 =	vld [tilespmem:$0x0];
	_ =	sdelay $0x4  }
0x87: {  	v4 =	vshll.u32 v3, $0x1  }
0x88: {  	v3 =	vand.u32 $0x7, v3;
	v4 =	vand.u32 $0xFFFFFFF0, v4  }
0x89: {  	v3 =	vor.u32 v3, v4  }
0x8a: {  	v4 =	vperm.xlane v3, v0;
	_ =	sdelay $0x1  }
0x8b: {  	v3 =	vperm.xlane v3, v2;
	v4 =	vadd.s32 v1, v4;
	_ =	sdelay $0x1  }
0x8c: {  	v3 =	vadd.s32 v1, v3;
	_ =	sdelay $0x2  }
0x8d: {  	[tilespmem:s12], [sflag:$0x3] =	stream.indirect_vreg.gather [hbm4b:s3+s1], $0x80, v4, vm0, $0xb8;
	[tilespmem:$0x10100] =	vst v63  }
0x8e: {  	s25 =	simm.s32 $0x900  }
0x8f: {  	[tilespmem:s25], [sflag:$0x3] =	stream.indirect_vreg.gather [hbm4b:s3+s1], $0x80, v3, vm0, $0xb8;
	[tilespmem:$0x10100] =	vst v63  }
0x90: {  	v3 =	vld [tilespmem:$0x10];
	_ =	sdelay $0x4  }
0x91: {  	v57 =	vshll.u32 v3, $0x1  }
0x92: {  	v3 =	vand.u32 $0x7, v3;
	v4 =	vand.u32 $0xFFFFFFF0, v57  }
0x93: {  	v3 =	vor.u32 v3, v4  }
0x94: {  	v4 =	vperm.xlane v3, v0;
	_ =	sdelay $0x1  }
0x95: {  	v3 =	vperm.xlane v3, v2;
	v4 =	vadd.s32 v1, v4;
	_ =	sdelay $0x1  }
0x96: {  	v3 =	vadd.s32 v1, v3;
	_ =	sdelay $0x1  }
0x97: {  	s26 =	simm.s32 $0x1100  }
0x98: {  	[tilespmem:s26], [sflag:$0x3] =	stream.indirect_vreg.gather [hbm4b:s3+s1], $0x80, v4, vm0, $0xb8;
	[tilespmem:$0x10100] =	vst v63  }
0x99: {  	s26 =	simm.s32 $0x1900  }
0x9a: {  	[tilespmem:s26], [sflag:$0x3] =	stream.indirect_vreg.gather [hbm4b:s3+s1], $0x80, v3, vm0, $0xb8;
	[tilespmem:$0x10100] =	vst v63  }
0x9b: {  	v3 =	vld [tilespmem:$0x20];
	_ =	sdelay $0x4  }
0x9c: {  	v58 =	vshll.u32 v3, $0x1  }
0x9d: {  	v3 =	vand.u32 $0x7, v3;
	v4 =	vand.u32 $0xFFFFFFF0, v58  }
0x9e: {  	v3 =	vor.u32 v3, v4  }
0x9f: {  	v4 =	vperm.xlane v3, v0;
	_ =	sdelay $0x1  }
0xa0: {  	v3 =	vperm.xlane v3, v2;
	v4 =	vadd.s32 v1, v4;
	_ =	sdelay $0x1  }
0xa1: {  	v3 =	vadd.s32 v1, v3;
	_ =	sdelay $0x1  }
0xa2: {  	s26 =	simm.s32 $0x2100  }
0xa3: {  	[tilespmem:s26], [sflag:$0x3] =	stream.indirect_vreg.gather [hbm4b:s3+s1], $0x80, v4, vm0, $0xb8;
	[tilespmem:$0x10100] =	vst v63  }
0xa4: {  	s26 =	simm.s32 $0x2900  }
0xa5: {  	[tilespmem:s26], [sflag:$0x3] =	stream.indirect_vreg.gather [hbm4b:s3+s1], $0x80, v3, vm0, $0xb8;
	[tilespmem:$0x10100] =	vst v63  }
0xa6: {  	v3 =	vld [tilespmem:$0x30];
	_ =	sdelay $0x4  }
0xa7: {  	v59 =	vshll.u32 v3, $0x1  }
0xa8: {  	v3 =	vand.u32 $0x7, v3;
	v4 =	vand.u32 $0xFFFFFFF0, v59  }
0xa9: {  	v3 =	vor.u32 v3, v4  }
0xaa: {  	v4 =	vperm.xlane v3, v0;
	_ =	sdelay $0x1  }
0xab: {  	v3 =	vperm.xlane v3, v2;
	v4 =	vadd.s32 v1, v4;
	_ =	sdelay $0x1  }
0xac: {  	v3 =	vadd.s32 v1, v3;
	_ =	sdelay $0x1  }
0xad: {  	s26 =	simm.s32 $0x3100  }
0xae: {  	[tilespmem:s26], [sflag:$0x3] =	stream.indirect_vreg.gather [hbm4b:s3+s1], $0x80, v4, vm0, $0xb8;
	[tilespmem:$0x10100] =	vst v63  }
0xaf: {  	s26 =	simm.s32 $0x3900  }
0xb0: {  	[tilespmem:s26], [sflag:$0x3] =	stream.indirect_vreg.gather [hbm4b:s3+s1], $0x80, v3, vm0, $0xb8;
	[tilespmem:$0x10100] =	vst v63  }
0xb1: {  	v3 =	vld [tilespmem:$0x40];
	_ =	sdelay $0x4  }
0xb2: {  	v60 =	vshll.u32 v3, $0x1  }
0xb3: {  	v3 =	vand.u32 $0x7, v3;
	v4 =	vand.u32 $0xFFFFFFF0, v60  }
0xb4: {  	v3 =	vor.u32 v3, v4  }
0xb5: {  	v4 =	vperm.xlane v3, v0;
	_ =	sdelay $0x1  }
0xb6: {  	v3 =	vperm.xlane v3, v2;
	v4 =	vadd.s32 v1, v4;
	_ =	sdelay $0x1  }
0xb7: {  	v3 =	vadd.s32 v1, v3;
	_ =	sdelay $0x1  }
0xb8: {  	s26 =	simm.s32 $0x4100  }
0xb9: {  	[tilespmem:s26], [sflag:$0x3] =	stream.indirect_vreg.gather [hbm4b:s3+s1], $0x80, v4, vm0, $0xb8;
	[tilespmem:$0x10100] =	vst v63  }
0xba: {  	s26 =	simm.s32 $0x4900  }
0xbb: {  	[tilespmem:s26], [sflag:$0x3] =	stream.indirect_vreg.gather [hbm4b:s3+s1], $0x80, v3, vm0, $0xb8;
	[tilespmem:$0x10100] =	vst v63  }
0xbc: {  	v3 =	vld [tilespmem:$0x50];
	_ =	sdelay $0x4  }
0xbd: {  	v61 =	vshll.u32 v3, $0x1  }
0xbe: {  	v3 =	vand.u32 $0x7, v3;
	v4 =	vand.u32 $0xFFFFFFF0, v61  }
0xbf: {  	v3 =	vor.u32 v3, v4  }
0xc0: {  	v4 =	vperm.xlane v3, v0;
	_ =	sdelay $0x1  }
0xc1: {  	v3 =	vperm.xlane v3, v2;
	v4 =	vadd.s32 v1, v4;
	_ =	sdelay $0x1  }
0xc2: {  	v3 =	vadd.s32 v1, v3;
	_ =	sdelay $0x1  }
0xc3: {  	s26 =	simm.s32 $0x5100  }
0xc4: {  	[tilespmem:s26], [sflag:$0x3] =	stream.indirect_vreg.gather [hbm4b:s3+s1], $0x80, v4, vm0, $0xb8;
	[tilespmem:$0x10100] =	vst v63  }
0xc5: {  	s26 =	simm.s32 $0x5900  }
0xc6: {  	[tilespmem:s26], [sflag:$0x3] =	stream.indirect_vreg.gather [hbm4b:s3+s1], $0x80, v3, vm0, $0xb8;
	[tilespmem:$0x10100] =	vst v63  }
0xc7: {  	v3 =	vld [tilespmem:$0x60];
	_ =	sdelay $0x4  }
0xc8: {  	v62 =	vshll.u32 v3, $0x1  }
0xc9: {  	v3 =	vand.u32 $0x7, v3;
	v4 =	vand.u32 $0xFFFFFFF0, v62  }
0xca: {  	v3 =	vor.u32 v3, v4  }
0xcb: {  	v4 =	vperm.xlane v3, v0;
	_ =	sdelay $0x1  }
0xcc: {  	v3 =	vperm.xlane v3, v2;
	v4 =	vadd.s32 v1, v4;
	_ =	sdelay $0x1  }
0xcd: {  	v3 =	vadd.s32 v1, v3;
	_ =	sdelay $0x1  }
0xce: {  	s26 =	simm.s32 $0x6100  }
0xcf: {  	[tilespmem:s26], [sflag:$0x3] =	stream.indirect_vreg.gather [hbm4b:s3+s1], $0x80, v4, vm0, $0xb8;
	[tilespmem:$0x10100] =	vst v63  }
0xd0: {  	s26 =	simm.s32 $0x6900  }
0xd1: {  	[tilespmem:s26], [sflag:$0x3] =	stream.indirect_vreg.gather [hbm4b:s3+s1], $0x80, v3, vm0, $0xb8;
	[tilespmem:$0x10100] =	vst v63  }
0xd2: {  	v3 =	vld [tilespmem:$0x70];
	_ =	sdelay $0x4  }
0xd3: {  	v63 =	vshll.u32 v3, $0x1  }
0xd4: {  	v3 =	vand.u32 $0x7, v3;
	v4 =	vand.u32 $0xFFFFFFF0, v63  }
0xd5: {  	v3 =	vor.u32 v3, v4  }
0xd6: {  	v4 =	vperm.xlane v3, v0;
	_ =	sdelay $0x1  }
0xd7: {  	v3 =	vperm.xlane v3, v2;
	v4 =	vadd.s32 v1, v4;
	_ =	sdelay $0x1  }
0xd8: {  	v3 =	vadd.s32 v1, v3;
	_ =	sdelay $0x1  }
0xd9: {  	s26 =	simm.s32 $0x7100  }
0xda: {  	[tilespmem:s26], [sflag:$0x3] =	stream.indirect_vreg.gather [hbm4b:s3+s1], $0x80, v4, vm0, $0xb8;
	[tilespmem:$0x10100] =	vst v63  }
0xdb: {  	_ = 	snop  }
0xdc: {  	[tilespmem:s28], [sflag:$0x3] =	stream.indirect_vreg.gather [hbm4b:s3+s1], $0x80, v3, vm0, $0xb8;
	[tilespmem:$0x10100] =	vst v63  }
0xdd: {  	_ =	swait.ge [sflag:s21], $0x8000  }
0xde: {  	[sflag:s21] =	ssyncset.done $0x0  }
0xdf: {  	s25 =	sadd.s32 s24, s7;
	s26 =	simm.s32 $0x80;
	[sflag:s21] =	ssyncadd.s32 $0xFFFF8000  }
0xe0: {  	[tilespmem:s26], [sflag:$0x2] =	stream.linear.gather [hbm4b:s25+s1], $0x80, $0x38;
	[tilespmem:$0x10100] =	vst v63  }
.LBB2_5:
0xe1: {  	s24 =	sadd.s32 $0x20, s24  }
0xe2: {  	p0 =	sne.s32 s24, $0x400  }
.Ltmp3:
0xe3: {  	_ = 	snop;
	(pc) =	sbr.rel @!p0 .LBB2_6-.Ltmp3, $3  }
0xe4: {  	_ =	sdelay $0x1  }
0xe5: {  	[hbm4b:s23+s1] =	stream.linear.scatter [tilespmem:s30], [sflag:$0x6], $0x8000, $0x38;
	[tilespmem:$0x10100] =	vst v63  }
0xe6: {  	s23 =	sadd.s32 $0x2000, s23  }
.LBB2_2:
0xe7: {  	_ =	swait.ge [sflag:s29], $0x80  }
0xe8: {  	p0 =	seq.s32 s24, $0x0;
	[sflag:s29] =	ssyncset.done $0x0  }
0xe9: {  	s25 =	simm.s32 @!p0 $0x6;
	[sflag:s29] =	ssyncadd.s32 $0xFFFFFF80  }
0xea: {  	_ =	swait.ge @!p0 [sflag:s25], $0x8000  }
0xeb: {  	[sflag:s25] =	ssyncset.done @!p0 $0x0  }
0xec: {  	[sflag:s25] =	ssyncadd.s32 @!p0 $0xFFFF8000  }
0xed: {  	v3 =	vld [tilespmem:$0x80];
	_ =	sdelay $0x4  }
0xee: {  	v4 =	vshll.u32 v3, $0x1  }
0xef: {  	v3 =	vand.u32 $0x7, v3;
	v4 =	vand.u32 $0xFFFFFFF0, v4  }
0xf0: {  	v3 =	vor.u32 v3, v4  }
0xf1: {  	v4 =	vperm.xlane v3, v0;
	_ =	sdelay $0x1  }
0xf2: {  	v3 =	vperm.xlane v3, v2;
	v4 =	vadd.s32 v1, v4;
	_ =	sdelay $0x1  }
0xf3: {  	v3 =	vadd.s32 v1, v3;
	_ =	sdelay $0x2  }
0xf4: {  	[tilespmem:s30], [sflag:$0x4] =	stream.indirect_vreg.gather [hbm4b:s3+s1], $0x80, v4, vm0, $0xb8;
	[tilespmem:$0x10100] =	vst v63  }
0xf5: {  	_ = 	snop  }
0xf6: {  	[tilespmem:s31], [sflag:$0x4] =	stream.indirect_vreg.gather [hbm4b:s3+s1], $0x80, v3, vm0, $0xb8;
	[tilespmem:$0x10100] =	vst v63  }
0xf7: {  	v3 =	vld [tilespmem:$0x90];
	_ =	sdelay $0x4  }
0xf8: {  	v57 =	vshll.u32 v3, $0x1  }
0xf9: {  	v3 =	vand.u32 $0x7, v3;
	v4 =	vand.u32 $0xFFFFFFF0, v57  }
0xfa: {  	v3 =	vor.u32 v3, v4  }
0xfb: {  	v4 =	vperm.xlane v3, v0;
	_ =	sdelay $0x1  }
0xfc: {  	v3 =	vperm.xlane v3, v2;
	v4 =	vadd.s32 v1, v4;
	_ =	sdelay $0x1  }
0xfd: {  	v3 =	vadd.s32 v1, v3;
	_ =	sdelay $0x2  }
0xfe: {  	[tilespmem:s0], [sflag:$0x4] =	stream.indirect_vreg.gather [hbm4b:s3+s1], $0x80, v4, vm0, $0xb8;
	[tilespmem:$0x10100] =	vst v63  }
0xff: {  	_ = 	snop  }
0x100: {  	[tilespmem:s2], [sflag:$0x4] =	stream.indirect_vreg.gather [hbm4b:s3+s1], $0x80, v3, vm0, $0xb8;
	[tilespmem:$0x10100] =	vst v63  }
0x101: {  	v3 =	vld [tilespmem:$0xA0];
	_ =	sdelay $0x4  }
0x102: {  	v58 =	vshll.u32 v3, $0x1  }
0x103: {  	v3 =	vand.u32 $0x7, v3;
	v4 =	vand.u32 $0xFFFFFFF0, v58  }
0x104: {  	v3 =	vor.u32 v3, v4  }
0x105: {  	v4 =	vperm.xlane v3, v0;
	_ =	sdelay $0x1  }
0x106: {  	v3 =	vperm.xlane v3, v2;
	v4 =	vadd.s32 v1, v4;
	_ =	sdelay $0x1  }
0x107: {  	v3 =	vadd.s32 v1, v3;
	_ =	sdelay $0x2  }
0x108: {  	[tilespmem:s5], [sflag:$0x4] =	stream.indirect_vreg.gather [hbm4b:s3+s1], $0x80, v4, vm0, $0xb8;
	[tilespmem:$0x10100] =	vst v63  }
0x109: {  	_ = 	snop  }
0x10a: {  	[tilespmem:s6], [sflag:$0x4] =	stream.indirect_vreg.gather [hbm4b:s3+s1], $0x80, v3, vm0, $0xb8;
	[tilespmem:$0x10100] =	vst v63  }
0x10b: {  	v3 =	vld [tilespmem:$0xB0];
	_ =	sdelay $0x4  }
0x10c: {  	v59 =	vshll.u32 v3, $0x1  }
0x10d: {  	v3 =	vand.u32 $0x7, v3;
	v4 =	vand.u32 $0xFFFFFFF0, v59  }
0x10e: {  	v3 =	vor.u32 v3, v4  }
0x10f: {  	v4 =	vperm.xlane v3, v0;
	_ =	sdelay $0x1  }
0x110: {  	v3 =	vperm.xlane v3, v2;
	v4 =	vadd.s32 v1, v4;
	_ =	sdelay $0x1  }
0x111: {  	v3 =	vadd.s32 v1, v3;
	_ =	sdelay $0x2  }
0x112: {  	[tilespmem:s4], [sflag:$0x4] =	stream.indirect_vreg.gather [hbm4b:s3+s1], $0x80, v4, vm0, $0xb8;
	[tilespmem:$0x10100] =	vst v63  }
0x113: {  	_ = 	snop  }
0x114: {  	[tilespmem:s8], [sflag:$0x4] =	stream.indirect_vreg.gather [hbm4b:s3+s1], $0x80, v3, vm0, $0xb8;
	[tilespmem:$0x10100] =	vst v63  }
0x115: {  	v3 =	vld [tilespmem:$0xC0];
	_ =	sdelay $0x4  }
0x116: {  	v60 =	vshll.u32 v3, $0x1  }
0x117: {  	v3 =	vand.u32 $0x7, v3;
	v4 =	vand.u32 $0xFFFFFFF0, v60  }
0x118: {  	v3 =	vor.u32 v3, v4  }
0x119: {  	v4 =	vperm.xlane v3, v0;
	_ =	sdelay $0x1  }
0x11a: {  	v3 =	vperm.xlane v3, v2;
	v4 =	vadd.s32 v1, v4;
	_ =	sdelay $0x1  }
0x11b: {  	v3 =	vadd.s32 v1, v3;
	_ =	sdelay $0x2  }
0x11c: {  	[tilespmem:s10], [sflag:$0x4] =	stream.indirect_vreg.gather [hbm4b:s3+s1], $0x80, v4, vm0, $0xb8;
	[tilespmem:$0x10100] =	vst v63  }
0x11d: {  	_ = 	snop  }
0x11e: {  	[tilespmem:s13], [sflag:$0x4] =	stream.indirect_vreg.gather [hbm4b:s3+s1], $0x80, v3, vm0, $0xb8;
	[tilespmem:$0x10100] =	vst v63  }
0x11f: {  	v3 =	vld [tilespmem:$0xD0];
	_ =	sdelay $0x4  }
0x120: {  	v61 =	vshll.u32 v3, $0x1  }
0x121: {  	v3 =	vand.u32 $0x7, v3;
	v4 =	vand.u32 $0xFFFFFFF0, v61  }
0x122: {  	v3 =	vor.u32 v3, v4  }
0x123: {  	v4 =	vperm.xlane v3, v0;
	_ =	sdelay $0x1  }
0x124: {  	v3 =	vperm.xlane v3, v2;
	v4 =	vadd.s32 v1, v4;
	_ =	sdelay $0x1  }
0x125: {  	v3 =	vadd.s32 v1, v3;
	_ =	sdelay $0x2  }
0x126: {  	[tilespmem:s14], [sflag:$0x4] =	stream.indirect_vreg.gather [hbm4b:s3+s1], $0x80, v4, vm0, $0xb8;
	[tilespmem:$0x10100] =	vst v63  }
0x127: {  	_ = 	snop  }
0x128: {  	[tilespmem:s15], [sflag:$0x4] =	stream.indirect_vreg.gather [hbm4b:s3+s1], $0x80, v3, vm0, $0xb8;
	[tilespmem:$0x10100] =	vst v63  }
0x129: {  	v3 =	vld [tilespmem:$0xE0];
	_ =	sdelay $0x4  }
0x12a: {  	v62 =	vshll.u32 v3, $0x1  }
0x12b: {  	v3 =	vand.u32 $0x7, v3;
	v4 =	vand.u32 $0xFFFFFFF0, v62  }
0x12c: {  	v3 =	vor.u32 v3, v4  }
0x12d: {  	v4 =	vperm.xlane v3, v0;
	_ =	sdelay $0x1  }
0x12e: {  	v3 =	vperm.xlane v3, v2;
	v4 =	vadd.s32 v1, v4;
	_ =	sdelay $0x1  }
0x12f: {  	v3 =	vadd.s32 v1, v3;
	_ =	sdelay $0x2  }
0x130: {  	[tilespmem:s16], [sflag:$0x4] =	stream.indirect_vreg.gather [hbm4b:s3+s1], $0x80, v4, vm0, $0xb8;
	[tilespmem:$0x10100] =	vst v63  }
0x131: {  	_ = 	snop  }
0x132: {  	[tilespmem:s17], [sflag:$0x4] =	stream.indirect_vreg.gather [hbm4b:s3+s1], $0x80, v3, vm0, $0xb8;
	[tilespmem:$0x10100] =	vst v63  }
0x133: {  	v3 =	vld [tilespmem:$0xF0];
	_ =	sdelay $0x4  }
0x134: {  	v63 =	vshll.u32 v3, $0x1  }
0x135: {  	v3 =	vand.u32 $0x7, v3;
	v4 =	vand.u32 $0xFFFFFFF0, v63  }
0x136: {  	v3 =	vor.u32 v3, v4  }
0x137: {  	v4 =	vperm.xlane v3, v0;
	_ =	sdelay $0x1  }
0x138: {  	v3 =	vperm.xlane v3, v2;
	v4 =	vadd.s32 v1, v4;
	_ =	sdelay $0x1  }
0x139: {  	v3 =	vadd.s32 v1, v3;
	_ =	sdelay $0x2  }
0x13a: {  	[tilespmem:s18], [sflag:$0x4] =	stream.indirect_vreg.gather [hbm4b:s3+s1], $0x80, v4, vm0, $0xb8;
	[tilespmem:$0x10100] =	vst v63  }
0x13b: {  	_ = 	snop  }
0x13c: {  	[tilespmem:s19], [sflag:$0x4] =	stream.indirect_vreg.gather [hbm4b:s3+s1], $0x80, v3, vm0, $0xb8;
	[tilespmem:$0x10100] =	vst v63  }
0x13d: {  	_ =	swait.ge [sflag:s20], $0x8000  }
0x13e: {  	p0 =	seq.s32 s24, $0x3E0;
	[sflag:s20] =	ssyncset.done $0x0  }
0x13f: {  	s25 =	sadd.s32 @!p0 s24, s9;
	s26 =	simm.s32 @!p0 $0x0;
	[sflag:s20] =	ssyncadd.s32 $0xFFFF8000  }
0x140: {  	[tilespmem:s26], [sflag:$0x1] =	stream.linear.gather @!p0 [hbm4b:s25+s26], $0x80, $0x38;
	[tilespmem:$0x10100] =	vst v63  }
0x141: {  	p0 =	sne.s32 s24, $0x3E0  }
.Ltmp4:
0x142: {  	_ = 	snop;
	(pc) =	sbr.rel @p0 .LBB2_4-.Ltmp4, $3  }
0x143: {  	_ =	sdelay $0x1  }
0x144: {  	s26 =	sadd.s32 $0xFFFFF000, s23  }
0x145: {  	[hbm4b:s26+s1] =	stream.linear.scatter [tilespmem:s12], [sflag:$0x5], $0x8000, $0x38;
	[tilespmem:$0x10100] =	vst v63  }
.Ltmp5:
0x146: {  	(pc) =	sbr.rel .LBB2_5-.Ltmp5, $4  }
0x147: {  	_ = 	snop  }
0x148: {  	_ =	swait.ge [sflag:s21], $0x8000  }
0x149: {  	[sflag:s21] =	ssyncset.done $0x0  }
0x14a: {  	[sflag:s21] =	ssyncadd.s32 $0xFFFF8000  }
.LBB2_7:
0x14b: {  	_ =	sfence.sel $0x180000  }
0x14c: {  	[bflag:$0x0] =	sbarrier.arrive $0xFFFF  }
0x14d: {  	_ =	strace $0x9000004D  }
0x14e: {  	s0 =	stileid.u32;
	[bflag:$0x2] =	sbarrier.arrive $0xFFFF  }
0x14f: {  	p0 =	sne.s32 s0, $0x0;
	s0 =	rddreg [dreg:$0x1]  }
0x150: {  	s0 =	sadd.s32 @!p0 $0x100000, s0  }
0x151: {  	[sflag:s0] =	ssyncadd.tile.s32 @!p0 $0x1;
	_ =	shalt  }
.Lfunc_end2:
_tile_overlayer_lowered:
.L_overlay_start_2:
0x152: {  	(tag) =	ssettag $0x2  }
0x153: {  	s0 =	rddreg [dreg:$0x0];
	s2 =	stileid.u32  }
0x154: {  	s1 =	rddreg [dreg:$0x1];
	p0 =	sne.s32 s2, $0x0  }
0x155: {  	s3 =	rddreg [dreg:$0x2];
	[bflag:$0x3] =	sbarrier.arrive $0xFFFF;
	s2 =	simm.s32 @!p0 $0x1C07  }
0x156: {  	[timem:s3], [sflag:s2] =	dma.local @!p0 [hbm:s0], s1  }
0x157: {  	s0 =	simm.s32 @!p0 $0x7  }
0x158: {  	_ =	swait.ge @!p0 [sflag:s0], s1  }
0x159: {  	s1 =	ssub.s32 @!p0 $0x0, s1;
	[sflag:s0] =	ssyncset.done @!p0 $0x0  }
0x15a: {  	[sflag:s0] =	ssyncadd.s32 @!p0 s1  }
0x15b: {  	[bflag:$0x3] =	sbarrier.arrive $0xFFFF  }
0x15c: {  	_ =	shalt  }

// kernel: kernel.30.cloned.1.call-start
scs
__scs_entry_jumppad:
0x0: {  	(pc) =	sbr.rel $0x88, $3  }
0x1: {  	(tag) =	ssettag $0x0;
	lr =	simm.s32 $0x1  }
0x2: {  	[smem:$0x3F86] =	sst lr;
	_ =	strace $0xD0000000  }
0x3: {  	_ = 	snop  }
0x4: {  	_ = 	snop  }
0x5: {  	_ = 	snop  }
0x6: {  	_ = 	snop  }
0x7: {  	_ = 	snop  }
__scs_overlays_trampoline_lowered:
0x8: {  	[smem:$0x3F95] =	sst s0  }
0x9: {  	[smem:$0x3F96] =	sst s1  }
0xa: {  	[smem:$0x3F97] =	sst s2  }
0xb: {  	[smem:$0x3F98] =	sst s3  }
0xc: {  	[smem:$0x3F99] =	sst s4  }
0xd: {  	[smem:$0x3F9A] =	sst s5  }
0xe: {  	[smem:$0x3F9B] =	sst s6  }
0xf: {  	[smem:$0x3F9C] =	sst s7  }
0x10: {  	[smem:$0x3F9D] =	sst s8  }
0x11: {  	[smem:$0x3F9E] =	sst s9;
	s0 =	simm.s32 @!p0 $0x0  }
0x12: {  	s1 =	sld [smem:$0x3F84];
	s0 =	simm.s32 @p0 $0x1  }
0x13: {  	[smem:$0x3F9F] =	sst s0;
	s0 =	simm.s32 @!p1 $0x0  }
0x14: {  	s2 =	sld [smem:$0x3F83];
	s0 =	simm.s32 @p1 $0x1  }
0x15: {  	[smem:$0x3FA0] =	sst s0;
	s0 =	simm.s32 @!p2 $0x0  }
0x16: {  	s3 =	sld [smem:$0x3FDB];
	s0 =	simm.s32 @p2 $0x1  }
0x17: {  	s4 =	simm.s32 $0x1BF5;
	[smem:$0x3FA2] =	sst s0  }
0x18: {  	s0 =	sld [smem:$0x3F85];
	_ =	swait.ge [sflag:s4], $0x0  }
0x19: {  	s7 =	sld [smem:$0x3F86]  }
0x1a: {  	s8 =	sadd.s32 $0xFFFFE003, lr  }
0x1b: {  	s9 =	sadd.s32 $0xFFFFFEF7, lr;
	s5 =	simm.s32 $0xFFFFFFFF;
	p2 =	slt.u32 s8, $0xFFFFF086  }
0x1c: {  	p1 =	slt.u32 s9, $0xF7A;
	s5 =	simm.s32 @!p2 $0x0  }
0x1d: {  	s5 =	simm.s32 @p1 $0x1;
	p0 =	seq.s32 s7, s2  }
0x1e: {  	s7 =	smul.u32 @!p0 $0xF7A, s2;
	p2 =	seq.s32 @!p0 s5, $0x0  }
0x1f: {  	s9 =	smul.u32 $0xF7A, s1;
	s8 =	simm.s32 @!p0 $0x1BF5;
	p2 =	por !p2, p0  }
0x20: {  	[sflag:s8] =	ssyncset.s32 @!p0 $0xFFFFF086;
	s6 =	sadd.s32 @!p0 s3, s7;
	s7 =	simm.s32 @!p0 $0x108  }
0x21: {  	s3 =	sadd.s32 s3, s9;
	s6 =	sadd.s32 @!p0 $0x88, s6;
	s7 =	simm.s32 @p2 $0x1082  }
0x22: {  	[simem:s7], [sflag:s8] =	dma.local @!p0 [hbm:s6], $0xF7A  }
0x23: {  	s9 =	sor.u32 $0xD0000000, s2;
	s6 =	simm.s32 $0x108;
	_ =	swait.ge @!p0 [sflag:s8], $0x0  }
0x24: {  	s3 =	sadd.s32 $0x88, s3;
	s6 =	simm.s32 @!p1 $0x1082;
	[sflag:s4] =	ssyncset.s32 $0xFFFFF086  }
0x25: {  	[simem:s6], [sflag:s4] =	dma.local [hbm:s3], $0xF7A  }
0x26: {  	[smem:$0x3F86] =	sst s1;
	(tag) =	ssettag s2;
	_ =	strace s9  }
0x27: {  	s1 =	sld [smem:$0x3F96]  }
0x28: {  	s2 =	sld [smem:$0x3F97]  }
0x29: {  	s4 =	sld [smem:$0x3F99]  }
0x2a: {  	p0 =	seq.s32 s5, $0x0;
	s5 =	sld [smem:$0x3F9A]  }
0x2b: {  	s6 =	sld [smem:$0x3F9B]  }
0x2c: {  	s7 =	sld [smem:$0x3F9C]  }
0x2d: {  	s3 =	simm.s32 $0x108;
	s8 =	sld [smem:$0x3F9D]  }
0x2e: {  	s3 =	simm.s32 @!p0 $0x1082;
	s9 =	sld [smem:$0x3F9E]  }
0x2f: {  	lr =	sadd.s32 s0, s3;
	s0 =	sld [smem:$0x3F95]  }
0x30: {  	s3 =	sld [smem:$0x3F98]  }
0x31: {  	[smem:$0x3FA1] =	sst s10  }
0x32: {  	s10 =	sld [smem:$0x3F9F];
	_ =	sdelay $0x3  }
0x33: {  	p0 =	seq.s32 s10, $0x1;
	s10 =	sld [smem:$0x3FA1];
	_ =	sdelay $0x3  }
0x34: {  	[smem:$0x3FA1] =	sst s10  }
0x35: {  	s10 =	sld [smem:$0x3FA0];
	_ =	sdelay $0x3  }
0x36: {  	p1 =	seq.s32 s10, $0x1;
	s10 =	sld [smem:$0x3FA1];
	_ =	sdelay $0x3  }
0x37: {  	[smem:$0x3FA1] =	sst s10  }
0x38: {  	s10 =	sld [smem:$0x3FA2]  }
0x39: {  	_ = 	snop;
	(pc) =	sbr.ind lr, $3  }
0x3a: {  	_ = 	snop  }
0x3b: {  	_ = 	snop  }
0x3c: {  	p2 =	seq.s32 s10, $0x1;
	s10 =	sld [smem:$0x3FA1]  }
0x3d: {  	_ =	shalt  }
0x3e: {  	_ =	shalt  }
0x3f: {  	_ =	shalt  }
0x40: {  	_ =	shalt  }
0x41: {  	_ =	shalt  }
0x42: {  	_ =	shalt  }
0x43: {  	_ =	shalt  }
0x44: {  	_ =	shalt  }
0x45: {  	_ =	shalt  }
0x46: {  	_ =	shalt  }
0x47: {  	_ =	shalt  }
0x48: {  	_ =	shalt  }
0x49: {  	_ =	shalt  }
0x4a: {  	_ =	shalt  }
0x4b: {  	_ =	shalt  }
0x4c: {  	_ =	shalt  }
0x4d: {  	_ =	shalt  }
0x4e: {  	_ =	shalt  }
0x4f: {  	_ =	shalt  }
0x50: {  	_ =	shalt  }
0x51: {  	_ =	shalt  }
0x52: {  	_ =	shalt  }
0x53: {  	_ =	shalt  }
0x54: {  	_ =	shalt  }
0x55: {  	_ =	shalt  }
0x56: {  	_ =	shalt  }
0x57: {  	_ =	shalt  }
0x58: {  	_ =	shalt  }
0x59: {  	_ =	shalt  }
0x5a: {  	_ =	shalt  }
0x5b: {  	_ =	shalt  }
0x5c: {  	_ =	shalt  }
0x5d: {  	_ =	shalt  }
0x5e: {  	_ =	shalt  }
0x5f: {  	_ =	shalt  }
0x60: {  	_ =	shalt  }
0x61: {  	_ =	shalt  }
0x62: {  	_ =	shalt  }
0x63: {  	_ =	shalt  }
0x64: {  	_ =	shalt  }
0x65: {  	_ =	shalt  }
0x66: {  	_ =	shalt  }
0x67: {  	_ =	shalt  }
0x68: {  	_ =	shalt  }
0x69: {  	_ =	shalt  }
0x6a: {  	_ =	shalt  }
0x6b: {  	_ =	shalt  }
0x6c: {  	_ =	shalt  }
0x6d: {  	_ =	shalt  }
0x6e: {  	_ =	shalt  }
0x6f: {  	_ =	shalt  }
0x70: {  	_ =	shalt  }
0x71: {  	_ =	shalt  }
0x72: {  	_ =	shalt  }
0x73: {  	_ =	shalt  }
0x74: {  	_ =	shalt  }
0x75: {  	_ =	shalt  }
0x76: {  	_ =	shalt  }
0x77: {  	_ =	shalt  }
0x78: {  	_ =	shalt  }
0x79: {  	_ =	shalt  }
0x7a: {  	_ =	shalt  }
0x7b: {  	_ =	shalt  }
0x7c: {  	_ =	shalt  }
0x7d: {  	_ =	shalt  }
0x7e: {  	_ =	shalt  }
0x7f: {  	_ =	shalt  }
0x80: {  	_ =	shalt  }
0x81: {  	_ =	shalt  }
0x82: {  	_ =	shalt  }
0x83: {  	_ =	shalt  }
0x84: {  	_ =	shalt  }
0x85: {  	_ =	shalt  }
0x86: {  	_ =	shalt  }
0x87: {  	_ =	shalt  }
.Lfunc_end0:
.L_simem_size_0:
called_computation.3_lowered:
.L_overlay_start_0:
0x88: {  	s2 =	sld [smem:$0x3FD9]  }
0x89: {  	s3 =	sld [smem:$0x3FFE];
	_ =	sdelay $0x1  }
0x8a: {  	s1 =	srdreg.scid  }
0x8b: {  	s0 =	sand.u32 $0x1, s1  }
0x8c: {  	s16 =	sshll.u32 s0, $0xA;
	s2 =	sadd.s32 s3, s2  }
0x8d: {  	s2 =	sadd.s32 s2, s16  }
0x8e: {  	[smem:$0x3FAD] =	sst s2  }
0x8f: {  	_ = 	snop  }
0x90: {  	(tm) =	ssettm $0x1  }
0x91: {  	s17 =	sld [smem:$0x3FFB];
	_ =	sdelay $0x3  }
0x92: {  	_ =	strace s17  }
0x93: {  	s2 =	sld [smem:$0x3FFC];
	_ =	sdelay $0x3  }
0x94: {  	_ =	strace s2  }
0x95: {  	s2 =	sld [smem:$0x3FFD];
	_ =	sdelay $0x3  }
0x96: {  	_ =	strace s2  }
0x97: {  	_ =	strace $0x8FFFFFFF  }
0x98: {  	s18 =	sld [smem:$0x3FDB];
	_ =	sdelay $0x1  }
0x99: {  	s19 =	simm.s32 $_scs_section_size  }
0x9a: {  	s4 =	simm.s32 $_size__tile_overlayer_lowered;
	s5 =	simm.s32 $_tile_overlayer_lowered  }
0x9b: {  	s22 =	simm.s32 $0x1BFF;
	s21 =	sshll.u32 s5, $0x1;
	s2 =	sadd.s32 s19, s18  }
0x9c: {  	s6 =	simm.s32 $0x0;
	s20 =	sshll.u32 s4, $0x1;
	s4 =	sadd.s32 s21, s2  }
0x9d: {  	[timem:s6], [sflag:s22] =	dma.local [hbm:s4], s20  }
0x9e: {  	_ =	swait.ge [sflag:s22], s20  }
0x9f: {  	s3 =	ssub.s32 $0x0, s20;
	[sflag:s22] =	ssyncset.done $0x0  }
0xa0: {  	[sflag:s22] =	ssyncadd.s32 s3;
	_ =	sdelay $0x1  }
0xa1: {  	s23 =	simm.s32 $0x1B8B  }
0xa2: {  	_ =	swait.ge [sflag:s23], $0x1  }
0xa3: {  	[sflag:s23] =	ssyncset.done $0x0  }
0xa4: {  	s25 =	simm.s32 $0x1B8E;
	s24 =	sld [smem:$0x3FFE];
	[sflag:s23] =	ssyncadd.s32 $0xFFFFFFFF  }
0xa5: {  	s26 =	simm.s32 $execute0_lowered;
	[smem:$0x3FD2] =	sst s25  }
0xa6: {  	s4 =	sshll.u32 s26, $0x1;
	_ =	strace $0x8000004F;
	[dreg:$0x1] =	wrdreg $0xFFFFFFFF  }
0xa7: {  	s28 =	simm.s32 $_size_execute0_lowered;
	s2 =	sadd.s32 s2, s4;
	[dreg:$0x0] =	wrdreg $0x0  }
0xa8: {  	s4 =	sshll.u32 s28, $0x1;
	[dreg:$0x2] =	wrdreg s2  }
0xa9: {  	[dreg:$0x3] =	wrdreg s4  }
0xaa: {  	[dreg:$0x4] =	wrdreg $0xC0  }
0xab: {  	_ =	task [dreg:s6], $0x5FFFF  }
0xac: {  	[dreg:$0x1] =	wrdreg $0xFFFFFFFF  }
0xad: {  	[dreg:$0x0] =	wrdreg $0x60  }
0xae: {  	[dreg:$0x2] =	wrdreg s24  }
0xaf: {  	[dreg:$0x3] =	wrdreg $0x9  }
0xb0: {  	_ =	task.clear_ibuf [dreg:s6], $0x4FFFF;
	_ =	strace $0x9000004F  }
0xb1: {  	s29 =	simm.s32 $0x9;
	_ =	strace $0x80000051  }
0xb2: {  	_ =	swait.ge [sflag:s29], $0x1  }
0xb3: {  	[sflag:s29] =	ssyncadd.s32 $0xFFFFFFFF  }
0xb4: {  	_ =	strace $0x90000051  }
0xb5: {  	_ =	sfence  }
0xb6: {  	s30 =	sld [smem:$0x0];
	_ =	sdelay $0x2  }
0xb7: {  	s31 =	sshll.u32 s1, $0xD;
	s1 =	sshrl.u32 s1, $0x2  }
0xb8: {  	s3 =	sand.u32 $0x4000, s31;
	s1 =	sadd.s32 s1, s30  }
0xb9: {  	s0 =	sor.u32 s3, s0;
	s1 =	sshll.u32 s1, $0x11  }
0xba: {  	s0 =	sor.u32 s1, s0  }
0xbb: {  	s0 =	sadd.s32 $0x8F2B, s0  }
0xbc: {  	[sflag:s0] =	ssyncadd.remote.s32 $0x1  }
0xbd: {  	_ =	sfence.sel $0xFFFF  }
0xbe: {  	[dreg:$0x0] =	wrdreg $0xFFFFFFFF;
	(pc) =	sbr.abs _section_cstart, $3  }
0xbf: {  	[dreg:$0x1] =	wrdreg $0xFFFFFFFF  }
0xc0: {  	_ =	task.clear_ibuf [dreg:s6], $0x2FFFF;
	_ =	strace $0x9FFFFFFF  }
0xc1: {  	(tm) =	ssettm $0x7FFFFFFF  }
tec
execute0_lowered:
.L_overlay_start_1:
0x0: {  	(tag) =	ssettag $0x1  }
0x1: {  	s0 =	rddreg [dreg:$0x0];
	s1 =	simm.s32 $0x0  }
0x2: {  	s2 =	srdreg.scid;
	s9 =	stileid.u32;
	s11 =	simm.s32 $0x1  }
0x3: {  	s12 =	simm.s32 $0x100;
	s28 =	simm.s32 $0x7900;
	s29 =	simm.s32 $0x2  }
0x4: {  	s30 =	simm.s32 $0x8100;
	s31 =	simm.s32 $0x8900;
	s10 =	simm.s32 $0xC100  }
0x5: {  	s13 =	simm.s32 $0xC900;
	s14 =	simm.s32 $0xD100;
	s15 =	simm.s32 $0xD900  }
0x6: {  	s16 =	simm.s32 $0xE100;
	s17 =	simm.s32 $0xE900;
	s18 =	simm.s32 $0xF100  }
0x7: {  	s19 =	simm.s32 $0xF900;
	s20 =	simm.s32 $0x3;
	[smem:$0x7FF] =	sst s1  }
0x8: {  	s2 =	sand.u32 $0x1, s2;
	s3 =	sadd.s32 $0x8C2600, s0;
	s5 =	sshll.u32 s9, $0xD  }
0x9: {  	s6 =	sadd.s32 $0x21200, s0;
	s25 =	sshll.u32 s9, $0x12;
	_ =	strace $0x80000050  }
0xa: {  	s4 =	sshll.u32 s2, $0x11;
	s7 =	ssub.s32 $0x2, s2;
	s2 =	sshll.u32 s2, $0x16  }
0xb: {  	s4 =	sor.u32 s5, s4;
	s21 =	sshrl.u32 s7, $0x1;
	s0 =	sadd.s32 s2, s0  }
0xc: {  	s8 =	sshrl.u32 s4, $0x3;
	s22 =	ssub.s32 s7, s21;
	s24 =	sor.u32 $0x180, s4  }
0xd: {  	s4 =	sor.u32 $0x100, s4;
	s0 =	sadd.s32 s25, s0;
	s21 =	simm.s32 $0x4  }
0xe: {  	s25 =	simm.s32 $0x0;
	s23 =	sadd.s32 s6, s8;
	s2 =	smax.u32 s22, $0x1  }
0xf: {  	s26 =	sshrl.u32 s4, $0x3;
	s0 =	sadd.s32 $0x2A200, s0;
	s4 =	simm.s32 $0xB100  }
.Ltmp0:
0x10: {  	s8 =	simm.s32 $0xB900;
	[dreg:$0x2] =	wrdreg s23;
	(pc) =	sbr.rel .LBB2_1-.Ltmp0, $4  }
0x11: {  	s22 =	simm.s32 $0x5;
	s5 =	sadd.s32 $0x10, s23;
	[dreg:$0x4] =	wrdreg s2  }
0x12: {  	v2 =	vlaneseq.u32;
	s2 =	sshrl.u32 s24, $0x3;
	[dreg:$0x5] =	wrdreg s0;
	s9 =	sadd.s32 s26, s6  }
0x13: {  	vm0 =	vmmov $0xffff;
	v1 =	vshrl.u32 v2, $0x3;
	s0 =	simm.s32 $0x9100;
	[dreg:$0x3] =	wrdreg s5;
	s7 =	sadd.s32 s2, s6  }
0x14: {  	v0 =	vand.u32 $0x7, v2;
	v2 =	vor.u32 $0x8, v2;
	v1 =	vmul.u32 $0x8, v1;
	s2 =	simm.s32 $0x9900;
	s5 =	simm.s32 $0xA100;
	s6 =	simm.s32 $0xA900  }
.LBB2_6:
0x15: {  	_ =	swait.ge [sflag:s22], $0x8000  }
0x16: {  	[sflag:s22] =	ssyncset.done $0x0  }
0x17: {  	s24 =	simm.s32 $0x6;
	[sflag:s22] =	ssyncadd.s32 $0xFFFF8000  }
0x18: {  	_ =	swait.ge [sflag:s24], $0x8000  }
0x19: {  	s25 =	rddreg [dreg:$0x6]  }
0x1a: {  	s23 =	rddreg [dreg:$0x4];
	s25 =	sadd.s32 $0x1, s25  }
0x1b: {  	p0 =	sne.s32 s25, s23  }
.Ltmp1:
0x1c: {  	_ = 	snop;
	(pc) =	sbr.rel @!p0 .LBB2_7-.Ltmp1, $3  }
0x1d: {  	_ =	sdelay $0x1  }
0x1e: {  	[sflag:s24] =	ssyncset.done $0x0  }
0x1f: {  	[sflag:s24] =	ssyncadd.s32 $0xFFFF8000  }
.LBB2_1:
0x20: {  	[dreg:$0x6] =	wrdreg s25  }
0x21: {  	s23 =	rddreg [dreg:$0x2]  }
0x22: {  	[tilespmem:s1], [sflag:$0x1] =	stream.linear.gather [hbm4b:s23+s1], $0x80, $0x38;
	[tilespmem:$0x10100] =	vst v63  }
0x23: {  	s26 =	rddreg [dreg:$0x3];
	s24 =	simm.s32 $0x80  }
0x24: {  	[tilespmem:s24], [sflag:$0x2] =	stream.linear.gather [hbm4b:s26+s1], $0x80, $0x38;
	[tilespmem:$0x10100] =	vst v63  }
0x25: {  	_ =	swait.ge [sflag:s11], $0x80  }
0x26: {  	[sflag:s11] =	ssyncset.done $0x0  }
0x27: {  	[sflag:s11] =	ssyncadd.s32 $0xFFFFFF80  }
0x28: {  	v3 =	vld [tilespmem:$0x0];
	_ =	sdelay $0x4  }
0x29: {  	v4 =	vshll.u32 v3, $0x1  }
0x2a: {  	v3 =	vand.u32 $0x7, v3;
	v4 =	vand.u32 $0xFFFFFFF0, v4  }
0x2b: {  	v3 =	vor.u32 v3, v4  }
0x2c: {  	v4 =	vperm.xlane v3, v0;
	_ =	sdelay $0x1  }
0x2d: {  	v3 =	vperm.xlane v3, v2;
	v4 =	vadd.s32 v1, v4;
	_ =	sdelay $0x1  }
0x2e: {  	v3 =	vadd.s32 v1, v3;
	_ =	sdelay $0x2  }
0x2f: {  	[tilespmem:s12], [sflag:$0x3] =	stream.indirect_vreg.gather [hbm4b:s3+s1], $0x80, v4, vm0, $0xb8;
	[tilespmem:$0x10100] =	vst v63  }
0x30: {  	s25 =	simm.s32 $0x900  }
0x31: {  	[tilespmem:s25], [sflag:$0x3] =	stream.indirect_vreg.gather [hbm4b:s3+s1], $0x80, v3, vm0, $0xb8;
	[tilespmem:$0x10100] =	vst v63  }
0x32: {  	v3 =	vld [tilespmem:$0x10];
	_ =	sdelay $0x4  }
0x33: {  	v57 =	vshll.u32 v3, $0x1  }
0x34: {  	v3 =	vand.u32 $0x7, v3;
	v4 =	vand.u32 $0xFFFFFFF0, v57  }
0x35: {  	v3 =	vor.u32 v3, v4  }
0x36: {  	v4 =	vperm.xlane v3, v0;
	_ =	sdelay $0x1  }
0x37: {  	v3 =	vperm.xlane v3, v2;
	v4 =	vadd.s32 v1, v4;
	_ =	sdelay $0x1  }
0x38: {  	v3 =	vadd.s32 v1, v3;
	_ =	sdelay $0x1  }
0x39: {  	s26 =	simm.s32 $0x1100  }
0x3a: {  	[tilespmem:s26], [sflag:$0x3] =	stream.indirect_vreg.gather [hbm4b:s3+s1], $0x80, v4, vm0, $0xb8;
	[tilespmem:$0x10100] =	vst v63  }
0x3b: {  	s24 =	simm.s32 $0x1900  }
0x3c: {  	[tilespmem:s24], [sflag:$0x3] =	stream.indirect_vreg.gather [hbm4b:s3+s1], $0x80, v3, vm0, $0xb8;
	[tilespmem:$0x10100] =	vst v63  }
0x3d: {  	v3 =	vld [tilespmem:$0x20];
	_ =	sdelay $0x4  }
0x3e: {  	v58 =	vshll.u32 v3, $0x1  }
0x3f: {  	v3 =	vand.u32 $0x7, v3;
	v4 =	vand.u32 $0xFFFFFFF0, v58  }
0x40: {  	v3 =	vor.u32 v3, v4  }
0x41: {  	v4 =	vperm.xlane v3, v0;
	_ =	sdelay $0x1  }
0x42: {  	v3 =	vperm.xlane v3, v2;
	v4 =	vadd.s32 v1, v4;
	_ =	sdelay $0x1  }
0x43: {  	v3 =	vadd.s32 v1, v3;
	_ =	sdelay $0x1  }
0x44: {  	s25 =	simm.s32 $0x2100  }
0x45: {  	[tilespmem:s25], [sflag:$0x3] =	stream.indirect_vreg.gather [hbm4b:s3+s1], $0x80, v4, vm0, $0xb8;
	[tilespmem:$0x10100] =	vst v63  }
0x46: {  	s26 =	simm.s32 $0x2900  }
0x47: {  	[tilespmem:s26], [sflag:$0x3] =	stream.indirect_vreg.gather [hbm4b:s3+s1], $0x80, v3, vm0, $0xb8;
	[tilespmem:$0x10100] =	vst v63  }
0x48: {  	v3 =	vld [tilespmem:$0x30];
	_ =	sdelay $0x4  }
0x49: {  	v59 =	vshll.u32 v3, $0x1  }
0x4a: {  	v3 =	vand.u32 $0x7, v3;
	v4 =	vand.u32 $0xFFFFFFF0, v59  }
0x4b: {  	v3 =	vor.u32 v3, v4  }
0x4c: {  	v4 =	vperm.xlane v3, v0;
	_ =	sdelay $0x1  }
0x4d: {  	v3 =	vperm.xlane v3, v2;
	v4 =	vadd.s32 v1, v4;
	_ =	sdelay $0x1  }
0x4e: {  	v3 =	vadd.s32 v1, v3;
	_ =	sdelay $0x1  }
0x4f: {  	s24 =	simm.s32 $0x3100  }
0x50: {  	[tilespmem:s24], [sflag:$0x3] =	stream.indirect_vreg.gather [hbm4b:s3+s1], $0x80, v4, vm0, $0xb8;
	[tilespmem:$0x10100] =	vst v63  }
0x51: {  	s25 =	simm.s32 $0x3900  }
0x52: {  	[tilespmem:s25], [sflag:$0x3] =	stream.indirect_vreg.gather [hbm4b:s3+s1], $0x80, v3, vm0, $0xb8;
	[tilespmem:$0x10100] =	vst v63  }
0x53: {  	v3 =	vld [tilespmem:$0x40];
	_ =	sdelay $0x4  }
0x54: {  	v60 =	vshll.u32 v3, $0x1  }
0x55: {  	v3 =	vand.u32 $0x7, v3;
	v4 =	vand.u32 $0xFFFFFFF0, v60  }
0x56: {  	v3 =	vor.u32 v3, v4  }
0x57: {  	v4 =	vperm.xlane v3, v0;
	_ =	sdelay $0x1  }
0x58: {  	v3 =	vperm.xlane v3, v2;
	v4 =	vadd.s32 v1, v4;
	_ =	sdelay $0x1  }
0x59: {  	v3 =	vadd.s32 v1, v3;
	_ =	sdelay $0x1  }
0x5a: {  	s26 =	simm.s32 $0x4100  }
0x5b: {  	[tilespmem:s26], [sflag:$0x3] =	stream.indirect_vreg.gather [hbm4b:s3+s1], $0x80, v4, vm0, $0xb8;
	[tilespmem:$0x10100] =	vst v63  }
0x5c: {  	s24 =	simm.s32 $0x4900  }
0x5d: {  	[tilespmem:s24], [sflag:$0x3] =	stream.indirect_vreg.gather [hbm4b:s3+s1], $0x80, v3, vm0, $0xb8;
	[tilespmem:$0x10100] =	vst v63  }
0x5e: {  	v3 =	vld [tilespmem:$0x50];
	_ =	sdelay $0x4  }
0x5f: {  	v61 =	vshll.u32 v3, $0x1  }
0x60: {  	v3 =	vand.u32 $0x7, v3;
	v4 =	vand.u32 $0xFFFFFFF0, v61  }
0x61: {  	v3 =	vor.u32 v3, v4  }
0x62: {  	v4 =	vperm.xlane v3, v0;
	_ =	sdelay $0x1  }
0x63: {  	v3 =	vperm.xlane v3, v2;
	v4 =	vadd.s32 v1, v4;
	_ =	sdelay $0x1  }
0x64: {  	v3 =	vadd.s32 v1, v3;
	_ =	sdelay $0x1  }
0x65: {  	s25 =	simm.s32 $0x5100  }
0x66: {  	[tilespmem:s25], [sflag:$0x3] =	stream.indirect_vreg.gather [hbm4b:s3+s1], $0x80, v4, vm0, $0xb8;
	[tilespmem:$0x10100] =	vst v63  }
0x67: {  	s26 =	simm.s32 $0x5900  }
0x68: {  	[tilespmem:s26], [sflag:$0x3] =	stream.indirect_vreg.gather [hbm4b:s3+s1], $0x80, v3, vm0, $0xb8;
	[tilespmem:$0x10100] =	vst v63  }
0x69: {  	v3 =	vld [tilespmem:$0x60];
	_ =	sdelay $0x4  }
0x6a: {  	v62 =	vshll.u32 v3, $0x1  }
0x6b: {  	v3 =	vand.u32 $0x7, v3;
	v4 =	vand.u32 $0xFFFFFFF0, v62  }
0x6c: {  	v3 =	vor.u32 v3, v4  }
0x6d: {  	v4 =	vperm.xlane v3, v0;
	_ =	sdelay $0x1  }
0x6e: {  	v3 =	vperm.xlane v3, v2;
	v4 =	vadd.s32 v1, v4;
	_ =	sdelay $0x1  }
0x6f: {  	v3 =	vadd.s32 v1, v3;
	_ =	sdelay $0x1  }
0x70: {  	s24 =	simm.s32 $0x6100  }
0x71: {  	[tilespmem:s24], [sflag:$0x3] =	stream.indirect_vreg.gather [hbm4b:s3+s1], $0x80, v4, vm0, $0xb8;
	[tilespmem:$0x10100] =	vst v63  }
0x72: {  	s25 =	simm.s32 $0x6900  }
0x73: {  	[tilespmem:s25], [sflag:$0x3] =	stream.indirect_vreg.gather [hbm4b:s3+s1], $0x80, v3, vm0, $0xb8;
	[tilespmem:$0x10100] =	vst v63  }
0x74: {  	v3 =	vld [tilespmem:$0x70];
	_ =	sdelay $0x4  }
0x75: {  	v63 =	vshll.u32 v3, $0x1  }
0x76: {  	v3 =	vand.u32 $0x7, v3;
	v4 =	vand.u32 $0xFFFFFFF0, v63  }
0x77: {  	v3 =	vor.u32 v3, v4  }
0x78: {  	v4 =	vperm.xlane v3, v0;
	_ =	sdelay $0x1  }
0x79: {  	v3 =	vperm.xlane v3, v2;
	v4 =	vadd.s32 v1, v4;
	_ =	sdelay $0x1  }
0x7a: {  	v3 =	vadd.s32 v1, v3  }
.Ltmp2:
0x7b: {  	_ = 	snop;
	(pc) =	sbr.rel .LBB2_2-.Ltmp2, $4  }
0x7c: {  	s26 =	simm.s32 $0x7100  }
0x7d: {  	[tilespmem:s26], [sflag:$0x3] =	stream.indirect_vreg.gather [hbm4b:s3+s1], $0x80, v4, vm0, $0xb8;
	[tilespmem:$0x10100] =	vst v63  }
0x7e: {  	s23 =	rddreg [dreg:$0x5];
	s24 =	simm.s32 $0x0  }
0x7f: {  	[tilespmem:s28], [sflag:$0x3] =	stream.indirect_vreg.gather [hbm4b:s3+s1], $0x80, v3, vm0, $0xb8;
	[tilespmem:$0x10100] =	vst v63  }
.LBB2_4:
0x80: {  	_ =	swait.ge [sflag:s11], $0x80  }
0x81: {  	[sflag:s11] =	ssyncset.done $0x0  }
0x82: {  	[sflag:s11] =	ssyncadd.s32 $0xFFFFFF80  }
0x83: {  	_ =	swait.ge [sflag:s22], $0x8000  }
0x84: {  	[sflag:s22] =	ssyncset.done $0x0  }
0x85: {  	[sflag:s22] =	ssyncadd.s32 $0xFFFF8000  }
0x86: {  	v3 =	vld [tilespmem:$0x0];
	_ =	sdelay $0x4  }
0x87: {  	v4 =	vshll.u32 v3, $0x1  }
0x88: {  	v3 =	vand.u32 $0x7, v3;
	v4 =	vand.u32 $0xFFFFFFF0, v4  }
0x89: {  	v3 =	vor.u32 v3, v4  }
0x8a: {  	v4 =	vperm.xlane v3, v0;
	_ =	sdelay $0x1  }
0x8b: {  	v3 =	vperm.xlane v3, v2;
	v4 =	vadd.s32 v1, v4;
	_ =	sdelay $0x1  }
0x8c: {  	v3 =	vadd.s32 v1, v3;
	_ =	sdelay $0x2  }
0x8d: {  	[tilespmem:s12], [sflag:$0x3] =	stream.indirect_vreg.gather [hbm4b:s3+s1], $0x80, v4, vm0, $0xb8;
	[tilespmem:$0x10100] =	vst v63  }
0x8e: {  	s25 =	simm.s32 $0x900  }
0x8f: {  	[tilespmem:s25], [sflag:$0x3] =	stream.indirect_vreg.gather [hbm4b:s3+s1], $0x80, v3, vm0, $0xb8;
	[tilespmem:$0x10100] =	vst v63  }
0x90: {  	v3 =	vld [tilespmem:$0x10];
	_ =	sdelay $0x4  }
0x91: {  	v57 =	vshll.u32 v3, $0x1  }
0x92: {  	v3 =	vand.u32 $0x7, v3;
	v4 =	vand.u32 $0xFFFFFFF0, v57  }
0x93: {  	v3 =	vor.u32 v3, v4  }
0x94: {  	v4 =	vperm.xlane v3, v0;
	_ =	sdelay $0x1  }
0x95: {  	v3 =	vperm.xlane v3, v2;
	v4 =	vadd.s32 v1, v4;
	_ =	sdelay $0x1  }
0x96: {  	v3 =	vadd.s32 v1, v3;
	_ =	sdelay $0x1  }
0x97: {  	s26 =	simm.s32 $0x1100  }
0x98: {  	[tilespmem:s26], [sflag:$0x3] =	stream.indirect_vreg.gather [hbm4b:s3+s1], $0x80, v4, vm0, $0xb8;
	[tilespmem:$0x10100] =	vst v63  }
0x99: {  	s26 =	simm.s32 $0x1900  }
0x9a: {  	[tilespmem:s26], [sflag:$0x3] =	stream.indirect_vreg.gather [hbm4b:s3+s1], $0x80, v3, vm0, $0xb8;
	[tilespmem:$0x10100] =	vst v63  }
0x9b: {  	v3 =	vld [tilespmem:$0x20];
	_ =	sdelay $0x4  }
0x9c: {  	v58 =	vshll.u32 v3, $0x1  }
0x9d: {  	v3 =	vand.u32 $0x7, v3;
	v4 =	vand.u32 $0xFFFFFFF0, v58  }
0x9e: {  	v3 =	vor.u32 v3, v4  }
0x9f: {  	v4 =	vperm.xlane v3, v0;
	_ =	sdelay $0x1  }
0xa0: {  	v3 =	vperm.xlane v3, v2;
	v4 =	vadd.s32 v1, v4;
	_ =	sdelay $0x1  }
0xa1: {  	v3 =	vadd.s32 v1, v3;
	_ =	sdelay $0x1  }
0xa2: {  	s26 =	simm.s32 $0x2100  }
0xa3: {  	[tilespmem:s26], [sflag:$0x3] =	stream.indirect_vreg.gather [hbm4b:s3+s1], $0x80, v4, vm0, $0xb8;
	[tilespmem:$0x10100] =	vst v63  }
0xa4: {  	s26 =	simm.s32 $0x2900  }
0xa5: {  	[tilespmem:s26], [sflag:$0x3] =	stream.indirect_vreg.gather [hbm4b:s3+s1], $0x80, v3, vm0, $0xb8;
	[tilespmem:$0x10100] =	vst v63  }
0xa6: {  	v3 =	vld [tilespmem:$0x30];
	_ =	sdelay $0x4  }
0xa7: {  	v59 =	vshll.u32 v3, $0x1  }
0xa8: {  	v3 =	vand.u32 $0x7, v3;
	v4 =	vand.u32 $0xFFFFFFF0, v59  }
0xa9: {  	v3 =	vor.u32 v3, v4  }
0xaa: {  	v4 =	vperm.xlane v3, v0;
	_ =	sdelay $0x1  }
0xab: {  	v3 =	vperm.xlane v3, v2;
	v4 =	vadd.s32 v1, v4;
	_ =	sdelay $0x1  }
0xac: {  	v3 =	vadd.s32 v1, v3;
	_ =	sdelay $0x1  }
0xad: {  	s26 =	simm.s32 $0x3100  }
0xae: {  	[tilespmem:s26], [sflag:$0x3] =	stream.indirect_vreg.gather [hbm4b:s3+s1], $0x80, v4, vm0, $0xb8;
	[tilespmem:$0x10100] =	vst v63  }
0xaf: {  	s26 =	simm.s32 $0x3900  }
0xb0: {  	[tilespmem:s26], [sflag:$0x3] =	stream.indirect_vreg.gather [hbm4b:s3+s1], $0x80, v3, vm0, $0xb8;
	[tilespmem:$0x10100] =	vst v63  }
0xb1: {  	v3 =	vld [tilespmem:$0x40];
	_ =	sdelay $0x4  }
0xb2: {  	v60 =	vshll.u32 v3, $0x1  }
0xb3: {  	v3 =	vand.u32 $0x7, v3;
	v4 =	vand.u32 $0xFFFFFFF0, v60  }
0xb4: {  	v3 =	vor.u32 v3, v4  }
0xb5: {  	v4 =	vperm.xlane v3, v0;
	_ =	sdelay $0x1  }
0xb6: {  	v3 =	vperm.xlane v3, v2;
	v4 =	vadd.s32 v1, v4;
	_ =	sdelay $0x1  }
0xb7: {  	v3 =	vadd.s32 v1, v3;
	_ =	sdelay $0x1  }
0xb8: {  	s26 =	simm.s32 $0x4100  }
0xb9: {  	[tilespmem:s26], [sflag:$0x3] =	stream.indirect_vreg.gather [hbm4b:s3+s1], $0x80, v4, vm0, $0xb8;
	[tilespmem:$0x10100] =	vst v63  }
0xba: {  	s26 =	simm.s32 $0x4900  }
0xbb: {  	[tilespmem:s26], [sflag:$0x3] =	stream.indirect_vreg.gather [hbm4b:s3+s1], $0x80, v3, vm0, $0xb8;
	[tilespmem:$0x10100] =	vst v63  }
0xbc: {  	v3 =	vld [tilespmem:$0x50];
	_ =	sdelay $0x4  }
0xbd: {  	v61 =	vshll.u32 v3, $0x1  }
0xbe: {  	v3 =	vand.u32 $0x7, v3;
	v4 =	vand.u32 $0xFFFFFFF0, v61  }
0xbf: {  	v3 =	vor.u32 v3, v4  }
0xc0: {  	v4 =	vperm.xlane v3, v0;
	_ =	sdelay $0x1  }
0xc1: {  	v3 =	vperm.xlane v3, v2;
	v4 =	vadd.s32 v1, v4;
	_ =	sdelay $0x1  }
0xc2: {  	v3 =	vadd.s32 v1, v3;
	_ =	sdelay $0x1  }
0xc3: {  	s26 =	simm.s32 $0x5100  }
0xc4: {  	[tilespmem:s26], [sflag:$0x3] =	stream.indirect_vreg.gather [hbm4b:s3+s1], $0x80, v4, vm0, $0xb8;
	[tilespmem:$0x10100] =	vst v63  }
0xc5: {  	s26 =	simm.s32 $0x5900  }
0xc6: {  	[tilespmem:s26], [sflag:$0x3] =	stream.indirect_vreg.gather [hbm4b:s3+s1], $0x80, v3, vm0, $0xb8;
	[tilespmem:$0x10100] =	vst v63  }
0xc7: {  	v3 =	vld [tilespmem:$0x60];
	_ =	sdelay $0x4  }
0xc8: {  	v62 =	vshll.u32 v3, $0x1  }
0xc9: {  	v3 =	vand.u32 $0x7, v3;
	v4 =	vand.u32 $0xFFFFFFF0, v62  }
0xca: {  	v3 =	vor.u32 v3, v4  }
0xcb: {  	v4 =	vperm.xlane v3, v0;
	_ =	sdelay $0x1  }
0xcc: {  	v3 =	vperm.xlane v3, v2;
	v4 =	vadd.s32 v1, v4;
	_ =	sdelay $0x1  }
0xcd: {  	v3 =	vadd.s32 v1, v3;
	_ =	sdelay $0x1  }
0xce: {  	s26 =	simm.s32 $0x6100  }
0xcf: {  	[tilespmem:s26], [sflag:$0x3] =	stream.indirect_vreg.gather [hbm4b:s3+s1], $0x80, v4, vm0, $0xb8;
	[tilespmem:$0x10100] =	vst v63  }
0xd0: {  	s26 =	simm.s32 $0x6900  }
0xd1: {  	[tilespmem:s26], [sflag:$0x3] =	stream.indirect_vreg.gather [hbm4b:s3+s1], $0x80, v3, vm0, $0xb8;
	[tilespmem:$0x10100] =	vst v63  }
0xd2: {  	v3 =	vld [tilespmem:$0x70];
	_ =	sdelay $0x4  }
0xd3: {  	v63 =	vshll.u32 v3, $0x1  }
0xd4: {  	v3 =	vand.u32 $0x7, v3;
	v4 =	vand.u32 $0xFFFFFFF0, v63  }
0xd5: {  	v3 =	vor.u32 v3, v4  }
0xd6: {  	v4 =	vperm.xlane v3, v0;
	_ =	sdelay $0x1  }
0xd7: {  	v3 =	vperm.xlane v3, v2;
	v4 =	vadd.s32 v1, v4;
	_ =	sdelay $0x1  }
0xd8: {  	v3 =	vadd.s32 v1, v3;
	_ =	sdelay $0x1  }
0xd9: {  	s26 =	simm.s32 $0x7100  }
0xda: {  	[tilespmem:s26], [sflag:$0x3] =	stream.indirect_vreg.gather [hbm4b:s3+s1], $0x80, v4, vm0, $0xb8;
	[tilespmem:$0x10100] =	vst v63  }
0xdb: {  	_ = 	snop  }
0xdc: {  	[tilespmem:s28], [sflag:$0x3] =	stream.indirect_vreg.gather [hbm4b:s3+s1], $0x80, v3, vm0, $0xb8;
	[tilespmem:$0x10100] =	vst v63  }
0xdd: {  	_ =	swait.ge [sflag:s21], $0x8000  }
0xde: {  	[sflag:s21] =	ssyncset.done $0x0  }
0xdf: {  	s25 =	sadd.s32 s24, s7;
	s26 =	simm.s32 $0x80;
	[sflag:s21] =	ssyncadd.s32 $0xFFFF8000  }
0xe0: {  	[tilespmem:s26], [sflag:$0x2] =	stream.linear.gather [hbm4b:s25+s1], $0x80, $0x38;
	[tilespmem:$0x10100] =	vst v63  }
.LBB2_5:
0xe1: {  	s24 =	sadd.s32 $0x20, s24  }
0xe2: {  	p0 =	sne.s32 s24, $0x400  }
.Ltmp3:
0xe3: {  	_ = 	snop;
	(pc) =	sbr.rel @!p0 .LBB2_6-.Ltmp3, $3  }
0xe4: {  	_ =	sdelay $0x1  }
0xe5: {  	[hbm4b:s23+s1] =	stream.linear.scatter [tilespmem:s30], [sflag:$0x6], $0x8000, $0x38;
	[tilespmem:$0x10100] =	vst v63  }
0xe6: {  	s23 =	sadd.s32 $0x2000, s23  }
.LBB2_2:
0xe7: {  	_ =	swait.ge [sflag:s29], $0x80  }
0xe8: {  	p0 =	seq.s32 s24, $0x0;
	[sflag:s29] =	ssyncset.done $0x0  }
0xe9: {  	s25 =	simm.s32 @!p0 $0x6;
	[sflag:s29] =	ssyncadd.s32 $0xFFFFFF80  }
0xea: {  	_ =	swait.ge @!p0 [sflag:s25], $0x8000  }
0xeb: {  	[sflag:s25] =	ssyncset.done @!p0 $0x0  }
0xec: {  	[sflag:s25] =	ssyncadd.s32 @!p0 $0xFFFF8000  }
0xed: {  	v3 =	vld [tilespmem:$0x80];
	_ =	sdelay $0x4  }
0xee: {  	v4 =	vshll.u32 v3, $0x1  }
0xef: {  	v3 =	vand.u32 $0x7, v3;
	v4 =	vand.u32 $0xFFFFFFF0, v4  }
0xf0: {  	v3 =	vor.u32 v3, v4  }
0xf1: {  	v4 =	vperm.xlane v3, v0;
	_ =	sdelay $0x1  }
0xf2: {  	v3 =	vperm.xlane v3, v2;
	v4 =	vadd.s32 v1, v4;
	_ =	sdelay $0x1  }
0xf3: {  	v3 =	vadd.s32 v1, v3;
	_ =	sdelay $0x2  }
0xf4: {  	[tilespmem:s30], [sflag:$0x4] =	stream.indirect_vreg.gather [hbm4b:s3+s1], $0x80, v4, vm0, $0xb8;
	[tilespmem:$0x10100] =	vst v63  }
0xf5: {  	_ = 	snop  }
0xf6: {  	[tilespmem:s31], [sflag:$0x4] =	stream.indirect_vreg.gather [hbm4b:s3+s1], $0x80, v3, vm0, $0xb8;
	[tilespmem:$0x10100] =	vst v63  }
0xf7: {  	v3 =	vld [tilespmem:$0x90];
	_ =	sdelay $0x4  }
0xf8: {  	v57 =	vshll.u32 v3, $0x1  }
0xf9: {  	v3 =	vand.u32 $0x7, v3;
	v4 =	vand.u32 $0xFFFFFFF0, v57  }
0xfa: {  	v3 =	vor.u32 v3, v4  }
0xfb: {  	v4 =	vperm.xlane v3, v0;
	_ =	sdelay $0x1  }
0xfc: {  	v3 =	vperm.xlane v3, v2;
	v4 =	vadd.s32 v1, v4;
	_ =	sdelay $0x1  }
0xfd: {  	v3 =	vadd.s32 v1, v3;
	_ =	sdelay $0x2  }
0xfe: {  	[tilespmem:s0], [sflag:$0x4] =	stream.indirect_vreg.gather [hbm4b:s3+s1], $0x80, v4, vm0, $0xb8;
	[tilespmem:$0x10100] =	vst v63  }
0xff: {  	_ = 	snop  }
0x100: {  	[tilespmem:s2], [sflag:$0x4] =	stream.indirect_vreg.gather [hbm4b:s3+s1], $0x80, v3, vm0, $0xb8;
	[tilespmem:$0x10100] =	vst v63  }
0x101: {  	v3 =	vld [tilespmem:$0xA0];
	_ =	sdelay $0x4  }
0x102: {  	v58 =	vshll.u32 v3, $0x1  }
0x103: {  	v3 =	vand.u32 $0x7, v3;
	v4 =	vand.u32 $0xFFFFFFF0, v58  }
0x104: {  	v3 =	vor.u32 v3, v4  }
0x105: {  	v4 =	vperm.xlane v3, v0;
	_ =	sdelay $0x1  }
0x106: {  	v3 =	vperm.xlane v3, v2;
	v4 =	vadd.s32 v1, v4;
	_ =	sdelay $0x1  }
0x107: {  	v3 =	vadd.s32 v1, v3;
	_ =	sdelay $0x2  }
0x108: {  	[tilespmem:s5], [sflag:$0x4] =	stream.indirect_vreg.gather [hbm4b:s3+s1], $0x80, v4, vm0, $0xb8;
	[tilespmem:$0x10100] =	vst v63  }
0x109: {  	_ = 	snop  }
0x10a: {  	[tilespmem:s6], [sflag:$0x4] =	stream.indirect_vreg.gather [hbm4b:s3+s1], $0x80, v3, vm0, $0xb8;
	[tilespmem:$0x10100] =	vst v63  }
0x10b: {  	v3 =	vld [tilespmem:$0xB0];
	_ =	sdelay $0x4  }
0x10c: {  	v59 =	vshll.u32 v3, $0x1  }
0x10d: {  	v3 =	vand.u32 $0x7, v3;
	v4 =	vand.u32 $0xFFFFFFF0, v59  }
0x10e: {  	v3 =	vor.u32 v3, v4  }
0x10f: {  	v4 =	vperm.xlane v3, v0;
	_ =	sdelay $0x1  }
0x110: {  	v3 =	vperm.xlane v3, v2;
	v4 =	vadd.s32 v1, v4;
	_ =	sdelay $0x1  }
0x111: {  	v3 =	vadd.s32 v1, v3;
	_ =	sdelay $0x2  }
0x112: {  	[tilespmem:s4], [sflag:$0x4] =	stream.indirect_vreg.gather [hbm4b:s3+s1], $0x80, v4, vm0, $0xb8;
	[tilespmem:$0x10100] =	vst v63  }
0x113: {  	_ = 	snop  }
0x114: {  	[tilespmem:s8], [sflag:$0x4] =	stream.indirect_vreg.gather [hbm4b:s3+s1], $0x80, v3, vm0, $0xb8;
	[tilespmem:$0x10100] =	vst v63  }
0x115: {  	v3 =	vld [tilespmem:$0xC0];
	_ =	sdelay $0x4  }
0x116: {  	v60 =	vshll.u32 v3, $0x1  }
0x117: {  	v3 =	vand.u32 $0x7, v3;
	v4 =	vand.u32 $0xFFFFFFF0, v60  }
0x118: {  	v3 =	vor.u32 v3, v4  }
0x119: {  	v4 =	vperm.xlane v3, v0;
	_ =	sdelay $0x1  }
0x11a: {  	v3 =	vperm.xlane v3, v2;
	v4 =	vadd.s32 v1, v4;
	_ =	sdelay $0x1  }
0x11b: {  	v3 =	vadd.s32 v1, v3;
	_ =	sdelay $0x2  }
0x11c: {  	[tilespmem:s10], [sflag:$0x4] =	stream.indirect_vreg.gather [hbm4b:s3+s1], $0x80, v4, vm0, $0xb8;
	[tilespmem:$0x10100] =	vst v63  }
0x11d: {  	_ = 	snop  }
0x11e: {  	[tilespmem:s13], [sflag:$0x4] =	stream.indirect_vreg.gather [hbm4b:s3+s1], $0x80, v3, vm0, $0xb8;
	[tilespmem:$0x10100] =	vst v63  }
0x11f: {  	v3 =	vld [tilespmem:$0xD0];
	_ =	sdelay $0x4  }
0x120: {  	v61 =	vshll.u32 v3, $0x1  }
0x121: {  	v3 =	vand.u32 $0x7, v3;
	v4 =	vand.u32 $0xFFFFFFF0, v61  }
0x122: {  	v3 =	vor.u32 v3, v4  }
0x123: {  	v4 =	vperm.xlane v3, v0;
	_ =	sdelay $0x1  }
0x124: {  	v3 =	vperm.xlane v3, v2;
	v4 =	vadd.s32 v1, v4;
	_ =	sdelay $0x1  }
0x125: {  	v3 =	vadd.s32 v1, v3;
	_ =	sdelay $0x2  }
0x126: {  	[tilespmem:s14], [sflag:$0x4] =	stream.indirect_vreg.gather [hbm4b:s3+s1], $0x80, v4, vm0, $0xb8;
	[tilespmem:$0x10100] =	vst v63  }
0x127: {  	_ = 	snop  }
0x128: {  	[tilespmem:s15], [sflag:$0x4] =	stream.indirect_vreg.gather [hbm4b:s3+s1], $0x80, v3, vm0, $0xb8;
	[tilespmem:$0x10100] =	vst v63  }
0x129: {  	v3 =	vld [tilespmem:$0xE0];
	_ =	sdelay $0x4  }
0x12a: {  	v62 =	vshll.u32 v3, $0x1  }
0x12b: {  	v3 =	vand.u32 $0x7, v3;
	v4 =	vand.u32 $0xFFFFFFF0, v62  }
0x12c: {  	v3 =	vor.u32 v3, v4  }
0x12d: {  	v4 =	vperm.xlane v3, v0;
	_ =	sdelay $0x1  }
0x12e: {  	v3 =	vperm.xlane v3, v2;
	v4 =	vadd.s32 v1, v4;
	_ =	sdelay $0x1  }
0x12f: {  	v3 =	vadd.s32 v1, v3;
	_ =	sdelay $0x2  }
0x130: {  	[tilespmem:s16], [sflag:$0x4] =	stream.indirect_vreg.gather [hbm4b:s3+s1], $0x80, v4, vm0, $0xb8;
	[tilespmem:$0x10100] =	vst v63  }
0x131: {  	_ = 	snop  }
0x132: {  	[tilespmem:s17], [sflag:$0x4] =	stream.indirect_vreg.gather [hbm4b:s3+s1], $0x80, v3, vm0, $0xb8;
	[tilespmem:$0x10100] =	vst v63  }
0x133: {  	v3 =	vld [tilespmem:$0xF0];
	_ =	sdelay $0x4  }
0x134: {  	v63 =	vshll.u32 v3, $0x1  }
0x135: {  	v3 =	vand.u32 $0x7, v3;
	v4 =	vand.u32 $0xFFFFFFF0, v63  }
0x136: {  	v3 =	vor.u32 v3, v4  }
0x137: {  	v4 =	vperm.xlane v3, v0;
	_ =	sdelay $0x1  }
0x138: {  	v3 =	vperm.xlane v3, v2;
	v4 =	vadd.s32 v1, v4;
	_ =	sdelay $0x1  }
0x139: {  	v3 =	vadd.s32 v1, v3;
	_ =	sdelay $0x2  }
0x13a: {  	[tilespmem:s18], [sflag:$0x4] =	stream.indirect_vreg.gather [hbm4b:s3+s1], $0x80, v4, vm0, $0xb8;
	[tilespmem:$0x10100] =	vst v63  }
0x13b: {  	_ = 	snop  }
0x13c: {  	[tilespmem:s19], [sflag:$0x4] =	stream.indirect_vreg.gather [hbm4b:s3+s1], $0x80, v3, vm0, $0xb8;
	[tilespmem:$0x10100] =	vst v63  }
0x13d: {  	_ =	swait.ge [sflag:s20], $0x8000  }
0x13e: {  	p0 =	seq.s32 s24, $0x3E0;
	[sflag:s20] =	ssyncset.done $0x0  }
0x13f: {  	s25 =	sadd.s32 @!p0 s24, s9;
	s26 =	simm.s32 @!p0 $0x0;
	[sflag:s20] =	ssyncadd.s32 $0xFFFF8000  }
0x140: {  	[tilespmem:s26], [sflag:$0x1] =	stream.linear.gather @!p0 [hbm4b:s25+s26], $0x80, $0x38;
	[tilespmem:$0x10100] =	vst v63  }
0x141: {  	p0 =	sne.s32 s24, $0x3E0  }
.Ltmp4:
0x142: {  	_ = 	snop;
	(pc) =	sbr.rel @p0 .LBB2_4-.Ltmp4, $3  }
0x143: {  	_ =	sdelay $0x1  }
0x144: {  	s26 =	sadd.s32 $0xFFFFF000, s23  }
0x145: {  	[hbm4b:s26+s1] =	stream.linear.scatter [tilespmem:s12], [sflag:$0x5], $0x8000, $0x38;
	[tilespmem:$0x10100] =	vst v63  }
.Ltmp5:
0x146: {  	(pc) =	sbr.rel .LBB2_5-.Ltmp5, $4  }
0x147: {  	_ = 	snop  }
0x148: {  	_ =	swait.ge [sflag:s21], $0x8000  }
0x149: {  	[sflag:s21] =	ssyncset.done $0x0  }
0x14a: {  	[sflag:s21] =	ssyncadd.s32 $0xFFFF8000  }
.LBB2_7:
0x14b: {  	_ =	sfence.sel $0x180000  }
0x14c: {  	[bflag:$0x0] =	sbarrier.arrive $0xFFFF  }
0x14d: {  	_ =	strace $0x90000050  }
0x14e: {  	s0 =	stileid.u32;
	[bflag:$0x2] =	sbarrier.arrive $0xFFFF  }
0x14f: {  	p0 =	sne.s32 s0, $0x0;
	s0 =	rddreg [dreg:$0x1]  }
0x150: {  	s0 =	sadd.s32 @!p0 $0x100000, s0  }
0x151: {  	[sflag:s0] =	ssyncadd.tile.s32 @!p0 $0x1;
	_ =	shalt  }
.Lfunc_end2:
_tile_overlayer_lowered:
.L_overlay_start_2:
0x152: {  	(tag) =	ssettag $0x2  }
0x153: {  	s0 =	rddreg [dreg:$0x0];
	s2 =	stileid.u32  }
0x154: {  	s1 =	rddreg [dreg:$0x1];
	p0 =	sne.s32 s2, $0x0  }
0x155: {  	s3 =	rddreg [dreg:$0x2];
	[bflag:$0x3] =	sbarrier.arrive $0xFFFF;
	s2 =	simm.s32 @!p0 $0x1C07  }
0x156: {  	[timem:s3], [sflag:s2] =	dma.local @!p0 [hbm:s0], s1  }
0x157: {  	s0 =	simm.s32 @!p0 $0x7  }
0x158: {  	_ =	swait.ge @!p0 [sflag:s0], s1  }
0x159: {  	s1 =	ssub.s32 @!p0 $0x0, s1;
	[sflag:s0] =	ssyncset.done @!p0 $0x0  }
0x15a: {  	[sflag:s0] =	ssyncadd.s32 @!p0 s1  }
0x15b: {  	[bflag:$0x3] =	sbarrier.arrive $0xFFFF  }
0x15c: {  	_ =	shalt  }

</sc_bundles>
